<compile_context>
chip_gen: v7x
topology: tpu7x:2x2x1
jax: 0.10.2.dev20260603
libtpu: 0.0.44.dev20260713+nightly
codegen_flags: <defaults>
</compile_context>

<pallas_src>
import functools

import jax
import jax.numpy as jnp
from jax import lax
from jax.experimental import pallas as pl
from jax.experimental.pallas import tpu as pltpu
from jax.experimental.pallas import tpu_sc as plsc

N = 10000
E = 320000
D = 128
DE = 16
HE = 16
OUT = 128

NC = 2
NS = 16
NW = NC * NS

EPT = E // NW
CHUNK = 80
NCH = EPT // CHUNK
NP = 10240
ROWS_PER_SUB = NP // NS


def _gelu(h):
    return 0.5 * h * (1.0 + lax.erf(h * (2.0 ** -0.5)))


E8 = E // 8
EMLP_BLK = 2000


def _emlp_body(ef_ref, w1_ref, b1_ref, w2_ref, b2_ref, wp_ref, bp_ref, o_ref):
    h = jnp.dot(ef_ref[...], w1_ref[...], preferred_element_type=jnp.float32)
    h = _gelu(h + b1_ref[...])
    ep = jnp.dot(h.astype(jnp.bfloat16), w2_ref[...],
                 preferred_element_type=jnp.float32) + b2_ref[...]
    y = (jnp.dot(ep.astype(jnp.bfloat16), wp_ref[...],
                 preferred_element_type=jnp.float32)
         + bp_ref[...])
    o_ref[...] = y.reshape(EMLP_BLK * 8, 128)


def _edge_mlp(ef8, w1b, b1t, w2b, b2t, wpb, bpt):
    return pl.pallas_call(
        _emlp_body,
        grid=(E8 // EMLP_BLK,),
        in_specs=[
            pl.BlockSpec((EMLP_BLK, 128), lambda i: (i, 0)),
            pl.BlockSpec((128, 128), lambda i: (0, 0)),
            pl.BlockSpec((1, 128), lambda i: (0, 0)),
            pl.BlockSpec((128, 128), lambda i: (0, 0)),
            pl.BlockSpec((1, 128), lambda i: (0, 0)),
            pl.BlockSpec((128, 1024), lambda i: (0, 0)),
            pl.BlockSpec((1, 1024), lambda i: (0, 0)),
        ],
        out_specs=pl.BlockSpec((EMLP_BLK * 8, 128), lambda i: (i, 0)),
        out_shape=jax.ShapeDtypeStruct((E, 128), jnp.float32),
    )(ef8, w1b, b1t, w2b, b2t, wpb, bpt)


def _xw_body(x_ref, wm1x_ref, o_ref):
    o_ref[...] = lax.dot_general(x_ref[...], wm1x_ref[...],
                                 (((1,), (1,)), ((), ())),
                                 preferred_element_type=jnp.float32)


def _xw(x, Wm1x):
    return pl.pallas_call(
        _xw_body,
        out_shape=jax.ShapeDtypeStruct((N, 128), jnp.float32),
    )(x, Wm1x)


NSEG = 5
G = NCH // NSEG


def _sc_body(
    xw_hbm, ei5_hbm, ye_hbm, zx_hbm,
    acc_out,
    acc_sh, src_t, dst_t, rows0, rows1, yrows0, yrows1,
    semg0, semg1, semy0, semy1,
):
    c = lax.axis_index("c")
    s = lax.axis_index("s")
    wid = c * NS + s
    ebase = wid * EPT

    rbase = s * ROWS_PER_SUB

    def zstep(j, carry):
        rb = rbase + j * CHUNK
        pltpu.sync_copy(zx_hbm.at[pl.ds(rb, CHUNK)], rows0)
        pltpu.sync_copy(rows0, acc_sh.at[pl.ds(rb, CHUNK)])
        return carry

    lax.fori_loop(0, ROWS_PER_SUB // CHUNK, zstep, 0)
    plsc.subcore_barrier()

    def make_ops(sg):
        sbase = ebase + sg * G * CHUNK

        def start(i, rows_b, yrows_b, semg, semy):
            pltpu.async_copy(xw_hbm.at[src_t.at[i]], rows_b, semg)
            pltpu.async_copy(ye_hbm.at[pl.ds(sbase + i * CHUNK, CHUNK)],
                             yrows_b, semy)

        def finish(i, rows_b, yrows_b, semg, semy):
            pltpu.make_async_copy(xw_hbm.at[src_t.at[i]], rows_b, semg).wait()
            pltpu.make_async_copy(
                ye_hbm.at[pl.ds(sbase + i * CHUNK, CHUNK)], yrows_b, semy
            ).wait()
            sc2 = pltpu.async_copy(yrows_b, acc_sh.at[dst_t.at[i]], semy,
                                   add=True)
            pltpu.sync_copy(rows_b, acc_sh.at[dst_t.at[i]], add=True)
            sc2.wait()

        return start, finish

    for sg in range(NSEG):
        pltpu.sync_copy(ei5_hbm.at[0, wid, sg], src_t)
        pltpu.sync_copy(ei5_hbm.at[1, wid, sg], dst_t)
        start, finish = make_ops(sg)
        start(0, rows0, yrows0, semg0, semy0)

        def pair(j, carry, start=start, finish=finish):
            i0 = 2 * j
            start(i0 + 1, rows1, yrows1, semg1, semy1)
            finish(i0, rows0, yrows0, semg0, semy0)
            start(i0 + 2, rows0, yrows0, semg0, semy0)
            finish(i0 + 1, rows1, yrows1, semg1, semy1)
            return carry

        lax.fori_loop(0, (G - 1) // 2, pair, 0)
        finish(G - 1, rows0, yrows0, semg0, semy0)

    plsc.subcore_barrier()

    obase = c * NP + rbase

    def wstep(j, carry):
        rb = rbase + j * CHUNK
        ob = obase + j * CHUNK
        pltpu.sync_copy(acc_sh.at[pl.ds(rb, CHUNK)], rows0)
        pltpu.sync_copy(rows0, acc_out.at[pl.ds(ob, CHUNK)])
        return carry

    lax.fori_loop(0, ROWS_PER_SUB // CHUNK, wstep, 0)


def _sc_scatter(xw, ei5, ye, zx):
    mesh = plsc.VectorSubcoreMesh(core_axis_name="c", subcore_axis_name="s")
    f = functools.partial(
        pl.kernel,
        out_type=jax.ShapeDtypeStruct((NC * NP, 128), jnp.float32),
        mesh=mesh,
        scratch_types=[
            pltpu.VMEM_SHARED((NP, 128), jnp.float32),
            pltpu.VMEM((G, CHUNK), jnp.int32),
            pltpu.VMEM((G, CHUNK), jnp.int32),
            pltpu.VMEM((CHUNK, 128), jnp.float32),
            pltpu.VMEM((CHUNK, 128), jnp.float32),
            pltpu.VMEM((CHUNK, 128), jnp.float32),
            pltpu.VMEM((CHUNK, 128), jnp.float32),
            pltpu.SemaphoreType.DMA,
            pltpu.SemaphoreType.DMA,
            pltpu.SemaphoreType.DMA,
            pltpu.SemaphoreType.DMA,
        ],
    )(_sc_body)
    return f(xw, ei5, ye, zx)


def _tail_body(x_ref, acc_ref, wego_ref, eps_ref, wm1_ref, bm1_ref,
               g_ref, bb_ref, wm2_ref, bm2_ref, o_ref):
    x = x_ref[...]
    acc = acc_ref[:N, :] + acc_ref[NP:NP + N, :]
    wcombo = jnp.dot(wm1_ref[...], wego_ref[...],
                     preferred_element_type=jnp.float32)
    scale = 1.0 + eps_ref[0, 0]
    h1 = (
        scale * lax.dot_general(x, wcombo, (((1,), (1,)), ((), ())),
                                preferred_element_type=jnp.float32)
        + acc
        + bm1_ref[...]
    )
    mean = jnp.mean(h1, axis=0, keepdims=True)
    var = jnp.mean((h1 - mean) ** 2, axis=0, keepdims=True)
    h1 = (h1 - mean) / jnp.sqrt(var + 1e-5) * g_ref[...] + bb_ref[...]
    h1 = _gelu(h1)
    o_ref[...] = (
        lax.dot_general(h1, wm2_ref[...], (((1,), (1,)), ((), ())),
                        preferred_element_type=jnp.float32)
        + bm2_ref[...]
    )


def _tail(x, acc, Wego, eps, Wm1, bm1, bn_g, bn_b, Wm2, bm2):
    return pl.pallas_call(
        _tail_body,
        out_shape=jax.ShapeDtypeStruct((N, OUT), jnp.float32),
    )(x, acc, Wego, eps, Wm1, bm1, bn_g, bn_b, Wm2, bm2)


def kernel(x, edge_idx, edge_feat, We1, be1, We2, be2, Wego, eps, Wm1, bm1,
           bn_g, bn_b, Wm2, bm2):
    ei5 = edge_idx.reshape(2, NW, NSEG, G, CHUNK)

    Wm1x = Wm1[:, :D]
    Wm1e = Wm1[:, D:]

    eye8 = jnp.eye(8, dtype=jnp.float32)
    w1b = jnp.kron(eye8, We1.T)
    w2b = jnp.kron(eye8, We2.T)
    b1t = jnp.tile(be1, 8).reshape(1, 128)
    b2t = jnp.tile(be2, 8).reshape(1, 128)
    wpb = jnp.kron(eye8, Wm1e.T)
    bpt = jnp.zeros((1, 1024), jnp.float32)

    ef8 = edge_feat.reshape(E8, 128).astype(jnp.bfloat16)
    ye = _edge_mlp(ef8, w1b.astype(jnp.bfloat16), b1t,
                   w2b.astype(jnp.bfloat16), b2t,
                   wpb.astype(jnp.bfloat16), bpt)
    xw = _xw(x, Wm1x)

    zx = jnp.zeros((NP, 128), jnp.float32)
    acc = _sc_scatter(xw, ei5, ye, zx)

    return _tail(x, acc, Wego, eps.reshape(1, 1), Wm1,
                 bm1.reshape(1, OUT), bn_g.reshape(1, OUT),
                 bn_b.reshape(1, OUT), Wm2, bm2.reshape(1, OUT))

# --- scband reference (transcript-rebuilt; emitter-appended) ---
"""Pipeline reference for scband-ginconv-with-edge-57672820851273 (READ-ONLY COPY).

The authoritative reference and input builder live on the scoring server;
editing this copy changes nothing except your own understanding.
"""

import jax, jax.numpy as jnp
import numpy as np

N, E, D, DE, HE, OUT = 10000, 320000, 128, 16, 16, 128

def setup_inputs(seed: int = 0):
    key = jax.random.key(seed)
    ks = [jax.random.fold_in(key, i) for i in range(20)]
    x = jax.random.normal(ks[0], (N, D), dtype=jnp.float32)
    edge_idx = jax.random.randint(ks[1], (2, E), 0, N, dtype=jnp.int32)
    edge_feat = jax.random.normal(ks[2], (E, DE), dtype=jnp.float32)
    s = 0.05
    We1 = jax.random.normal(ks[3], (HE, DE), dtype=jnp.float32) * s
    be1 = jnp.zeros((HE,), dtype=jnp.float32)
    We2 = jax.random.normal(ks[4], (HE, HE), dtype=jnp.float32) * s
    be2 = jnp.zeros((HE,), dtype=jnp.float32)
    Wego = jax.random.normal(ks[5], (D + HE, D), dtype=jnp.float32) * s
    eps = jnp.zeros((1,), dtype=jnp.float32)
    Wm1 = jax.random.normal(ks[6], (OUT, D + HE), dtype=jnp.float32) * s
    bm1 = jnp.zeros((OUT,), dtype=jnp.float32)
    bn_g = jnp.ones((OUT,), dtype=jnp.float32)
    bn_b = jnp.zeros((OUT,), dtype=jnp.float32)
    Wm2 = jax.random.normal(ks[7], (OUT, OUT), dtype=jnp.float32) * s
    bm2 = jnp.zeros((OUT,), dtype=jnp.float32)
    return {"x": x, "edge_idx": edge_idx, "edge_feat": edge_feat, "We1": We1, "be1": be1, "We2": We2, "be2": be2, "Wego": Wego, "eps": eps, "Wm1": Wm1, "bm1": bm1, "bn_g": bn_g, "bn_b": bn_b, "Wm2": Wm2, "bm2": bm2}

def reference(x, edge_idx, edge_feat, We1, be1, We2, be2, Wego, eps, Wm1, bm1, bn_g, bn_b, Wm2, bm2):
    src = edge_idx[0]
    dst = edge_idx[1]
    # edge_mlp: Linear -> GELU -> Linear (torch GELU default is exact/erf)
    h = jax.nn.gelu(edge_feat @ We1.T + be1, approximate=False)
    e_emb = h @ We2.T + be2
    # message = concat(x[src], e_emb); scatter-add into dst rows
    msg = jnp.concatenate([jnp.take(x, src, axis=0), e_emb], axis=-1)
    out = jnp.zeros((x.shape[0], x.shape[1] + HE), dtype=x.dtype).at[dst].add(msg)
    ego = x @ Wego.T
    out = (1.0 + eps) * ego + out
    # mlp: Linear -> BatchNorm1d (training-mode batch stats) -> GELU -> Linear
    h1 = out @ Wm1.T + bm1
    mean = jnp.mean(h1, axis=0)
    var = jnp.var(h1, axis=0)
    h1 = (h1 - mean) / jnp.sqrt(var + 1e-5) * bn_g + bn_b
    h1 = jax.nn.gelu(h1, approximate=False)
    return h1 @ Wm2.T + bm2

if __name__ == "__main__":
    import jax
    _d = setup_inputs()
    print(jax.jit(kernel)(*tuple(_d.values())))

</pallas_src>

<mosaic_0001>
#map = affine_map<(d0, d1) -> (0, 0)>
#map1 = affine_map<(d0, d1) -> (0, 0, 0, 0, 0)>
module attributes {stable_mosaic.version = 14 : i64} {
  func.func @_sc_body(%arg0: i32, %arg1: i32, %arg2: memref<10000x128xf32, #tpu.memory_space<hbm>>, %arg3: memref<2x32x5x25x80xi32, #tpu.memory_space<hbm>>, %arg4: memref<320000x128xf32, #tpu.memory_space<hbm>>, %arg5: memref<10240x128xf32, #tpu.memory_space<hbm>>, %arg6: memref<20480x128xf32, #tpu.memory_space<hbm>>, %arg7: memref<10240x128xf32, #tpu.memory_space<vmem_shared>>, %arg8: memref<25x80xi32, #tpu.memory_space<vmem>>, %arg9: memref<25x80xi32, #tpu.memory_space<vmem>>, %arg10: memref<80x128xf32, #tpu.memory_space<vmem>>, %arg11: memref<80x128xf32, #tpu.memory_space<vmem>>, %arg12: memref<80x128xf32, #tpu.memory_space<vmem>>, %arg13: memref<80x128xf32, #tpu.memory_space<vmem>>, %arg14: memref<!tpu.dma_semaphore, #tpu.memory_space<semaphore_mem>>, %arg15: memref<!tpu.dma_semaphore, #tpu.memory_space<semaphore_mem>>, %arg16: memref<!tpu.dma_semaphore, #tpu.memory_space<semaphore_mem>>, %arg17: memref<!tpu.dma_semaphore, #tpu.memory_space<semaphore_mem>>) attributes {dimension_semantics = [#tpu.dimension_semantics<core_parallel>, #tpu.dimension_semantics<subcore_parallel>], iteration_bounds = array<i64: 2, 16>, scalar_prefetch = 0 : i64, scratch_operands = 11 : i64, tpu.core_type = #tpu.core_type<sc_vector_subcore>, window_params = [{transform_indices = #map}, {transform_indices = #map1}, {transform_indices = #map}, {transform_indices = #map}, {transform_indices = #map}]} {
    %mul3A = arith.constant 16 : i32
    %mul3A_0 = arith.muli %arg0, %mul3A : i32
    %add3A = arith.addi %mul3A_0, %arg1 : i32
    %mul3A_1 = arith.constant 10000 : i32
    %mul3A_2 = arith.muli %add3A, %mul3A_1 : i32
    %mul3A_3 = arith.constant 640 : i32
    %mul3A_4 = arith.muli %arg1, %mul3A_3 : i32
    %scan3A = arith.constant 0 : i32
    %scan3A_5 = arith.constant 0 : i32
    %scan3A_6 = arith.constant 8 : i32
    %scan3A_7 = arith.addi %scan3A_5, %scan3A_6 : i32
    %scan3A_8 = arith.constant 1 : i32
    scf.for %scan3A_282 = %scan3A_5 to %scan3A_7 step %scan3A_8  : i32 {
      %mul3A_283 = arith.constant 80 : i32
      %mul3A_284 = arith.muli %scan3A_282, %mul3A_283 : i32
      %add3A_285 = arith.addi %mul3A_4, %mul3A_284 : i32
      "tpu.region"() ({
        %run_scoped3A_286 = tpu.sem_alloc : memref<!tpu.dma_semaphore, #tpu.memory_space<semaphore_mem>>
        %dma_start3A_287 = arith.constant 0 : i32
        %dma_start3A_288 = tpu.memref_slice %arg5[%add3A_285, %dma_start3A_287] : memref<10240x128xf32, #tpu.memory_space<hbm>> -> memref<80x128xf32, #tpu.memory_space<hbm>>
        %dma_start3A_289 = arith.constant 0 : i32
        %dma_start3A_290 = tpu.memref_slice %arg5[%add3A_285, %dma_start3A_289] : memref<10240x128xf32, #tpu.memory_space<hbm>> -> memref<80x128xf32, #tpu.memory_space<hbm>>
        tpu.enqueue_dma source(%dma_start3A_290 : memref<80x128xf32, #tpu.memory_space<hbm>>) target(%arg10 : memref<80x128xf32, #tpu.memory_space<vmem>>) target_semaphore(%run_scoped3A_286 : memref<!tpu.dma_semaphore, #tpu.memory_space<semaphore_mem>>)
        %dma_wait3A_291 = arith.constant 0 : i32
        %dma_wait3A_292 = tpu.memref_slice %arg5[%add3A_285, %dma_wait3A_291] : memref<10240x128xf32, #tpu.memory_space<hbm>> -> memref<80x128xf32, #tpu.memory_space<hbm>>
        %dma_wait3A_293 = arith.constant 0 : i32
        %dma_wait3A_294 = tpu.memref_slice %arg5[%add3A_285, %dma_wait3A_293] : memref<10240x128xf32, #tpu.memory_space<hbm>> -> memref<80x128xf32, #tpu.memory_space<hbm>>
        tpu.wait_dma2 semaphore(%run_scoped3A_286 : memref<!tpu.dma_semaphore, #tpu.memory_space<semaphore_mem>>) src(%dma_wait3A_294 : memref<80x128xf32, #tpu.memory_space<hbm>>) dst(%arg10 : memref<80x128xf32, #tpu.memory_space<vmem>>)
        tpu.yield
      }) : () -> ()
      "tpu.region"() ({
        %run_scoped3A_286 = tpu.sem_alloc : memref<!tpu.dma_semaphore, #tpu.memory_space<semaphore_mem>>
        %dma_start3A_287 = arith.constant 0 : i32
        %dma_start3A_288 = tpu.memref_slice %arg7[%add3A_285, %dma_start3A_287] : memref<10240x128xf32, #tpu.memory_space<vmem_shared>> -> memref<80x128xf32, #tpu.memory_space<vmem_shared>>
        %dma_start3A_289 = arith.constant 0 : i32
        %dma_start3A_290 = tpu.memref_slice %arg7[%add3A_285, %dma_start3A_289] : memref<10240x128xf32, #tpu.memory_space<vmem_shared>> -> memref<80x128xf32, #tpu.memory_space<vmem_shared>>
        tpu.enqueue_dma source(%arg10 : memref<80x128xf32, #tpu.memory_space<vmem>>) target(%dma_start3A_290 : memref<80x128xf32, #tpu.memory_space<vmem_shared>>) target_semaphore(%run_scoped3A_286 : memref<!tpu.dma_semaphore, #tpu.memory_space<semaphore_mem>>)
        %dma_wait3A_291 = arith.constant 0 : i32
        %dma_wait3A_292 = tpu.memref_slice %arg7[%add3A_285, %dma_wait3A_291] : memref<10240x128xf32, #tpu.memory_space<vmem_shared>> -> memref<80x128xf32, #tpu.memory_space<vmem_shared>>
        %dma_wait3A_293 = arith.constant 0 : i32
        %dma_wait3A_294 = tpu.memref_slice %arg7[%add3A_285, %dma_wait3A_293] : memref<10240x128xf32, #tpu.memory_space<vmem_shared>> -> memref<80x128xf32, #tpu.memory_space<vmem_shared>>
        tpu.wait_dma2 semaphore(%run_scoped3A_286 : memref<!tpu.dma_semaphore, #tpu.memory_space<semaphore_mem>>) src(%arg10 : memref<80x128xf32, #tpu.memory_space<vmem>>) dst(%dma_wait3A_294 : memref<80x128xf32, #tpu.memory_space<vmem_shared>>)
        tpu.yield
      }) : () -> ()
    }
    %scan3A_9 = arith.constant 8 : i32
    %barrier3A = arith.constant 0 : index
    tpu.barrier barrier_id(%barrier3A)
    %run_scoped3A = arith.constant 0 : i32
    %run_scoped3A_10 = arith.constant 0 : i32
    "tpu.region"() ({
      %run_scoped3A_282 = tpu.sem_alloc : memref<!tpu.dma_semaphore, #tpu.memory_space<semaphore_mem>>
      %dma_start3A_283 = arith.constant 0 : i32
      %dma_start3A_284 = arith.constant 0 : i32
      %dma_start3A_285 = tpu.memref_slice %arg3[%run_scoped3A, %add3A, %run_scoped3A_10, %dma_start3A_283, %dma_start3A_284] : memref<2x32x5x25x80xi32, #tpu.memory_space<hbm>> -> memref<1x1x1x25x80xi32, #tpu.memory_space<hbm>>
      %dma_start3A_286 = tpu.memref_squeeze %dma_start3A_285 : memref<1x1x1x25x80xi32, #tpu.memory_space<hbm>> -> memref<25x80xi32, #tpu.memory_space<hbm>>
      %dma_start3A_287 = arith.constant 0 : i32
      %dma_start3A_288 = arith.constant 0 : i32
      %dma_start3A_289 = tpu.memref_slice %arg3[%run_scoped3A, %add3A, %run_scoped3A_10, %dma_start3A_287, %dma_start3A_288] : memref<2x32x5x25x80xi32, #tpu.memory_space<hbm>> -> memref<1x1x1x25x80xi32, #tpu.memory_space<hbm>>
      %dma_start3A_290 = tpu.memref_squeeze %dma_start3A_289 : memref<1x1x1x25x80xi32, #tpu.memory_space<hbm>> -> memref<25x80xi32, #tpu.memory_space<hbm>>
      tpu.enqueue_dma source(%dma_start3A_290 : memref<25x80xi32, #tpu.memory_space<hbm>>) target(%arg8 : memref<25x80xi32, #tpu.memory_space<vmem>>) target_semaphore(%run_scoped3A_282 : memref<!tpu.dma_semaphore, #tpu.memory_space<semaphore_mem>>)
      %dma_wait3A_291 = arith.constant 0 : i32
      %dma_wait3A_292 = arith.constant 0 : i32
      %dma_wait3A_293 = tpu.memref_slice %arg3[%run_scoped3A, %add3A, %run_scoped3A_10, %dma_wait3A_291, %dma_wait3A_292] : memref<2x32x5x25x80xi32, #tpu.memory_space<hbm>> -> memref<1x1x1x25x80xi32, #tpu.memory_space<hbm>>
      %dma_wait3A_294 = tpu.memref_squeeze %dma_wait3A_293 : memref<1x1x1x25x80xi32, #tpu.memory_space<hbm>> -> memref<25x80xi32, #tpu.memory_space<hbm>>
      %dma_wait3A_295 = arith.constant 0 : i32
      %dma_wait3A_296 = arith.constant 0 : i32
      %dma_wait3A_297 = tpu.memref_slice %arg3[%run_scoped3A, %add3A, %run_scoped3A_10, %dma_wait3A_295, %dma_wait3A_296] : memref<2x32x5x25x80xi32, #tpu.memory_space<hbm>> -> memref<1x1x1x25x80xi32, #tpu.memory_space<hbm>>
      %dma_wait3A_298 = tpu.memref_squeeze %dma_wait3A_297 : memref<1x1x1x25x80xi32, #tpu.memory_space<hbm>> -> memref<25x80xi32, #tpu.memory_space<hbm>>
      tpu.wait_dma2 semaphore(%run_scoped3A_282 : memref<!tpu.dma_semaphore, #tpu.memory_space<semaphore_mem>>) src(%dma_wait3A_298 : memref<25x80xi32, #tpu.memory_space<hbm>>) dst(%arg8 : memref<25x80xi32, #tpu.memory_space<vmem>>)
      tpu.yield
    }) : () -> ()
    %run_scoped3A_11 = arith.constant 1 : i32
    %run_scoped3A_12 = arith.constant 0 : i32
    "tpu.region"() ({
      %run_scoped3A_282 = tpu.sem_alloc : memref<!tpu.dma_semaphore, #tpu.memory_space<semaphore_mem>>
      %dma_start3A_283 = arith.constant 0 : i32
      %dma_start3A_284 = arith.constant 0 : i32
      %dma_start3A_285 = tpu.memref_slice %arg3[%run_scoped3A_11, %add3A, %run_scoped3A_12, %dma_start3A_283, %dma_start3A_284] : memref<2x32x5x25x80xi32, #tpu.memory_space<hbm>> -> memref<1x1x1x25x80xi32, #tpu.memory_space<hbm>>
      %dma_start3A_286 = tpu.memref_squeeze %dma_start3A_285 : memref<1x1x1x25x80xi32, #tpu.memory_space<hbm>> -> memref<25x80xi32, #tpu.memory_space<hbm>>
      %dma_start3A_287 = arith.constant 0 : i32
      %dma_start3A_288 = arith.constant 0 : i32
      %dma_start3A_289 = tpu.memref_slice %arg3[%run_scoped3A_11, %add3A, %run_scoped3A_12, %dma_start3A_287, %dma_start3A_288] : memref<2x32x5x25x80xi32, #tpu.memory_space<hbm>> -> memref<1x1x1x25x80xi32, #tpu.memory_space<hbm>>
      %dma_start3A_290 = tpu.memref_squeeze %dma_start3A_289 : memref<1x1x1x25x80xi32, #tpu.memory_space<hbm>> -> memref<25x80xi32, #tpu.memory_space<hbm>>
      tpu.enqueue_dma source(%dma_start3A_290 : memref<25x80xi32, #tpu.memory_space<hbm>>) target(%arg9 : memref<25x80xi32, #tpu.memory_space<vmem>>) target_semaphore(%run_scoped3A_282 : memref<!tpu.dma_semaphore, #tpu.memory_space<semaphore_mem>>)
      %dma_wait3A_291 = arith.constant 0 : i32
      %dma_wait3A_292 = arith.constant 0 : i32
      %dma_wait3A_293 = tpu.memref_slice %arg3[%run_scoped3A_11, %add3A, %run_scoped3A_12, %dma_wait3A_291, %dma_wait3A_292] : memref<2x32x5x25x80xi32, #tpu.memory_space<hbm>> -> memref<1x1x1x25x80xi32, #tpu.memory_space<hbm>>
      %dma_wait3A_294 = tpu.memref_squeeze %dma_wait3A_293 : memref<1x1x1x25x80xi32, #tpu.memory_space<hbm>> -> memref<25x80xi32, #tpu.memory_space<hbm>>
      %dma_wait3A_295 = arith.constant 0 : i32
      %dma_wait3A_296 = arith.constant 0 : i32
      %dma_wait3A_297 = tpu.memref_slice %arg3[%run_scoped3A_11, %add3A, %run_scoped3A_12, %dma_wait3A_295, %dma_wait3A_296] : memref<2x32x5x25x80xi32, #tpu.memory_space<hbm>> -> memref<1x1x1x25x80xi32, #tpu.memory_space<hbm>>
      %dma_wait3A_298 = tpu.memref_squeeze %dma_wait3A_297 : memref<1x1x1x25x80xi32, #tpu.memory_space<hbm>> -> memref<25x80xi32, #tpu.memory_space<hbm>>
      tpu.wait_dma2 semaphore(%run_scoped3A_282 : memref<!tpu.dma_semaphore, #tpu.memory_space<semaphore_mem>>) src(%dma_wait3A_298 : memref<25x80xi32, #tpu.memory_space<hbm>>) dst(%arg9 : memref<25x80xi32, #tpu.memory_space<vmem>>)
      tpu.yield
    }) : () -> ()
    %add3A_13 = arith.constant 0 : i32
    %add3A_14 = arith.addi %mul3A_2, %add3A_13 : i32
    %dma_start3A = arith.constant 0 : i32
    %dma_start3A_15 = arith.constant 0 : i32
    %dma_start3A_16 = tpu.memref_slice %arg8[%dma_start3A, %dma_start3A_15] : memref<25x80xi32, #tpu.memory_space<vmem>> -> memref<1x80xi32, #tpu.memory_space<vmem>>
    %dma_start3A_17 = tpu.memref_squeeze %dma_start3A_16 : memref<1x80xi32, #tpu.memory_space<vmem>> -> memref<80xi32, #tpu.memory_space<vmem>>
    %dma_start3A_18 = arith.constant 0 : i32
    %dma_start3A_19 = arith.constant 0 : i32
    %dma_start3A_20 = tpu.memref_slice %arg2[%dma_start3A_18, %dma_start3A_19] : memref<10000x128xf32, #tpu.memory_space<hbm>> -> memref<10000x128xf32, #tpu.memory_space<hbm>>
    tpu.enqueue_indirect_dma source(%dma_start3A_20 : memref<10000x128xf32, #tpu.memory_space<hbm>>) target(%arg10 : memref<80x128xf32, #tpu.memory_space<vmem>>) offsets(%dma_start3A_17 : memref<80xi32, #tpu.memory_space<vmem>>) semaphore(%arg14 : memref<!tpu.dma_semaphore, #tpu.memory_space<semaphore_mem>>)
    %add3A_21 = arith.constant 0 : i32
    %add3A_22 = arith.addi %add3A_14, %add3A_21 : i32
    %dma_start3A_23 = arith.constant 0 : i32
    %dma_start3A_24 = tpu.memref_slice %arg4[%add3A_22, %dma_start3A_23] : memref<320000x128xf32, #tpu.memory_space<hbm>> -> memref<80x128xf32, #tpu.memory_space<hbm>>
    %dma_start3A_25 = arith.constant 0 : i32
    %dma_start3A_26 = tpu.memref_slice %arg4[%add3A_22, %dma_start3A_25] : memref<320000x128xf32, #tpu.memory_space<hbm>> -> memref<80x128xf32, #tpu.memory_space<hbm>>
    tpu.enqueue_dma source(%dma_start3A_26 : memref<80x128xf32, #tpu.memory_space<hbm>>) target(%arg12 : memref<80x128xf32, #tpu.memory_space<vmem>>) target_semaphore(%arg16 : memref<!tpu.dma_semaphore, #tpu.memory_space<semaphore_mem>>)
    %scan3A_27 = arith.constant 0 : i32
    %scan3A_28 = arith.constant 0 : i32
    %scan3A_29 = arith.constant 12 : i32
    %scan3A_30 = arith.addi %scan3A_28, %scan3A_29 : i32
    %scan3A_31 = arith.constant 1 : i32
    scf.for %scan3A_282 = %scan3A_28 to %scan3A_30 step %scan3A_31  : i32 {
      %mul3A_283 = arith.constant 2 : i32
      %mul3A_284 = arith.muli %mul3A_283, %scan3A_282 : i32
      %add3A_285 = arith.constant 1 : i32
      %add3A_286 = arith.addi %mul3A_284, %add3A_285 : i32
      %dma_start3A_287 = arith.constant 0 : i32
      %dma_start3A_288 = tpu.memref_slice %arg8[%add3A_286, %dma_start3A_287] : memref<25x80xi32, #tpu.memory_space<vmem>> -> memref<1x80xi32, #tpu.memory_space<vmem>>
      %dma_start3A_289 = tpu.memref_squeeze %dma_start3A_288 : memref<1x80xi32, #tpu.memory_space<vmem>> -> memref<80xi32, #tpu.memory_space<vmem>>
      %dma_start3A_290 = arith.constant 0 : i32
      %dma_start3A_291 = arith.constant 0 : i32
      %dma_start3A_292 = tpu.memref_slice %arg2[%dma_start3A_290, %dma_start3A_291] : memref<10000x128xf32, #tpu.memory_space<hbm>> -> memref<10000x128xf32, #tpu.memory_space<hbm>>
      tpu.enqueue_indirect_dma source(%dma_start3A_292 : memref<10000x128xf32, #tpu.memory_space<hbm>>) target(%arg11 : memref<80x128xf32, #tpu.memory_space<vmem>>) offsets(%dma_start3A_289 : memref<80xi32, #tpu.memory_space<vmem>>) semaphore(%arg15 : memref<!tpu.dma_semaphore, #tpu.memory_space<semaphore_mem>>)
      %mul3A_293 = arith.constant 80 : i32
      %mul3A_294 = arith.muli %add3A_286, %mul3A_293 : i32
      %add3A_295 = arith.addi %add3A_14, %mul3A_294 : i32
      %dma_start3A_296 = arith.constant 0 : i32
      %dma_start3A_297 = tpu.memref_slice %arg4[%add3A_295, %dma_start3A_296] : memref<320000x128xf32, #tpu.memory_space<hbm>> -> memref<80x128xf32, #tpu.memory_space<hbm>>
      %dma_start3A_298 = arith.constant 0 : i32
      %dma_start3A_299 = tpu.memref_slice %arg4[%add3A_295, %dma_start3A_298] : memref<320000x128xf32, #tpu.memory_space<hbm>> -> memref<80x128xf32, #tpu.memory_space<hbm>>
      tpu.enqueue_dma source(%dma_start3A_299 : memref<80x128xf32, #tpu.memory_space<hbm>>) target(%arg13 : memref<80x128xf32, #tpu.memory_space<vmem>>) target_semaphore(%arg17 : memref<!tpu.dma_semaphore, #tpu.memory_space<semaphore_mem>>)
      %dma_wait3A_300 = arith.constant 0 : i32
      %dma_wait3A_301 = tpu.memref_slice %arg8[%mul3A_284, %dma_wait3A_300] : memref<25x80xi32, #tpu.memory_space<vmem>> -> memref<1x80xi32, #tpu.memory_space<vmem>>
      %dma_wait3A_302 = tpu.memref_squeeze %dma_wait3A_301 : memref<1x80xi32, #tpu.memory_space<vmem>> -> memref<80xi32, #tpu.memory_space<vmem>>
      %dma_wait3A_303 = arith.constant 0 : i32
      %dma_wait3A_304 = arith.constant 0 : i32
      %dma_wait3A_305 = tpu.memref_slice %arg2[%dma_wait3A_303, %dma_wait3A_304] : memref<10000x128xf32, #tpu.memory_space<hbm>> -> memref<10000x128xf32, #tpu.memory_space<hbm>>
      tpu.wait_indirect_dma semaphore(%arg14 : memref<!tpu.dma_semaphore, #tpu.memory_space<semaphore_mem>>) src(%dma_wait3A_305 : memref<10000x128xf32, #tpu.memory_space<hbm>>) dst(%arg10 : memref<80x128xf32, #tpu.memory_space<vmem>>)
      %mul3A_306 = arith.constant 80 : i32
      %mul3A_307 = arith.muli %mul3A_284, %mul3A_306 : i32
      %add3A_308 = arith.addi %add3A_14, %mul3A_307 : i32
      %dma_wait3A_309 = arith.constant 0 : i32
      %dma_wait3A_310 = tpu.memref_slice %arg4[%add3A_308, %dma_wait3A_309] : memref<320000x128xf32, #tpu.memory_space<hbm>> -> memref<80x128xf32, #tpu.memory_space<hbm>>
      %dma_wait3A_311 = arith.constant 0 : i32
      %dma_wait3A_312 = tpu.memref_slice %arg4[%add3A_308, %dma_wait3A_311] : memref<320000x128xf32, #tpu.memory_space<hbm>> -> memref<80x128xf32, #tpu.memory_space<hbm>>
      tpu.wait_dma2 semaphore(%arg16 : memref<!tpu.dma_semaphore, #tpu.memory_space<semaphore_mem>>) src(%dma_wait3A_312 : memref<80x128xf32, #tpu.memory_space<hbm>>) dst(%arg12 : memref<80x128xf32, #tpu.memory_space<vmem>>)
      %dma_start3A_313 = arith.constant 0 : i32
      %dma_start3A_314 = tpu.memref_slice %arg9[%mul3A_284, %dma_start3A_313] : memref<25x80xi32, #tpu.memory_space<vmem>> -> memref<1x80xi32, #tpu.memory_space<vmem>>
      %dma_start3A_315 = tpu.memref_squeeze %dma_start3A_314 : memref<1x80xi32, #tpu.memory_space<vmem>> -> memref<80xi32, #tpu.memory_space<vmem>>
      %dma_start3A_316 = arith.constant 0 : i32
      %dma_start3A_317 = arith.constant 0 : i32
      %dma_start3A_318 = tpu.memref_slice %arg7[%dma_start3A_316, %dma_start3A_317] : memref<10240x128xf32, #tpu.memory_space<vmem_shared>> -> memref<10240x128xf32, #tpu.memory_space<vmem_shared>>
      tpu.enqueue_indirect_dma source(%arg12 : memref<80x128xf32, #tpu.memory_space<vmem>>) target(%dma_start3A_318 : memref<10240x128xf32, #tpu.memory_space<vmem_shared>>) offsets(%dma_start3A_315 : memref<80xi32, #tpu.memory_space<vmem>>) semaphore(%arg16 : memref<!tpu.dma_semaphore, #tpu.memory_space<semaphore_mem>>) {add = true}
      "tpu.region"() ({
        %run_scoped3A_367 = tpu.sem_alloc : memref<!tpu.dma_semaphore, #tpu.memory_space<semaphore_mem>>
        %dma_start3A_368 = arith.constant 0 : i32
        %dma_start3A_369 = tpu.memref_slice %arg9[%mul3A_284, %dma_start3A_368] : memref<25x80xi32, #tpu.memory_space<vmem>> -> memref<1x80xi32, #tpu.memory_space<vmem>>
        %dma_start3A_370 = tpu.memref_squeeze %dma_start3A_369 : memref<1x80xi32, #tpu.memory_space<vmem>> -> memref<80xi32, #tpu.memory_space<vmem>>
        %dma_start3A_371 = arith.constant 0 : i32
        %dma_start3A_372 = arith.constant 0 : i32
        %dma_start3A_373 = tpu.memref_slice %arg7[%dma_start3A_371, %dma_start3A_372] : memref<10240x128xf32, #tpu.memory_space<vmem_shared>> -> memref<10240x128xf32, #tpu.memory_space<vmem_shared>>
        tpu.enqueue_indirect_dma source(%arg10 : memref<80x128xf32, #tpu.memory_space<vmem>>) target(%dma_start3A_373 : memref<10240x128xf32, #tpu.memory_space<vmem_shared>>) offsets(%dma_start3A_370 : memref<80xi32, #tpu.memory_space<vmem>>) semaphore(%run_scoped3A_367 : memref<!tpu.dma_semaphore, #tpu.memory_space<semaphore_mem>>) {add = true}
        %dma_wait3A_374 = arith.constant 0 : i32
        %dma_wait3A_375 = tpu.memref_slice %arg9[%mul3A_284, %dma_wait3A_374] : memref<25x80xi32, #tpu.memory_space<vmem>> -> memref<1x80xi32, #tpu.memory_space<vmem>>
        %dma_wait3A_376 = tpu.memref_squeeze %dma_wait3A_375 : memref<1x80xi32, #tpu.memory_space<vmem>> -> memref<80xi32, #tpu.memory_space<vmem>>
        %dma_wait3A_377 = arith.constant 0 : i32
        %dma_wait3A_378 = arith.constant 0 : i32
        %dma_wait3A_379 = tpu.memref_slice %arg7[%dma_wait3A_377, %dma_wait3A_378] : memref<10240x128xf32, #tpu.memory_space<vmem_shared>> -> memref<10240x128xf32, #tpu.memory_space<vmem_shared>>
        tpu.wait_indirect_dma semaphore(%run_scoped3A_367 : memref<!tpu.dma_semaphore, #tpu.memory_space<semaphore_mem>>) src(%arg10 : memref<80x128xf32, #tpu.memory_space<vmem>>) dst(%dma_wait3A_379 : memref<10240x128xf32, #tpu.memory_space<vmem_shared>>)
        tpu.yield
      }) : () -> ()
      %dma_wait3A_319 = arith.constant 0 : i32
      %dma_wait3A_320 = tpu.memref_slice %arg9[%mul3A_284, %dma_wait3A_319] : memref<25x80xi32, #tpu.memory_space<vmem>> -> memref<1x80xi32, #tpu.memory_space<vmem>>
      %dma_wait3A_321 = tpu.memref_squeeze %dma_wait3A_320 : memref<1x80xi32, #tpu.memory_space<vmem>> -> memref<80xi32, #tpu.memory_space<vmem>>
      %dma_wait3A_322 = arith.constant 0 : i32
      %dma_wait3A_323 = arith.constant 0 : i32
      %dma_wait3A_324 = tpu.memref_slice %arg7[%dma_wait3A_322, %dma_wait3A_323] : memref<10240x128xf32, #tpu.memory_space<vmem_shared>> -> memref<10240x128xf32, #tpu.memory_space<vmem_shared>>
      tpu.wait_indirect_dma semaphore(%arg16 : memref<!tpu.dma_semaphore, #tpu.memory_space<semaphore_mem>>) src(%arg12 : memref<80x128xf32, #tpu.memory_space<vmem>>) dst(%dma_wait3A_324 : memref<10240x128xf32, #tpu.memory_space<vmem_shared>>)
      %add3A_325 = arith.constant 2 : i32
      %add3A_326 = arith.addi %mul3A_284, %add3A_325 : i32
      %dma_start3A_327 = arith.constant 0 : i32
      %dma_start3A_328 = tpu.memref_slice %arg8[%add3A_326, %dma_start3A_327] : memref<25x80xi32, #tpu.memory_space<vmem>> -> memref<1x80xi32, #tpu.memory_space<vmem>>
      %dma_start3A_329 = tpu.memref_squeeze %dma_start3A_328 : memref<1x80xi32, #tpu.memory_space<vmem>> -> memref<80xi32, #tpu.memory_space<vmem>>
      %dma_start3A_330 = arith.constant 0 : i32
      %dma_start3A_331 = arith.constant 0 : i32
      %dma_start3A_332 = tpu.memref_slice %arg2[%dma_start3A_330, %dma_start3A_331] : memref<10000x128xf32, #tpu.memory_space<hbm>> -> memref<10000x128xf32, #tpu.memory_space<hbm>>
      tpu.enqueue_indirect_dma source(%dma_start3A_332 : memref<10000x128xf32, #tpu.memory_space<hbm>>) target(%arg10 : memref<80x128xf32, #tpu.memory_space<vmem>>) offsets(%dma_start3A_329 : memref<80xi32, #tpu.memory_space<vmem>>) semaphore(%arg14 : memref<!tpu.dma_semaphore, #tpu.memory_space<semaphore_mem>>)
      %mul3A_333 = arith.constant 80 : i32
      %mul3A_334 = arith.muli %add3A_326, %mul3A_333 : i32
      %add3A_335 = arith.addi %add3A_14, %mul3A_334 : i32
      %dma_start3A_336 = arith.constant 0 : i32
      %dma_start3A_337 = tpu.memref_slice %arg4[%add3A_335, %dma_start3A_336] : memref<320000x128xf32, #tpu.memory_space<hbm>> -> memref<80x128xf32, #tpu.memory_space<hbm>>
      %dma_start3A_338 = arith.constant 0 : i32
      %dma_start3A_339 = tpu.memref_slice %arg4[%add3A_335, %dma_start3A_338] : memref<320000x128xf32, #tpu.memory_space<hbm>> -> memref<80x128xf32, #tpu.memory_space<hbm>>
      tpu.enqueue_dma source(%dma_start3A_339 : memref<80x128xf32, #tpu.memory_space<hbm>>) target(%arg12 : memref<80x128xf32, #tpu.memory_space<vmem>>) target_semaphore(%arg16 : memref<!tpu.dma_semaphore, #tpu.memory_space<semaphore_mem>>)
      %add3A_340 = arith.constant 1 : i32
      %add3A_341 = arith.addi %mul3A_284, %add3A_340 : i32
      %dma_wait3A_342 = arith.constant 0 : i32
      %dma_wait3A_343 = tpu.memref_slice %arg8[%add3A_341, %dma_wait3A_342] : memref<25x80xi32, #tpu.memory_space<vmem>> -> memref<1x80xi32, #tpu.memory_space<vmem>>
      %dma_wait3A_344 = tpu.memref_squeeze %dma_wait3A_343 : memref<1x80xi32, #tpu.memory_space<vmem>> -> memref<80xi32, #tpu.memory_space<vmem>>
      %dma_wait3A_345 = arith.constant 0 : i32
      %dma_wait3A_346 = arith.constant 0 : i32
      %dma_wait3A_347 = tpu.memref_slice %arg2[%dma_wait3A_345, %dma_wait3A_346] : memref<10000x128xf32, #tpu.memory_space<hbm>> -> memref<10000x128xf32, #tpu.memory_space<hbm>>
      tpu.wait_indirect_dma semaphore(%arg15 : memref<!tpu.dma_semaphore, #tpu.memory_space<semaphore_mem>>) src(%dma_wait3A_347 : memref<10000x128xf32, #tpu.memory_space<hbm>>) dst(%arg11 : memref<80x128xf32, #tpu.memory_space<vmem>>)
      %mul3A_348 = arith.constant 80 : i32
      %mul3A_349 = arith.muli %add3A_341, %mul3A_348 : i32
      %add3A_350 = arith.addi %add3A_14, %mul3A_349 : i32
      %dma_wait3A_351 = arith.constant 0 : i32
      %dma_wait3A_352 = tpu.memref_slice %arg4[%add3A_350, %dma_wait3A_351] : memref<320000x128xf32, #tpu.memory_space<hbm>> -> memref<80x128xf32, #tpu.memory_space<hbm>>
      %dma_wait3A_353 = arith.constant 0 : i32
      %dma_wait3A_354 = tpu.memref_slice %arg4[%add3A_350, %dma_wait3A_353] : memref<320000x128xf32, #tpu.memory_space<hbm>> -> memref<80x128xf32, #tpu.memory_space<hbm>>
      tpu.wait_dma2 semaphore(%arg17 : memref<!tpu.dma_semaphore, #tpu.memory_space<semaphore_mem>>) src(%dma_wait3A_354 : memref<80x128xf32, #tpu.memory_space<hbm>>) dst(%arg13 : memref<80x128xf32, #tpu.memory_space<vmem>>)
      %dma_start3A_355 = arith.constant 0 : i32
      %dma_start3A_356 = tpu.memref_slice %arg9[%add3A_341, %dma_start3A_355] : memref<25x80xi32, #tpu.memory_space<vmem>> -> memref<1x80xi32, #tpu.memory_space<vmem>>
      %dma_start3A_357 = tpu.memref_squeeze %dma_start3A_356 : memref<1x80xi32, #tpu.memory_space<vmem>> -> memref<80xi32, #tpu.memory_space<vmem>>
      %dma_start3A_358 = arith.constant 0 : i32
      %dma_start3A_359 = arith.constant 0 : i32
      %dma_start3A_360 = tpu.memref_slice %arg7[%dma_start3A_358, %dma_start3A_359] : memref<10240x128xf32, #tpu.memory_space<vmem_shared>> -> memref<10240x128xf32, #tpu.memory_space<vmem_shared>>
      tpu.enqueue_indirect_dma source(%arg13 : memref<80x128xf32, #tpu.memory_space<vmem>>) target(%dma_start3A_360 : memref<10240x128xf32, #tpu.memory_space<vmem_shared>>) offsets(%dma_start3A_357 : memref<80xi32, #tpu.memory_space<vmem>>) semaphore(%arg17 : memref<!tpu.dma_semaphore, #tpu.memory_space<semaphore_mem>>) {add = true}
      "tpu.region"() ({
        %run_scoped3A_367 = tpu.sem_alloc : memref<!tpu.dma_semaphore, #tpu.memory_space<semaphore_mem>>
        %dma_start3A_368 = arith.constant 0 : i32
        %dma_start3A_369 = tpu.memref_slice %arg9[%add3A_341, %dma_start3A_368] : memref<25x80xi32, #tpu.memory_space<vmem>> -> memref<1x80xi32, #tpu.memory_space<vmem>>
        %dma_start3A_370 = tpu.memref_squeeze %dma_start3A_369 : memref<1x80xi32, #tpu.memory_space<vmem>> -> memref<80xi32, #tpu.memory_space<vmem>>
        %dma_start3A_371 = arith.constant 0 : i32
        %dma_start3A_372 = arith.constant 0 : i32
        %dma_start3A_373 = tpu.memref_slice %arg7[%dma_start3A_371, %dma_start3A_372] : memref<10240x128xf32, #tpu.memory_space<vmem_shared>> -> memref<10240x128xf32, #tpu.memory_space<vmem_shared>>
        tpu.enqueue_indirect_dma source(%arg11 : memref<80x128xf32, #tpu.memory_space<vmem>>) target(%dma_start3A_373 : memref<10240x128xf32, #tpu.memory_space<vmem_shared>>) offsets(%dma_start3A_370 : memref<80xi32, #tpu.memory_space<vmem>>) semaphore(%run_scoped3A_367 : memref<!tpu.dma_semaphore, #tpu.memory_space<semaphore_mem>>) {add = true}
        %dma_wait3A_374 = arith.constant 0 : i32
        %dma_wait3A_375 = tpu.memref_slice %arg9[%add3A_341, %dma_wait3A_374] : memref<25x80xi32, #tpu.memory_space<vmem>> -> memref<1x80xi32, #tpu.memory_space<vmem>>
        %dma_wait3A_376 = tpu.memref_squeeze %dma_wait3A_375 : memref<1x80xi32, #tpu.memory_space<vmem>> -> memref<80xi32, #tpu.memory_space<vmem>>
        %dma_wait3A_377 = arith.constant 0 : i32
        %dma_wait3A_378 = arith.constant 0 : i32
        %dma_wait3A_379 = tpu.memref_slice %arg7[%dma_wait3A_377, %dma_wait3A_378] : memref<10240x128xf32, #tpu.memory_space<vmem_shared>> -> memref<10240x128xf32, #tpu.memory_space<vmem_shared>>
        tpu.wait_indirect_dma semaphore(%run_scoped3A_367 : memref<!tpu.dma_semaphore, #tpu.memory_space<semaphore_mem>>) src(%arg11 : memref<80x128xf32, #tpu.memory_space<vmem>>) dst(%dma_wait3A_379 : memref<10240x128xf32, #tpu.memory_space<vmem_shared>>)
        tpu.yield
      }) : () -> ()
      %dma_wait3A_361 = arith.constant 0 : i32
      %dma_wait3A_362 = tpu.memref_slice %arg9[%add3A_341, %dma_wait3A_361] : memref<25x80xi32, #tpu.memory_space<vmem>> -> memref<1x80xi32, #tpu.memory_space<vmem>>
      %dma_wait3A_363 = tpu.memref_squeeze %dma_wait3A_362 : memref<1x80xi32, #tpu.memory_space<vmem>> -> memref<80xi32, #tpu.memory_space<vmem>>
      %dma_wait3A_364 = arith.constant 0 : i32
      %dma_wait3A_365 = arith.constant 0 : i32
      %dma_wait3A_366 = tpu.memref_slice %arg7[%dma_wait3A_364, %dma_wait3A_365] : memref<10240x128xf32, #tpu.memory_space<vmem_shared>> -> memref<10240x128xf32, #tpu.memory_space<vmem_shared>>
      tpu.wait_indirect_dma semaphore(%arg17 : memref<!tpu.dma_semaphore, #tpu.memory_space<semaphore_mem>>) src(%arg13 : memref<80x128xf32, #tpu.memory_space<vmem>>) dst(%dma_wait3A_366 : memref<10240x128xf32, #tpu.memory_space<vmem_shared>>)
    }
    %scan3A_32 = arith.constant 12 : i32
    %dma_wait3A = arith.constant 24 : i32
    %dma_wait3A_33 = arith.constant 0 : i32
    %dma_wait3A_34 = tpu.memref_slice %arg8[%dma_wait3A, %dma_wait3A_33] : memref<25x80xi32, #tpu.memory_space<vmem>> -> memref<1x80xi32, #tpu.memory_space<vmem>>
    %dma_wait3A_35 = tpu.memref_squeeze %dma_wait3A_34 : memref<1x80xi32, #tpu.memory_space<vmem>> -> memref<80xi32, #tpu.memory_space<vmem>>
    %dma_wait3A_36 = arith.constant 0 : i32
    %dma_wait3A_37 = arith.constant 0 : i32
    %dma_wait3A_38 = tpu.memref_slice %arg2[%dma_wait3A_36, %dma_wait3A_37] : memref<10000x128xf32, #tpu.memory_space<hbm>> -> memref<10000x128xf32, #tpu.memory_space<hbm>>
    tpu.wait_indirect_dma semaphore(%arg14 : memref<!tpu.dma_semaphore, #tpu.memory_space<semaphore_mem>>) src(%dma_wait3A_38 : memref<10000x128xf32, #tpu.memory_space<hbm>>) dst(%arg10 : memref<80x128xf32, #tpu.memory_space<vmem>>)
    %add3A_39 = arith.constant 1920 : i32
    %add3A_40 = arith.addi %add3A_14, %add3A_39 : i32
    %dma_wait3A_41 = arith.constant 0 : i32
    %dma_wait3A_42 = tpu.memref_slice %arg4[%add3A_40, %dma_wait3A_41] : memref<320000x128xf32, #tpu.memory_space<hbm>> -> memref<80x128xf32, #tpu.memory_space<hbm>>
    %dma_wait3A_43 = arith.constant 0 : i32
    %dma_wait3A_44 = tpu.memref_slice %arg4[%add3A_40, %dma_wait3A_43] : memref<320000x128xf32, #tpu.memory_space<hbm>> -> memref<80x128xf32, #tpu.memory_space<hbm>>
    tpu.wait_dma2 semaphore(%arg16 : memref<!tpu.dma_semaphore, #tpu.memory_space<semaphore_mem>>) src(%dma_wait3A_44 : memref<80x128xf32, #tpu.memory_space<hbm>>) dst(%arg12 : memref<80x128xf32, #tpu.memory_space<vmem>>)
    %dma_start3A_45 = arith.constant 24 : i32
    %dma_start3A_46 = arith.constant 0 : i32
    %dma_start3A_47 = tpu.memref_slice %arg9[%dma_start3A_45, %dma_start3A_46] : memref<25x80xi32, #tpu.memory_space<vmem>> -> memref<1x80xi32, #tpu.memory_space<vmem>>
    %dma_start3A_48 = tpu.memref_squeeze %dma_start3A_47 : memref<1x80xi32, #tpu.memory_space<vmem>> -> memref<80xi32, #tpu.memory_space<vmem>>
    %dma_start3A_49 = arith.constant 0 : i32
    %dma_start3A_50 = arith.constant 0 : i32
    %dma_start3A_51 = tpu.memref_slice %arg7[%dma_start3A_49, %dma_start3A_50] : memref<10240x128xf32, #tpu.memory_space<vmem_shared>> -> memref<10240x128xf32, #tpu.memory_space<vmem_shared>>
    tpu.enqueue_indirect_dma source(%arg12 : memref<80x128xf32, #tpu.memory_space<vmem>>) target(%dma_start3A_51 : memref<10240x128xf32, #tpu.memory_space<vmem_shared>>) offsets(%dma_start3A_48 : memref<80xi32, #tpu.memory_space<vmem>>) semaphore(%arg16 : memref<!tpu.dma_semaphore, #tpu.memory_space<semaphore_mem>>) {add = true}
    %run_scoped3A_52 = arith.constant 24 : i32
    "tpu.region"() ({
      %run_scoped3A_282 = tpu.sem_alloc : memref<!tpu.dma_semaphore, #tpu.memory_space<semaphore_mem>>
      %dma_start3A_283 = arith.constant 0 : i32
      %dma_start3A_284 = tpu.memref_slice %arg9[%run_scoped3A_52, %dma_start3A_283] : memref<25x80xi32, #tpu.memory_space<vmem>> -> memref<1x80xi32, #tpu.memory_space<vmem>>
      %dma_start3A_285 = tpu.memref_squeeze %dma_start3A_284 : memref<1x80xi32, #tpu.memory_space<vmem>> -> memref<80xi32, #tpu.memory_space<vmem>>
      %dma_start3A_286 = arith.constant 0 : i32
      %dma_start3A_287 = arith.constant 0 : i32
      %dma_start3A_288 = tpu.memref_slice %arg7[%dma_start3A_286, %dma_start3A_287] : memref<10240x128xf32, #tpu.memory_space<vmem_shared>> -> memref<10240x128xf32, #tpu.memory_space<vmem_shared>>
      tpu.enqueue_indirect_dma source(%arg10 : memref<80x128xf32, #tpu.memory_space<vmem>>) target(%dma_start3A_288 : memref<10240x128xf32, #tpu.memory_space<vmem_shared>>) offsets(%dma_start3A_285 : memref<80xi32, #tpu.memory_space<vmem>>) semaphore(%run_scoped3A_282 : memref<!tpu.dma_semaphore, #tpu.memory_space<semaphore_mem>>) {add = true}
      %dma_wait3A_289 = arith.constant 0 : i32
      %dma_wait3A_290 = tpu.memref_slice %arg9[%run_scoped3A_52, %dma_wait3A_289] : memref<25x80xi32, #tpu.memory_space<vmem>> -> memref<1x80xi32, #tpu.memory_space<vmem>>
      %dma_wait3A_291 = tpu.memref_squeeze %dma_wait3A_290 : memref<1x80xi32, #tpu.memory_space<vmem>> -> memref<80xi32, #tpu.memory_space<vmem>>
      %dma_wait3A_292 = arith.constant 0 : i32
      %dma_wait3A_293 = arith.constant 0 : i32
      %dma_wait3A_294 = tpu.memref_slice %arg7[%dma_wait3A_292, %dma_wait3A_293] : memref<10240x128xf32, #tpu.memory_space<vmem_shared>> -> memref<10240x128xf32, #tpu.memory_space<vmem_shared>>
      tpu.wait_indirect_dma semaphore(%run_scoped3A_282 : memref<!tpu.dma_semaphore, #tpu.memory_space<semaphore_mem>>) src(%arg10 : memref<80x128xf32, #tpu.memory_space<vmem>>) dst(%dma_wait3A_294 : memref<10240x128xf32, #tpu.memory_space<vmem_shared>>)
      tpu.yield
    }) : () -> ()
    %dma_wait3A_53 = arith.constant 24 : i32
    %dma_wait3A_54 = arith.constant 0 : i32
    %dma_wait3A_55 = tpu.memref_slice %arg9[%dma_wait3A_53, %dma_wait3A_54] : memref<25x80xi32, #tpu.memory_space<vmem>> -> memref<1x80xi32, #tpu.memory_space<vmem>>
    %dma_wait3A_56 = tpu.memref_squeeze %dma_wait3A_55 : memref<1x80xi32, #tpu.memory_space<vmem>> -> memref<80xi32, #tpu.memory_space<vmem>>
    %dma_wait3A_57 = arith.constant 0 : i32
    %dma_wait3A_58 = arith.constant 0 : i32
    %dma_wait3A_59 = tpu.memref_slice %arg7[%dma_wait3A_57, %dma_wait3A_58] : memref<10240x128xf32, #tpu.memory_space<vmem_shared>> -> memref<10240x128xf32, #tpu.memory_space<vmem_shared>>
    tpu.wait_indirect_dma semaphore(%arg16 : memref<!tpu.dma_semaphore, #tpu.memory_space<semaphore_mem>>) src(%arg12 : memref<80x128xf32, #tpu.memory_space<vmem>>) dst(%dma_wait3A_59 : memref<10240x128xf32, #tpu.memory_space<vmem_shared>>)
    %run_scoped3A_60 = arith.constant 0 : i32
    %run_scoped3A_61 = arith.constant 1 : i32
    "tpu.region"() ({
      %run_scoped3A_282 = tpu.sem_alloc : memref<!tpu.dma_semaphore, #tpu.memory_space<semaphore_mem>>
      %dma_start3A_283 = arith.constant 0 : i32
      %dma_start3A_284 = arith.constant 0 : i32
      %dma_start3A_285 = tpu.memref_slice %arg3[%run_scoped3A_60, %add3A, %run_scoped3A_61, %dma_start3A_283, %dma_start3A_284] : memref<2x32x5x25x80xi32, #tpu.memory_space<hbm>> -> memref<1x1x1x25x80xi32, #tpu.memory_space<hbm>>
      %dma_start3A_286 = tpu.memref_squeeze %dma_start3A_285 : memref<1x1x1x25x80xi32, #tpu.memory_space<hbm>> -> memref<25x80xi32, #tpu.memory_space<hbm>>
      %dma_start3A_287 = arith.constant 0 : i32
      %dma_start3A_288 = arith.constant 0 : i32
      %dma_start3A_289 = tpu.memref_slice %arg3[%run_scoped3A_60, %add3A, %run_scoped3A_61, %dma_start3A_287, %dma_start3A_288] : memref<2x32x5x25x80xi32, #tpu.memory_space<hbm>> -> memref<1x1x1x25x80xi32, #tpu.memory_space<hbm>>
      %dma_start3A_290 = tpu.memref_squeeze %dma_start3A_289 : memref<1x1x1x25x80xi32, #tpu.memory_space<hbm>> -> memref<25x80xi32, #tpu.memory_space<hbm>>
      tpu.enqueue_dma source(%dma_start3A_290 : memref<25x80xi32, #tpu.memory_space<hbm>>) target(%arg8 : memref<25x80xi32, #tpu.memory_space<vmem>>) target_semaphore(%run_scoped3A_282 : memref<!tpu.dma_semaphore, #tpu.memory_space<semaphore_mem>>)
      %dma_wait3A_291 = arith.constant 0 : i32
      %dma_wait3A_292 = arith.constant 0 : i32
      %dma_wait3A_293 = tpu.memref_slice %arg3[%run_scoped3A_60, %add3A, %run_scoped3A_61, %dma_wait3A_291, %dma_wait3A_292] : memref<2x32x5x25x80xi32, #tpu.memory_space<hbm>> -> memref<1x1x1x25x80xi32, #tpu.memory_space<hbm>>
      %dma_wait3A_294 = tpu.memref_squeeze %dma_wait3A_293 : memref<1x1x1x25x80xi32, #tpu.memory_space<hbm>> -> memref<25x80xi32, #tpu.memory_space<hbm>>
      %dma_wait3A_295 = arith.constant 0 : i32
      %dma_wait3A_296 = arith.constant 0 : i32
      %dma_wait3A_297 = tpu.memref_slice %arg3[%run_scoped3A_60, %add3A, %run_scoped3A_61, %dma_wait3A_295, %dma_wait3A_296] : memref<2x32x5x25x80xi32, #tpu.memory_space<hbm>> -> memref<1x1x1x25x80xi32, #tpu.memory_space<hbm>>
      %dma_wait3A_298 = tpu.memref_squeeze %dma_wait3A_297 : memref<1x1x1x25x80xi32, #tpu.memory_space<hbm>> -> memref<25x80xi32, #tpu.memory_space<hbm>>
      tpu.wait_dma2 semaphore(%run_scoped3A_282 : memref<!tpu.dma_semaphore, #tpu.memory_space<semaphore_mem>>) src(%dma_wait3A_298 : memref<25x80xi32, #tpu.memory_space<hbm>>) dst(%arg8 : memref<25x80xi32, #tpu.memory_space<vmem>>)
      tpu.yield
    }) : () -> ()
    %run_scoped3A_62 = arith.constant 1 : i32
    %run_scoped3A_63 = arith.constant 1 : i32
    "tpu.region"() ({
      %run_scoped3A_282 = tpu.sem_alloc : memref<!tpu.dma_semaphore, #tpu.memory_space<semaphore_mem>>
      %dma_start3A_283 = arith.constant 0 : i32
      %dma_start3A_284 = arith.constant 0 : i32
      %dma_start3A_285 = tpu.memref_slice %arg3[%run_scoped3A_62, %add3A, %run_scoped3A_63, %dma_start3A_283, %dma_start3A_284] : memref<2x32x5x25x80xi32, #tpu.memory_space<hbm>> -> memref<1x1x1x25x80xi32, #tpu.memory_space<hbm>>
      %dma_start3A_286 = tpu.memref_squeeze %dma_start3A_285 : memref<1x1x1x25x80xi32, #tpu.memory_space<hbm>> -> memref<25x80xi32, #tpu.memory_space<hbm>>
      %dma_start3A_287 = arith.constant 0 : i32
      %dma_start3A_288 = arith.constant 0 : i32
      %dma_start3A_289 = tpu.memref_slice %arg3[%run_scoped3A_62, %add3A, %run_scoped3A_63, %dma_start3A_287, %dma_start3A_288] : memref<2x32x5x25x80xi32, #tpu.memory_space<hbm>> -> memref<1x1x1x25x80xi32, #tpu.memory_space<hbm>>
      %dma_start3A_290 = tpu.memref_squeeze %dma_start3A_289 : memref<1x1x1x25x80xi32, #tpu.memory_space<hbm>> -> memref<25x80xi32, #tpu.memory_space<hbm>>
      tpu.enqueue_dma source(%dma_start3A_290 : memref<25x80xi32, #tpu.memory_space<hbm>>) target(%arg9 : memref<25x80xi32, #tpu.memory_space<vmem>>) target_semaphore(%run_scoped3A_282 : memref<!tpu.dma_semaphore, #tpu.memory_space<semaphore_mem>>)
      %dma_wait3A_291 = arith.constant 0 : i32
      %dma_wait3A_292 = arith.constant 0 : i32
      %dma_wait3A_293 = tpu.memref_slice %arg3[%run_scoped3A_62, %add3A, %run_scoped3A_63, %dma_wait3A_291, %dma_wait3A_292] : memref<2x32x5x25x80xi32, #tpu.memory_space<hbm>> -> memref<1x1x1x25x80xi32, #tpu.memory_space<hbm>>
      %dma_wait3A_294 = tpu.memref_squeeze %dma_wait3A_293 : memref<1x1x1x25x80xi32, #tpu.memory_space<hbm>> -> memref<25x80xi32, #tpu.memory_space<hbm>>
      %dma_wait3A_295 = arith.constant 0 : i32
      %dma_wait3A_296 = arith.constant 0 : i32
      %dma_wait3A_297 = tpu.memref_slice %arg3[%run_scoped3A_62, %add3A, %run_scoped3A_63, %dma_wait3A_295, %dma_wait3A_296] : memref<2x32x5x25x80xi32, #tpu.memory_space<hbm>> -> memref<1x1x1x25x80xi32, #tpu.memory_space<hbm>>
      %dma_wait3A_298 = tpu.memref_squeeze %dma_wait3A_297 : memref<1x1x1x25x80xi32, #tpu.memory_space<hbm>> -> memref<25x80xi32, #tpu.memory_space<hbm>>
      tpu.wait_dma2 semaphore(%run_scoped3A_282 : memref<!tpu.dma_semaphore, #tpu.memory_space<semaphore_mem>>) src(%dma_wait3A_298 : memref<25x80xi32, #tpu.memory_space<hbm>>) dst(%arg9 : memref<25x80xi32, #tpu.memory_space<vmem>>)
      tpu.yield
    }) : () -> ()
    %add3A_64 = arith.constant 2000 : i32
    %add3A_65 = arith.addi %mul3A_2, %add3A_64 : i32
    %dma_start3A_66 = arith.constant 0 : i32
    %dma_start3A_67 = arith.constant 0 : i32
    %dma_start3A_68 = tpu.memref_slice %arg8[%dma_start3A_66, %dma_start3A_67] : memref<25x80xi32, #tpu.memory_space<vmem>> -> memref<1x80xi32, #tpu.memory_space<vmem>>
    %dma_start3A_69 = tpu.memref_squeeze %dma_start3A_68 : memref<1x80xi32, #tpu.memory_space<vmem>> -> memref<80xi32, #tpu.memory_space<vmem>>
    %dma_start3A_70 = arith.constant 0 : i32
    %dma_start3A_71 = arith.constant 0 : i32
    %dma_start3A_72 = tpu.memref_slice %arg2[%dma_start3A_70, %dma_start3A_71] : memref<10000x128xf32, #tpu.memory_space<hbm>> -> memref<10000x128xf32, #tpu.memory_space<hbm>>
    tpu.enqueue_indirect_dma source(%dma_start3A_72 : memref<10000x128xf32, #tpu.memory_space<hbm>>) target(%arg10 : memref<80x128xf32, #tpu.memory_space<vmem>>) offsets(%dma_start3A_69 : memref<80xi32, #tpu.memory_space<vmem>>) semaphore(%arg14 : memref<!tpu.dma_semaphore, #tpu.memory_space<semaphore_mem>>)
    %add3A_73 = arith.constant 0 : i32
    %add3A_74 = arith.addi %add3A_65, %add3A_73 : i32
    %dma_start3A_75 = arith.constant 0 : i32
    %dma_start3A_76 = tpu.memref_slice %arg4[%add3A_74, %dma_start3A_75] : memref<320000x128xf32, #tpu.memory_space<hbm>> -> memref<80x128xf32, #tpu.memory_space<hbm>>
    %dma_start3A_77 = arith.constant 0 : i32
    %dma_start3A_78 = tpu.memref_slice %arg4[%add3A_74, %dma_start3A_77] : memref<320000x128xf32, #tpu.memory_space<hbm>> -> memref<80x128xf32, #tpu.memory_space<hbm>>
    tpu.enqueue_dma source(%dma_start3A_78 : memref<80x128xf32, #tpu.memory_space<hbm>>) target(%arg12 : memref<80x128xf32, #tpu.memory_space<vmem>>) target_semaphore(%arg16 : memref<!tpu.dma_semaphore, #tpu.memory_space<semaphore_mem>>)
    %scan3A_79 = arith.constant 0 : i32
    %scan3A_80 = arith.constant 0 : i32
    %scan3A_81 = arith.constant 12 : i32
    %scan3A_82 = arith.addi %scan3A_80, %scan3A_81 : i32
    %scan3A_83 = arith.constant 1 : i32
    scf.for %scan3A_282 = %scan3A_80 to %scan3A_82 step %scan3A_83  : i32 {
      %mul3A_283 = arith.constant 2 : i32
      %mul3A_284 = arith.muli %mul3A_283, %scan3A_282 : i32
      %add3A_285 = arith.constant 1 : i32
      %add3A_286 = arith.addi %mul3A_284, %add3A_285 : i32
      %dma_start3A_287 = arith.constant 0 : i32
      %dma_start3A_288 = tpu.memref_slice %arg8[%add3A_286, %dma_start3A_287] : memref<25x80xi32, #tpu.memory_space<vmem>> -> memref<1x80xi32, #tpu.memory_space<vmem>>
      %dma_start3A_289 = tpu.memref_squeeze %dma_start3A_288 : memref<1x80xi32, #tpu.memory_space<vmem>> -> memref<80xi32, #tpu.memory_space<vmem>>
      %dma_start3A_290 = arith.constant 0 : i32
      %dma_start3A_291 = arith.constant 0 : i32
      %dma_start3A_292 = tpu.memref_slice %arg2[%dma_start3A_290, %dma_start3A_291] : memref<10000x128xf32, #tpu.memory_space<hbm>> -> memref<10000x128xf32, #tpu.memory_space<hbm>>
      tpu.enqueue_indirect_dma source(%dma_start3A_292 : memref<10000x128xf32, #tpu.memory_space<hbm>>) target(%arg11 : memref<80x128xf32, #tpu.memory_space<vmem>>) offsets(%dma_start3A_289 : memref<80xi32, #tpu.memory_space<vmem>>) semaphore(%arg15 : memref<!tpu.dma_semaphore, #tpu.memory_space<semaphore_mem>>)
      %mul3A_293 = arith.constant 80 : i32
      %mul3A_294 = arith.muli %add3A_286, %mul3A_293 : i32
      %add3A_295 = arith.addi %add3A_65, %mul3A_294 : i32
      %dma_start3A_296 = arith.constant 0 : i32
      %dma_start3A_297 = tpu.memref_slice %arg4[%add3A_295, %dma_start3A_296] : memref<320000x128xf32, #tpu.memory_space<hbm>> -> memref<80x128xf32, #tpu.memory_space<hbm>>
      %dma_start3A_298 = arith.constant 0 : i32
      %dma_start3A_299 = tpu.memref_slice %arg4[%add3A_295, %dma_start3A_298] : memref<320000x128xf32, #tpu.memory_space<hbm>> -> memref<80x128xf32, #tpu.memory_space<hbm>>
      tpu.enqueue_dma source(%dma_start3A_299 : memref<80x128xf32, #tpu.memory_space<hbm>>) target(%arg13 : memref<80x128xf32, #tpu.memory_space<vmem>>) target_semaphore(%arg17 : memref<!tpu.dma_semaphore, #tpu.memory_space<semaphore_mem>>)
      %dma_wait3A_300 = arith.constant 0 : i32
      %dma_wait3A_301 = tpu.memref_slice %arg8[%mul3A_284, %dma_wait3A_300] : memref<25x80xi32, #tpu.memory_space<vmem>> -> memref<1x80xi32, #tpu.memory_space<vmem>>
      %dma_wait3A_302 = tpu.memref_squeeze %dma_wait3A_301 : memref<1x80xi32, #tpu.memory_space<vmem>> -> memref<80xi32, #tpu.memory_space<vmem>>
      %dma_wait3A_303 = arith.constant 0 : i32
      %dma_wait3A_304 = arith.constant 0 : i32
      %dma_wait3A_305 = tpu.memref_slice %arg2[%dma_wait3A_303, %dma_wait3A_304] : memref<10000x128xf32, #tpu.memory_space<hbm>> -> memref<10000x128xf32, #tpu.memory_space<hbm>>
      tpu.wait_indirect_dma semaphore(%arg14 : memref<!tpu.dma_semaphore, #tpu.memory_space<semaphore_mem>>) src(%dma_wait3A_305 : memref<10000x128xf32, #tpu.memory_space<hbm>>) dst(%arg10 : memref<80x128xf32, #tpu.memory_space<vmem>>)
      %mul3A_306 = arith.constant 80 : i32
      %mul3A_307 = arith.muli %mul3A_284, %mul3A_306 : i32
      %add3A_308 = arith.addi %add3A_65, %mul3A_307 : i32
      %dma_wait3A_309 = arith.constant 0 : i32
      %dma_wait3A_310 = tpu.memref_slice %arg4[%add3A_308, %dma_wait3A_309] : memref<320000x128xf32, #tpu.memory_space<hbm>> -> memref<80x128xf32, #tpu.memory_space<hbm>>
      %dma_wait3A_311 = arith.constant 0 : i32
      %dma_wait3A_312 = tpu.memref_slice %arg4[%add3A_308, %dma_wait3A_311] : memref<320000x128xf32, #tpu.memory_space<hbm>> -> memref<80x128xf32, #tpu.memory_space<hbm>>
      tpu.wait_dma2 semaphore(%arg16 : memref<!tpu.dma_semaphore, #tpu.memory_space<semaphore_mem>>) src(%dma_wait3A_312 : memref<80x128xf32, #tpu.memory_space<hbm>>) dst(%arg12 : memref<80x128xf32, #tpu.memory_space<vmem>>)
      %dma_start3A_313 = arith.constant 0 : i32
      %dma_start3A_314 = tpu.memref_slice %arg9[%mul3A_284, %dma_start3A_313] : memref<25x80xi32, #tpu.memory_space<vmem>> -> memref<1x80xi32, #tpu.memory_space<vmem>>
      %dma_start3A_315 = tpu.memref_squeeze %dma_start3A_314 : memref<1x80xi32, #tpu.memory_space<vmem>> -> memref<80xi32, #tpu.memory_space<vmem>>
      %dma_start3A_316 = arith.constant 0 : i32
      %dma_start3A_317 = arith.constant 0 : i32
      %dma_start3A_318 = tpu.memref_slice %arg7[%dma_start3A_316, %dma_start3A_317] : memref<10240x128xf32, #tpu.memory_space<vmem_shared>> -> memref<10240x128xf32, #tpu.memory_space<vmem_shared>>
      tpu.enqueue_indirect_dma source(%arg12 : memref<80x128xf32, #tpu.memory_space<vmem>>) target(%dma_start3A_318 : memref<10240x128xf32, #tpu.memory_space<vmem_shared>>) offsets(%dma_start3A_315 : memref<80xi32, #tpu.memory_space<vmem>>) semaphore(%arg16 : memref<!tpu.dma_semaphore, #tpu.memory_space<semaphore_mem>>) {add = true}
      "tpu.region"() ({
        %run_scoped3A_367 = tpu.sem_alloc : memref<!tpu.dma_semaphore, #tpu.memory_space<semaphore_mem>>
        %dma_start3A_368 = arith.constant 0 : i32
        %dma_start3A_369 = tpu.memref_slice %arg9[%mul3A_284, %dma_start3A_368] : memref<25x80xi32, #tpu.memory_space<vmem>> -> memref<1x80xi32, #tpu.memory_space<vmem>>
        %dma_start3A_370 = tpu.memref_squeeze %dma_start3A_369 : memref<1x80xi32, #tpu.memory_space<vmem>> -> memref<80xi32, #tpu.memory_space<vmem>>
        %dma_start3A_371 = arith.constant 0 : i32
        %dma_start3A_372 = arith.constant 0 : i32
        %dma_start3A_373 = tpu.memref_slice %arg7[%dma_start3A_371, %dma_start3A_372] : memref<10240x128xf32, #tpu.memory_space<vmem_shared>> -> memref<10240x128xf32, #tpu.memory_space<vmem_shared>>
        tpu.enqueue_indirect_dma source(%arg10 : memref<80x128xf32, #tpu.memory_space<vmem>>) target(%dma_start3A_373 : memref<10240x128xf32, #tpu.memory_space<vmem_shared>>) offsets(%dma_start3A_370 : memref<80xi32, #tpu.memory_space<vmem>>) semaphore(%run_scoped3A_367 : memref<!tpu.dma_semaphore, #tpu.memory_space<semaphore_mem>>) {add = true}
        %dma_wait3A_374 = arith.constant 0 : i32
        %dma_wait3A_375 = tpu.memref_slice %arg9[%mul3A_284, %dma_wait3A_374] : memref<25x80xi32, #tpu.memory_space<vmem>> -> memref<1x80xi32, #tpu.memory_space<vmem>>
        %dma_wait3A_376 = tpu.memref_squeeze %dma_wait3A_375 : memref<1x80xi32, #tpu.memory_space<vmem>> -> memref<80xi32, #tpu.memory_space<vmem>>
        %dma_wait3A_377 = arith.constant 0 : i32
        %dma_wait3A_378 = arith.constant 0 : i32
        %dma_wait3A_379 = tpu.memref_slice %arg7[%dma_wait3A_377, %dma_wait3A_378] : memref<10240x128xf32, #tpu.memory_space<vmem_shared>> -> memref<10240x128xf32, #tpu.memory_space<vmem_shared>>
        tpu.wait_indirect_dma semaphore(%run_scoped3A_367 : memref<!tpu.dma_semaphore, #tpu.memory_space<semaphore_mem>>) src(%arg10 : memref<80x128xf32, #tpu.memory_space<vmem>>) dst(%dma_wait3A_379 : memref<10240x128xf32, #tpu.memory_space<vmem_shared>>)
        tpu.yield
      }) : () -> ()
      %dma_wait3A_319 = arith.constant 0 : i32
      %dma_wait3A_320 = tpu.memref_slice %arg9[%mul3A_284, %dma_wait3A_319] : memref<25x80xi32, #tpu.memory_space<vmem>> -> memref<1x80xi32, #tpu.memory_space<vmem>>
      %dma_wait3A_321 = tpu.memref_squeeze %dma_wait3A_320 : memref<1x80xi32, #tpu.memory_space<vmem>> -> memref<80xi32, #tpu.memory_space<vmem>>
      %dma_wait3A_322 = arith.constant 0 : i32
      %dma_wait3A_323 = arith.constant 0 : i32
      %dma_wait3A_324 = tpu.memref_slice %arg7[%dma_wait3A_322, %dma_wait3A_323] : memref<10240x128xf32, #tpu.memory_space<vmem_shared>> -> memref<10240x128xf32, #tpu.memory_space<vmem_shared>>
      tpu.wait_indirect_dma semaphore(%arg16 : memref<!tpu.dma_semaphore, #tpu.memory_space<semaphore_mem>>) src(%arg12 : memref<80x128xf32, #tpu.memory_space<vmem>>) dst(%dma_wait3A_324 : memref<10240x128xf32, #tpu.memory_space<vmem_shared>>)
      %add3A_325 = arith.constant 2 : i32
      %add3A_326 = arith.addi %mul3A_284, %add3A_325 : i32
      %dma_start3A_327 = arith.constant 0 : i32
      %dma_start3A_328 = tpu.memref_slice %arg8[%add3A_326, %dma_start3A_327] : memref<25x80xi32, #tpu.memory_space<vmem>> -> memref<1x80xi32, #tpu.memory_space<vmem>>
      %dma_start3A_329 = tpu.memref_squeeze %dma_start3A_328 : memref<1x80xi32, #tpu.memory_space<vmem>> -> memref<80xi32, #tpu.memory_space<vmem>>
      %dma_start3A_330 = arith.constant 0 : i32
      %dma_start3A_331 = arith.constant 0 : i32
      %dma_start3A_332 = tpu.memref_slice %arg2[%dma_start3A_330, %dma_start3A_331] : memref<10000x128xf32, #tpu.memory_space<hbm>> -> memref<10000x128xf32, #tpu.memory_space<hbm>>
      tpu.enqueue_indirect_dma source(%dma_start3A_332 : memref<10000x128xf32, #tpu.memory_space<hbm>>) target(%arg10 : memref<80x128xf32, #tpu.memory_space<vmem>>) offsets(%dma_start3A_329 : memref<80xi32, #tpu.memory_space<vmem>>) semaphore(%arg14 : memref<!tpu.dma_semaphore, #tpu.memory_space<semaphore_mem>>)
      %mul3A_333 = arith.constant 80 : i32
      %mul3A_334 = arith.muli %add3A_326, %mul3A_333 : i32
      %add3A_335 = arith.addi %add3A_65, %mul3A_334 : i32
      %dma_start3A_336 = arith.constant 0 : i32
      %dma_start3A_337 = tpu.memref_slice %arg4[%add3A_335, %dma_start3A_336] : memref<320000x128xf32, #tpu.memory_space<hbm>> -> memref<80x128xf32, #tpu.memory_space<hbm>>
      %dma_start3A_338 = arith.constant 0 : i32
      %dma_start3A_339 = tpu.memref_slice %arg4[%add3A_335, %dma_start3A_338] : memref<320000x128xf32, #tpu.memory_space<hbm>> -> memref<80x128xf32, #tpu.memory_space<hbm>>
      tpu.enqueue_dma source(%dma_start3A_339 : memref<80x128xf32, #tpu.memory_space<hbm>>) target(%arg12 : memref<80x128xf32, #tpu.memory_space<vmem>>) target_semaphore(%arg16 : memref<!tpu.dma_semaphore, #tpu.memory_space<semaphore_mem>>)
      %add3A_340 = arith.constant 1 : i32
      %add3A_341 = arith.addi %mul3A_284, %add3A_340 : i32
      %dma_wait3A_342 = arith.constant 0 : i32
      %dma_wait3A_343 = tpu.memref_slice %arg8[%add3A_341, %dma_wait3A_342] : memref<25x80xi32, #tpu.memory_space<vmem>> -> memref<1x80xi32, #tpu.memory_space<vmem>>
      %dma_wait3A_344 = tpu.memref_squeeze %dma_wait3A_343 : memref<1x80xi32, #tpu.memory_space<vmem>> -> memref<80xi32, #tpu.memory_space<vmem>>
      %dma_wait3A_345 = arith.constant 0 : i32
      %dma_wait3A_346 = arith.constant 0 : i32
      %dma_wait3A_347 = tpu.memref_slice %arg2[%dma_wait3A_345, %dma_wait3A_346] : memref<10000x128xf32, #tpu.memory_space<hbm>> -> memref<10000x128xf32, #tpu.memory_space<hbm>>
      tpu.wait_indirect_dma semaphore(%arg15 : memref<!tpu.dma_semaphore, #tpu.memory_space<semaphore_mem>>) src(%dma_wait3A_347 : memref<10000x128xf32, #tpu.memory_space<hbm>>) dst(%arg11 : memref<80x128xf32, #tpu.memory_space<vmem>>)
      %mul3A_348 = arith.constant 80 : i32
      %mul3A_349 = arith.muli %add3A_341, %mul3A_348 : i32
      %add3A_350 = arith.addi %add3A_65, %mul3A_349 : i32
      %dma_wait3A_351 = arith.constant 0 : i32
      %dma_wait3A_352 = tpu.memref_slice %arg4[%add3A_350, %dma_wait3A_351] : memref<320000x128xf32, #tpu.memory_space<hbm>> -> memref<80x128xf32, #tpu.memory_space<hbm>>
      %dma_wait3A_353 = arith.constant 0 : i32
      %dma_wait3A_354 = tpu.memref_slice %arg4[%add3A_350, %dma_wait3A_353] : memref<320000x128xf32, #tpu.memory_space<hbm>> -> memref<80x128xf32, #tpu.memory_space<hbm>>
      tpu.wait_dma2 semaphore(%arg17 : memref<!tpu.dma_semaphore, #tpu.memory_space<semaphore_mem>>) src(%dma_wait3A_354 : memref<80x128xf32, #tpu.memory_space<hbm>>) dst(%arg13 : memref<80x128xf32, #tpu.memory_space<vmem>>)
      %dma_start3A_355 = arith.constant 0 : i32
      %dma_start3A_356 = tpu.memref_slice %arg9[%add3A_341, %dma_start3A_355] : memref<25x80xi32, #tpu.memory_space<vmem>> -> memref<1x80xi32, #tpu.memory_space<vmem>>
      %dma_start3A_357 = tpu.memref_squeeze %dma_start3A_356 : memref<1x80xi32, #tpu.memory_space<vmem>> -> memref<80xi32, #tpu.memory_space<vmem>>
      %dma_start3A_358 = arith.constant 0 : i32
      %dma_start3A_359 = arith.constant 0 : i32
      %dma_start3A_360 = tpu.memref_slice %arg7[%dma_start3A_358, %dma_start3A_359] : memref<10240x128xf32, #tpu.memory_space<vmem_shared>> -> memref<10240x128xf32, #tpu.memory_space<vmem_shared>>
      tpu.enqueue_indirect_dma source(%arg13 : memref<80x128xf32, #tpu.memory_space<vmem>>) target(%dma_start3A_360 : memref<10240x128xf32, #tpu.memory_space<vmem_shared>>) offsets(%dma_start3A_357 : memref<80xi32, #tpu.memory_space<vmem>>) semaphore(%arg17 : memref<!tpu.dma_semaphore, #tpu.memory_space<semaphore_mem>>) {add = true}
      "tpu.region"() ({
        %run_scoped3A_367 = tpu.sem_alloc : memref<!tpu.dma_semaphore, #tpu.memory_space<semaphore_mem>>
        %dma_start3A_368 = arith.constant 0 : i32
        %dma_start3A_369 = tpu.memref_slice %arg9[%add3A_341, %dma_start3A_368] : memref<25x80xi32, #tpu.memory_space<vmem>> -> memref<1x80xi32, #tpu.memory_space<vmem>>
        %dma_start3A_370 = tpu.memref_squeeze %dma_start3A_369 : memref<1x80xi32, #tpu.memory_space<vmem>> -> memref<80xi32, #tpu.memory_space<vmem>>
        %dma_start3A_371 = arith.constant 0 : i32
        %dma_start3A_372 = arith.constant 0 : i32
        %dma_start3A_373 = tpu.memref_slice %arg7[%dma_start3A_371, %dma_start3A_372] : memref<10240x128xf32, #tpu.memory_space<vmem_shared>> -> memref<10240x128xf32, #tpu.memory_space<vmem_shared>>
        tpu.enqueue_indirect_dma source(%arg11 : memref<80x128xf32, #tpu.memory_space<vmem>>) target(%dma_start3A_373 : memref<10240x128xf32, #tpu.memory_space<vmem_shared>>) offsets(%dma_start3A_370 : memref<80xi32, #tpu.memory_space<vmem>>) semaphore(%run_scoped3A_367 : memref<!tpu.dma_semaphore, #tpu.memory_space<semaphore_mem>>) {add = true}
        %dma_wait3A_374 = arith.constant 0 : i32
        %dma_wait3A_375 = tpu.memref_slice %arg9[%add3A_341, %dma_wait3A_374] : memref<25x80xi32, #tpu.memory_space<vmem>> -> memref<1x80xi32, #tpu.memory_space<vmem>>
        %dma_wait3A_376 = tpu.memref_squeeze %dma_wait3A_375 : memref<1x80xi32, #tpu.memory_space<vmem>> -> memref<80xi32, #tpu.memory_space<vmem>>
        %dma_wait3A_377 = arith.constant 0 : i32
        %dma_wait3A_378 = arith.constant 0 : i32
        %dma_wait3A_379 = tpu.memref_slice %arg7[%dma_wait3A_377, %dma_wait3A_378] : memref<10240x128xf32, #tpu.memory_space<vmem_shared>> -> memref<10240x128xf32, #tpu.memory_space<vmem_shared>>
        tpu.wait_indirect_dma semaphore(%run_scoped3A_367 : memref<!tpu.dma_semaphore, #tpu.memory_space<semaphore_mem>>) src(%arg11 : memref<80x128xf32, #tpu.memory_space<vmem>>) dst(%dma_wait3A_379 : memref<10240x128xf32, #tpu.memory_space<vmem_shared>>)
        tpu.yield
      }) : () -> ()
      %dma_wait3A_361 = arith.constant 0 : i32
      %dma_wait3A_362 = tpu.memref_slice %arg9[%add3A_341, %dma_wait3A_361] : memref<25x80xi32, #tpu.memory_space<vmem>> -> memref<1x80xi32, #tpu.memory_space<vmem>>
      %dma_wait3A_363 = tpu.memref_squeeze %dma_wait3A_362 : memref<1x80xi32, #tpu.memory_space<vmem>> -> memref<80xi32, #tpu.memory_space<vmem>>
      %dma_wait3A_364 = arith.constant 0 : i32
      %dma_wait3A_365 = arith.constant 0 : i32
      %dma_wait3A_366 = tpu.memref_slice %arg7[%dma_wait3A_364, %dma_wait3A_365] : memref<10240x128xf32, #tpu.memory_space<vmem_shared>> -> memref<10240x128xf32, #tpu.memory_space<vmem_shared>>
      tpu.wait_indirect_dma semaphore(%arg17 : memref<!tpu.dma_semaphore, #tpu.memory_space<semaphore_mem>>) src(%arg13 : memref<80x128xf32, #tpu.memory_space<vmem>>) dst(%dma_wait3A_366 : memref<10240x128xf32, #tpu.memory_space<vmem_shared>>)
    }
    %scan3A_84 = arith.constant 12 : i32
    %dma_wait3A_85 = arith.constant 24 : i32
    %dma_wait3A_86 = arith.constant 0 : i32
    %dma_wait3A_87 = tpu.memref_slice %arg8[%dma_wait3A_85, %dma_wait3A_86] : memref<25x80xi32, #tpu.memory_space<vmem>> -> memref<1x80xi32, #tpu.memory_space<vmem>>
    %dma_wait3A_88 = tpu.memref_squeeze %dma_wait3A_87 : memref<1x80xi32, #tpu.memory_space<vmem>> -> memref<80xi32, #tpu.memory_space<vmem>>
    %dma_wait3A_89 = arith.constant 0 : i32
    %dma_wait3A_90 = arith.constant 0 : i32
    %dma_wait3A_91 = tpu.memref_slice %arg2[%dma_wait3A_89, %dma_wait3A_90] : memref<10000x128xf32, #tpu.memory_space<hbm>> -> memref<10000x128xf32, #tpu.memory_space<hbm>>
    tpu.wait_indirect_dma semaphore(%arg14 : memref<!tpu.dma_semaphore, #tpu.memory_space<semaphore_mem>>) src(%dma_wait3A_91 : memref<10000x128xf32, #tpu.memory_space<hbm>>) dst(%arg10 : memref<80x128xf32, #tpu.memory_space<vmem>>)
    %add3A_92 = arith.constant 1920 : i32
    %add3A_93 = arith.addi %add3A_65, %add3A_92 : i32
    %dma_wait3A_94 = arith.constant 0 : i32
    %dma_wait3A_95 = tpu.memref_slice %arg4[%add3A_93, %dma_wait3A_94] : memref<320000x128xf32, #tpu.memory_space<hbm>> -> memref<80x128xf32, #tpu.memory_space<hbm>>
    %dma_wait3A_96 = arith.constant 0 : i32
    %dma_wait3A_97 = tpu.memref_slice %arg4[%add3A_93, %dma_wait3A_96] : memref<320000x128xf32, #tpu.memory_space<hbm>> -> memref<80x128xf32, #tpu.memory_space<hbm>>
    tpu.wait_dma2 semaphore(%arg16 : memref<!tpu.dma_semaphore, #tpu.memory_space<semaphore_mem>>) src(%dma_wait3A_97 : memref<80x128xf32, #tpu.memory_space<hbm>>) dst(%arg12 : memref<80x128xf32, #tpu.memory_space<vmem>>)
    %dma_start3A_98 = arith.constant 24 : i32
    %dma_start3A_99 = arith.constant 0 : i32
    %dma_start3A_100 = tpu.memref_slice %arg9[%dma_start3A_98, %dma_start3A_99] : memref<25x80xi32, #tpu.memory_space<vmem>> -> memref<1x80xi32, #tpu.memory_space<vmem>>
    %dma_start3A_101 = tpu.memref_squeeze %dma_start3A_100 : memref<1x80xi32, #tpu.memory_space<vmem>> -> memref<80xi32, #tpu.memory_space<vmem>>
    %dma_start3A_102 = arith.constant 0 : i32
    %dma_start3A_103 = arith.constant 0 : i32
    %dma_start3A_104 = tpu.memref_slice %arg7[%dma_start3A_102, %dma_start3A_103] : memref<10240x128xf32, #tpu.memory_space<vmem_shared>> -> memref<10240x128xf32, #tpu.memory_space<vmem_shared>>
    tpu.enqueue_indirect_dma source(%arg12 : memref<80x128xf32, #tpu.memory_space<vmem>>) target(%dma_start3A_104 : memref<10240x128xf32, #tpu.memory_space<vmem_shared>>) offsets(%dma_start3A_101 : memref<80xi32, #tpu.memory_space<vmem>>) semaphore(%arg16 : memref<!tpu.dma_semaphore, #tpu.memory_space<semaphore_mem>>) {add = true}
    %run_scoped3A_105 = arith.constant 24 : i32
    "tpu.region"() ({
      %run_scoped3A_282 = tpu.sem_alloc : memref<!tpu.dma_semaphore, #tpu.memory_space<semaphore_mem>>
      %dma_start3A_283 = arith.constant 0 : i32
      %dma_start3A_284 = tpu.memref_slice %arg9[%run_scoped3A_105, %dma_start3A_283] : memref<25x80xi32, #tpu.memory_space<vmem>> -> memref<1x80xi32, #tpu.memory_space<vmem>>
      %dma_start3A_285 = tpu.memref_squeeze %dma_start3A_284 : memref<1x80xi32, #tpu.memory_space<vmem>> -> memref<80xi32, #tpu.memory_space<vmem>>
      %dma_start3A_286 = arith.constant 0 : i32
      %dma_start3A_287 = arith.constant 0 : i32
      %dma_start3A_288 = tpu.memref_slice %arg7[%dma_start3A_286, %dma_start3A_287] : memref<10240x128xf32, #tpu.memory_space<vmem_shared>> -> memref<10240x128xf32, #tpu.memory_space<vmem_shared>>
      tpu.enqueue_indirect_dma source(%arg10 : memref<80x128xf32, #tpu.memory_space<vmem>>) target(%dma_start3A_288 : memref<10240x128xf32, #tpu.memory_space<vmem_shared>>) offsets(%dma_start3A_285 : memref<80xi32, #tpu.memory_space<vmem>>) semaphore(%run_scoped3A_282 : memref<!tpu.dma_semaphore, #tpu.memory_space<semaphore_mem>>) {add = true}
      %dma_wait3A_289 = arith.constant 0 : i32
      %dma_wait3A_290 = tpu.memref_slice %arg9[%run_scoped3A_105, %dma_wait3A_289] : memref<25x80xi32, #tpu.memory_space<vmem>> -> memref<1x80xi32, #tpu.memory_space<vmem>>
      %dma_wait3A_291 = tpu.memref_squeeze %dma_wait3A_290 : memref<1x80xi32, #tpu.memory_space<vmem>> -> memref<80xi32, #tpu.memory_space<vmem>>
      %dma_wait3A_292 = arith.constant 0 : i32
      %dma_wait3A_293 = arith.constant 0 : i32
      %dma_wait3A_294 = tpu.memref_slice %arg7[%dma_wait3A_292, %dma_wait3A_293] : memref<10240x128xf32, #tpu.memory_space<vmem_shared>> -> memref<10240x128xf32, #tpu.memory_space<vmem_shared>>
      tpu.wait_indirect_dma semaphore(%run_scoped3A_282 : memref<!tpu.dma_semaphore, #tpu.memory_space<semaphore_mem>>) src(%arg10 : memref<80x128xf32, #tpu.memory_space<vmem>>) dst(%dma_wait3A_294 : memref<10240x128xf32, #tpu.memory_space<vmem_shared>>)
      tpu.yield
    }) : () -> ()
    %dma_wait3A_106 = arith.constant 24 : i32
    %dma_wait3A_107 = arith.constant 0 : i32
    %dma_wait3A_108 = tpu.memref_slice %arg9[%dma_wait3A_106, %dma_wait3A_107] : memref<25x80xi32, #tpu.memory_space<vmem>> -> memref<1x80xi32, #tpu.memory_space<vmem>>
    %dma_wait3A_109 = tpu.memref_squeeze %dma_wait3A_108 : memref<1x80xi32, #tpu.memory_space<vmem>> -> memref<80xi32, #tpu.memory_space<vmem>>
    %dma_wait3A_110 = arith.constant 0 : i32
    %dma_wait3A_111 = arith.constant 0 : i32
    %dma_wait3A_112 = tpu.memref_slice %arg7[%dma_wait3A_110, %dma_wait3A_111] : memref<10240x128xf32, #tpu.memory_space<vmem_shared>> -> memref<10240x128xf32, #tpu.memory_space<vmem_shared>>
    tpu.wait_indirect_dma semaphore(%arg16 : memref<!tpu.dma_semaphore, #tpu.memory_space<semaphore_mem>>) src(%arg12 : memref<80x128xf32, #tpu.memory_space<vmem>>) dst(%dma_wait3A_112 : memref<10240x128xf32, #tpu.memory_space<vmem_shared>>)
    %run_scoped3A_113 = arith.constant 0 : i32
    %run_scoped3A_114 = arith.constant 2 : i32
    "tpu.region"() ({
      %run_scoped3A_282 = tpu.sem_alloc : memref<!tpu.dma_semaphore, #tpu.memory_space<semaphore_mem>>
      %dma_start3A_283 = arith.constant 0 : i32
      %dma_start3A_284 = arith.constant 0 : i32
      %dma_start3A_285 = tpu.memref_slice %arg3[%run_scoped3A_113, %add3A, %run_scoped3A_114, %dma_start3A_283, %dma_start3A_284] : memref<2x32x5x25x80xi32, #tpu.memory_space<hbm>> -> memref<1x1x1x25x80xi32, #tpu.memory_space<hbm>>
      %dma_start3A_286 = tpu.memref_squeeze %dma_start3A_285 : memref<1x1x1x25x80xi32, #tpu.memory_space<hbm>> -> memref<25x80xi32, #tpu.memory_space<hbm>>
      %dma_start3A_287 = arith.constant 0 : i32
      %dma_start3A_288 = arith.constant 0 : i32
      %dma_start3A_289 = tpu.memref_slice %arg3[%run_scoped3A_113, %add3A, %run_scoped3A_114, %dma_start3A_287, %dma_start3A_288] : memref<2x32x5x25x80xi32, #tpu.memory_space<hbm>> -> memref<1x1x1x25x80xi32, #tpu.memory_space<hbm>>
      %dma_start3A_290 = tpu.memref_squeeze %dma_start3A_289 : memref<1x1x1x25x80xi32, #tpu.memory_space<hbm>> -> memref<25x80xi32, #tpu.memory_space<hbm>>
      tpu.enqueue_dma source(%dma_start3A_290 : memref<25x80xi32, #tpu.memory_space<hbm>>) target(%arg8 : memref<25x80xi32, #tpu.memory_space<vmem>>) target_semaphore(%run_scoped3A_282 : memref<!tpu.dma_semaphore, #tpu.memory_space<semaphore_mem>>)
      %dma_wait3A_291 = arith.constant 0 : i32
      %dma_wait3A_292 = arith.constant 0 : i32
      %dma_wait3A_293 = tpu.memref_slice %arg3[%run_scoped3A_113, %add3A, %run_scoped3A_114, %dma_wait3A_291, %dma_wait3A_292] : memref<2x32x5x25x80xi32, #tpu.memory_space<hbm>> -> memref<1x1x1x25x80xi32, #tpu.memory_space<hbm>>
      %dma_wait3A_294 = tpu.memref_squeeze %dma_wait3A_293 : memref<1x1x1x25x80xi32, #tpu.memory_space<hbm>> -> memref<25x80xi32, #tpu.memory_space<hbm>>
      %dma_wait3A_295 = arith.constant 0 : i32
      %dma_wait3A_296 = arith.constant 0 : i32
      %dma_wait3A_297 = tpu.memref_slice %arg3[%run_scoped3A_113, %add3A, %run_scoped3A_114, %dma_wait3A_295, %dma_wait3A_296] : memref<2x32x5x25x80xi32, #tpu.memory_space<hbm>> -> memref<1x1x1x25x80xi32, #tpu.memory_space<hbm>>
      %dma_wait3A_298 = tpu.memref_squeeze %dma_wait3A_297 : memref<1x1x1x25x80xi32, #tpu.memory_space<hbm>> -> memref<25x80xi32, #tpu.memory_space<hbm>>
      tpu.wait_dma2 semaphore(%run_scoped3A_282 : memref<!tpu.dma_semaphore, #tpu.memory_space<semaphore_mem>>) src(%dma_wait3A_298 : memref<25x80xi32, #tpu.memory_space<hbm>>) dst(%arg8 : memref<25x80xi32, #tpu.memory_space<vmem>>)
      tpu.yield
    }) : () -> ()
    %run_scoped3A_115 = arith.constant 1 : i32
    %run_scoped3A_116 = arith.constant 2 : i32
    "tpu.region"() ({
      %run_scoped3A_282 = tpu.sem_alloc : memref<!tpu.dma_semaphore, #tpu.memory_space<semaphore_mem>>
      %dma_start3A_283 = arith.constant 0 : i32
      %dma_start3A_284 = arith.constant 0 : i32
      %dma_start3A_285 = tpu.memref_slice %arg3[%run_scoped3A_115, %add3A, %run_scoped3A_116, %dma_start3A_283, %dma_start3A_284] : memref<2x32x5x25x80xi32, #tpu.memory_space<hbm>> -> memref<1x1x1x25x80xi32, #tpu.memory_space<hbm>>
      %dma_start3A_286 = tpu.memref_squeeze %dma_start3A_285 : memref<1x1x1x25x80xi32, #tpu.memory_space<hbm>> -> memref<25x80xi32, #tpu.memory_space<hbm>>
      %dma_start3A_287 = arith.constant 0 : i32
      %dma_start3A_288 = arith.constant 0 : i32
      %dma_start3A_289 = tpu.memref_slice %arg3[%run_scoped3A_115, %add3A, %run_scoped3A_116, %dma_start3A_287, %dma_start3A_288] : memref<2x32x5x25x80xi32, #tpu.memory_space<hbm>> -> memref<1x1x1x25x80xi32, #tpu.memory_space<hbm>>
      %dma_start3A_290 = tpu.memref_squeeze %dma_start3A_289 : memref<1x1x1x25x80xi32, #tpu.memory_space<hbm>> -> memref<25x80xi32, #tpu.memory_space<hbm>>
      tpu.enqueue_dma source(%dma_start3A_290 : memref<25x80xi32, #tpu.memory_space<hbm>>) target(%arg9 : memref<25x80xi32, #tpu.memory_space<vmem>>) target_semaphore(%run_scoped3A_282 : memref<!tpu.dma_semaphore, #tpu.memory_space<semaphore_mem>>)
      %dma_wait3A_291 = arith.constant 0 : i32
      %dma_wait3A_292 = arith.constant 0 : i32
      %dma_wait3A_293 = tpu.memref_slice %arg3[%run_scoped3A_115, %add3A, %run_scoped3A_116, %dma_wait3A_291, %dma_wait3A_292] : memref<2x32x5x25x80xi32, #tpu.memory_space<hbm>> -> memref<1x1x1x25x80xi32, #tpu.memory_space<hbm>>
      %dma_wait3A_294 = tpu.memref_squeeze %dma_wait3A_293 : memref<1x1x1x25x80xi32, #tpu.memory_space<hbm>> -> memref<25x80xi32, #tpu.memory_space<hbm>>
      %dma_wait3A_295 = arith.constant 0 : i32
      %dma_wait3A_296 = arith.constant 0 : i32
      %dma_wait3A_297 = tpu.memref_slice %arg3[%run_scoped3A_115, %add3A, %run_scoped3A_116, %dma_wait3A_295, %dma_wait3A_296] : memref<2x32x5x25x80xi32, #tpu.memory_space<hbm>> -> memref<1x1x1x25x80xi32, #tpu.memory_space<hbm>>
      %dma_wait3A_298 = tpu.memref_squeeze %dma_wait3A_297 : memref<1x1x1x25x80xi32, #tpu.memory_space<hbm>> -> memref<25x80xi32, #tpu.memory_space<hbm>>
      tpu.wait_dma2 semaphore(%run_scoped3A_282 : memref<!tpu.dma_semaphore, #tpu.memory_space<semaphore_mem>>) src(%dma_wait3A_298 : memref<25x80xi32, #tpu.memory_space<hbm>>) dst(%arg9 : memref<25x80xi32, #tpu.memory_space<vmem>>)
      tpu.yield
    }) : () -> ()
    %add3A_117 = arith.constant 4000 : i32
    %add3A_118 = arith.addi %mul3A_2, %add3A_117 : i32
    %dma_start3A_119 = arith.constant 0 : i32
    %dma_start3A_120 = arith.constant 0 : i32
    %dma_start3A_121 = tpu.memref_slice %arg8[%dma_start3A_119, %dma_start3A_120] : memref<25x80xi32, #tpu.memory_space<vmem>> -> memref<1x80xi32, #tpu.memory_space<vmem>>
    %dma_start3A_122 = tpu.memref_squeeze %dma_start3A_121 : memref<1x80xi32, #tpu.memory_space<vmem>> -> memref<80xi32, #tpu.memory_space<vmem>>
    %dma_start3A_123 = arith.constant 0 : i32
    %dma_start3A_124 = arith.constant 0 : i32
    %dma_start3A_125 = tpu.memref_slice %arg2[%dma_start3A_123, %dma_start3A_124] : memref<10000x128xf32, #tpu.memory_space<hbm>> -> memref<10000x128xf32, #tpu.memory_space<hbm>>
    tpu.enqueue_indirect_dma source(%dma_start3A_125 : memref<10000x128xf32, #tpu.memory_space<hbm>>) target(%arg10 : memref<80x128xf32, #tpu.memory_space<vmem>>) offsets(%dma_start3A_122 : memref<80xi32, #tpu.memory_space<vmem>>) semaphore(%arg14 : memref<!tpu.dma_semaphore, #tpu.memory_space<semaphore_mem>>)
    %add3A_126 = arith.constant 0 : i32
    %add3A_127 = arith.addi %add3A_118, %add3A_126 : i32
    %dma_start3A_128 = arith.constant 0 : i32
    %dma_start3A_129 = tpu.memref_slice %arg4[%add3A_127, %dma_start3A_128] : memref<320000x128xf32, #tpu.memory_space<hbm>> -> memref<80x128xf32, #tpu.memory_space<hbm>>
    %dma_start3A_130 = arith.constant 0 : i32
    %dma_start3A_131 = tpu.memref_slice %arg4[%add3A_127, %dma_start3A_130] : memref<320000x128xf32, #tpu.memory_space<hbm>> -> memref<80x128xf32, #tpu.memory_space<hbm>>
    tpu.enqueue_dma source(%dma_start3A_131 : memref<80x128xf32, #tpu.memory_space<hbm>>) target(%arg12 : memref<80x128xf32, #tpu.memory_space<vmem>>) target_semaphore(%arg16 : memref<!tpu.dma_semaphore, #tpu.memory_space<semaphore_mem>>)
    %scan3A_132 = arith.constant 0 : i32
    %scan3A_133 = arith.constant 0 : i32
    %scan3A_134 = arith.constant 12 : i32
    %scan3A_135 = arith.addi %scan3A_133, %scan3A_134 : i32
    %scan3A_136 = arith.constant 1 : i32
    scf.for %scan3A_282 = %scan3A_133 to %scan3A_135 step %scan3A_136  : i32 {
      %mul3A_283 = arith.constant 2 : i32
      %mul3A_284 = arith.muli %mul3A_283, %scan3A_282 : i32
      %add3A_285 = arith.constant 1 : i32
      %add3A_286 = arith.addi %mul3A_284, %add3A_285 : i32
      %dma_start3A_287 = arith.constant 0 : i32
      %dma_start3A_288 = tpu.memref_slice %arg8[%add3A_286, %dma_start3A_287] : memref<25x80xi32, #tpu.memory_space<vmem>> -> memref<1x80xi32, #tpu.memory_space<vmem>>
      %dma_start3A_289 = tpu.memref_squeeze %dma_start3A_288 : memref<1x80xi32, #tpu.memory_space<vmem>> -> memref<80xi32, #tpu.memory_space<vmem>>
      %dma_start3A_290 = arith.constant 0 : i32
      %dma_start3A_291 = arith.constant 0 : i32
      %dma_start3A_292 = tpu.memref_slice %arg2[%dma_start3A_290, %dma_start3A_291] : memref<10000x128xf32, #tpu.memory_space<hbm>> -> memref<10000x128xf32, #tpu.memory_space<hbm>>
      tpu.enqueue_indirect_dma source(%dma_start3A_292 : memref<10000x128xf32, #tpu.memory_space<hbm>>) target(%arg11 : memref<80x128xf32, #tpu.memory_space<vmem>>) offsets(%dma_start3A_289 : memref<80xi32, #tpu.memory_space<vmem>>) semaphore(%arg15 : memref<!tpu.dma_semaphore, #tpu.memory_space<semaphore_mem>>)
      %mul3A_293 = arith.constant 80 : i32
      %mul3A_294 = arith.muli %add3A_286, %mul3A_293 : i32
      %add3A_295 = arith.addi %add3A_118, %mul3A_294 : i32
      %dma_start3A_296 = arith.constant 0 : i32
      %dma_start3A_297 = tpu.memref_slice %arg4[%add3A_295, %dma_start3A_296] : memref<320000x128xf32, #tpu.memory_space<hbm>> -> memref<80x128xf32, #tpu.memory_space<hbm>>
      %dma_start3A_298 = arith.constant 0 : i32
      %dma_start3A_299 = tpu.memref_slice %arg4[%add3A_295, %dma_start3A_298] : memref<320000x128xf32, #tpu.memory_space<hbm>> -> memref<80x128xf32, #tpu.memory_space<hbm>>
      tpu.enqueue_dma source(%dma_start3A_299 : memref<80x128xf32, #tpu.memory_space<hbm>>) target(%arg13 : memref<80x128xf32, #tpu.memory_space<vmem>>) target_semaphore(%arg17 : memref<!tpu.dma_semaphore, #tpu.memory_space<semaphore_mem>>)
      %dma_wait3A_300 = arith.constant 0 : i32
      %dma_wait3A_301 = tpu.memref_slice %arg8[%mul3A_284, %dma_wait3A_300] : memref<25x80xi32, #tpu.memory_space<vmem>> -> memref<1x80xi32, #tpu.memory_space<vmem>>
      %dma_wait3A_302 = tpu.memref_squeeze %dma_wait3A_301 : memref<1x80xi32, #tpu.memory_space<vmem>> -> memref<80xi32, #tpu.memory_space<vmem>>
      %dma_wait3A_303 = arith.constant 0 : i32
      %dma_wait3A_304 = arith.constant 0 : i32
      %dma_wait3A_305 = tpu.memref_slice %arg2[%dma_wait3A_303, %dma_wait3A_304] : memref<10000x128xf32, #tpu.memory_space<hbm>> -> memref<10000x128xf32, #tpu.memory_space<hbm>>
      tpu.wait_indirect_dma semaphore(%arg14 : memref<!tpu.dma_semaphore, #tpu.memory_space<semaphore_mem>>) src(%dma_wait3A_305 : memref<10000x128xf32, #tpu.memory_space<hbm>>) dst(%arg10 : memref<80x128xf32, #tpu.memory_space<vmem>>)
      %mul3A_306 = arith.constant 80 : i32
      %mul3A_307 = arith.muli %mul3A_284, %mul3A_306 : i32
      %add3A_308 = arith.addi %add3A_118, %mul3A_307 : i32
      %dma_wait3A_309 = arith.constant 0 : i32
      %dma_wait3A_310 = tpu.memref_slice %arg4[%add3A_308, %dma_wait3A_309] : memref<320000x128xf32, #tpu.memory_space<hbm>> -> memref<80x128xf32, #tpu.memory_space<hbm>>
      %dma_wait3A_311 = arith.constant 0 : i32
      %dma_wait3A_312 = tpu.memref_slice %arg4[%add3A_308, %dma_wait3A_311] : memref<320000x128xf32, #tpu.memory_space<hbm>> -> memref<80x128xf32, #tpu.memory_space<hbm>>
      tpu.wait_dma2 semaphore(%arg16 : memref<!tpu.dma_semaphore, #tpu.memory_space<semaphore_mem>>) src(%dma_wait3A_312 : memref<80x128xf32, #tpu.memory_space<hbm>>) dst(%arg12 : memref<80x128xf32, #tpu.memory_space<vmem>>)
      %dma_start3A_313 = arith.constant 0 : i32
      %dma_start3A_314 = tpu.memref_slice %arg9[%mul3A_284, %dma_start3A_313] : memref<25x80xi32, #tpu.memory_space<vmem>> -> memref<1x80xi32, #tpu.memory_space<vmem>>
      %dma_start3A_315 = tpu.memref_squeeze %dma_start3A_314 : memref<1x80xi32, #tpu.memory_space<vmem>> -> memref<80xi32, #tpu.memory_space<vmem>>
      %dma_start3A_316 = arith.constant 0 : i32
      %dma_start3A_317 = arith.constant 0 : i32
      %dma_start3A_318 = tpu.memref_slice %arg7[%dma_start3A_316, %dma_start3A_317] : memref<10240x128xf32, #tpu.memory_space<vmem_shared>> -> memref<10240x128xf32, #tpu.memory_space<vmem_shared>>
      tpu.enqueue_indirect_dma source(%arg12 : memref<80x128xf32, #tpu.memory_space<vmem>>) target(%dma_start3A_318 : memref<10240x128xf32, #tpu.memory_space<vmem_shared>>) offsets(%dma_start3A_315 : memref<80xi32, #tpu.memory_space<vmem>>) semaphore(%arg16 : memref<!tpu.dma_semaphore, #tpu.memory_space<semaphore_mem>>) {add = true}
      "tpu.region"() ({
        %run_scoped3A_367 = tpu.sem_alloc : memref<!tpu.dma_semaphore, #tpu.memory_space<semaphore_mem>>
        %dma_start3A_368 = arith.constant 0 : i32
        %dma_start3A_369 = tpu.memref_slice %arg9[%mul3A_284, %dma_start3A_368] : memref<25x80xi32, #tpu.memory_space<vmem>> -> memref<1x80xi32, #tpu.memory_space<vmem>>
        %dma_start3A_370 = tpu.memref_squeeze %dma_start3A_369 : memref<1x80xi32, #tpu.memory_space<vmem>> -> memref<80xi32, #tpu.memory_space<vmem>>
        %dma_start3A_371 = arith.constant 0 : i32
        %dma_start3A_372 = arith.constant 0 : i32
        %dma_start3A_373 = tpu.memref_slice %arg7[%dma_start3A_371, %dma_start3A_372] : memref<10240x128xf32, #tpu.memory_space<vmem_shared>> -> memref<10240x128xf32, #tpu.memory_space<vmem_shared>>
        tpu.enqueue_indirect_dma source(%arg10 : memref<80x128xf32, #tpu.memory_space<vmem>>) target(%dma_start3A_373 : memref<10240x128xf32, #tpu.memory_space<vmem_shared>>) offsets(%dma_start3A_370 : memref<80xi32, #tpu.memory_space<vmem>>) semaphore(%run_scoped3A_367 : memref<!tpu.dma_semaphore, #tpu.memory_space<semaphore_mem>>) {add = true}
        %dma_wait3A_374 = arith.constant 0 : i32
        %dma_wait3A_375 = tpu.memref_slice %arg9[%mul3A_284, %dma_wait3A_374] : memref<25x80xi32, #tpu.memory_space<vmem>> -> memref<1x80xi32, #tpu.memory_space<vmem>>
        %dma_wait3A_376 = tpu.memref_squeeze %dma_wait3A_375 : memref<1x80xi32, #tpu.memory_space<vmem>> -> memref<80xi32, #tpu.memory_space<vmem>>
        %dma_wait3A_377 = arith.constant 0 : i32
        %dma_wait3A_378 = arith.constant 0 : i32
        %dma_wait3A_379 = tpu.memref_slice %arg7[%dma_wait3A_377, %dma_wait3A_378] : memref<10240x128xf32, #tpu.memory_space<vmem_shared>> -> memref<10240x128xf32, #tpu.memory_space<vmem_shared>>
        tpu.wait_indirect_dma semaphore(%run_scoped3A_367 : memref<!tpu.dma_semaphore, #tpu.memory_space<semaphore_mem>>) src(%arg10 : memref<80x128xf32, #tpu.memory_space<vmem>>) dst(%dma_wait3A_379 : memref<10240x128xf32, #tpu.memory_space<vmem_shared>>)
        tpu.yield
      }) : () -> ()
      %dma_wait3A_319 = arith.constant 0 : i32
      %dma_wait3A_320 = tpu.memref_slice %arg9[%mul3A_284, %dma_wait3A_319] : memref<25x80xi32, #tpu.memory_space<vmem>> -> memref<1x80xi32, #tpu.memory_space<vmem>>
      %dma_wait3A_321 = tpu.memref_squeeze %dma_wait3A_320 : memref<1x80xi32, #tpu.memory_space<vmem>> -> memref<80xi32, #tpu.memory_space<vmem>>
      %dma_wait3A_322 = arith.constant 0 : i32
      %dma_wait3A_323 = arith.constant 0 : i32
      %dma_wait3A_324 = tpu.memref_slice %arg7[%dma_wait3A_322, %dma_wait3A_323] : memref<10240x128xf32, #tpu.memory_space<vmem_shared>> -> memref<10240x128xf32, #tpu.memory_space<vmem_shared>>
      tpu.wait_indirect_dma semaphore(%arg16 : memref<!tpu.dma_semaphore, #tpu.memory_space<semaphore_mem>>) src(%arg12 : memref<80x128xf32, #tpu.memory_space<vmem>>) dst(%dma_wait3A_324 : memref<10240x128xf32, #tpu.memory_space<vmem_shared>>)
      %add3A_325 = arith.constant 2 : i32
      %add3A_326 = arith.addi %mul3A_284, %add3A_325 : i32
      %dma_start3A_327 = arith.constant 0 : i32
      %dma_start3A_328 = tpu.memref_slice %arg8[%add3A_326, %dma_start3A_327] : memref<25x80xi32, #tpu.memory_space<vmem>> -> memref<1x80xi32, #tpu.memory_space<vmem>>
      %dma_start3A_329 = tpu.memref_squeeze %dma_start3A_328 : memref<1x80xi32, #tpu.memory_space<vmem>> -> memref<80xi32, #tpu.memory_space<vmem>>
      %dma_start3A_330 = arith.constant 0 : i32
      %dma_start3A_331 = arith.constant 0 : i32
      %dma_start3A_332 = tpu.memref_slice %arg2[%dma_start3A_330, %dma_start3A_331] : memref<10000x128xf32, #tpu.memory_space<hbm>> -> memref<10000x128xf32, #tpu.memory_space<hbm>>
      tpu.enqueue_indirect_dma source(%dma_start3A_332 : memref<10000x128xf32, #tpu.memory_space<hbm>>) target(%arg10 : memref<80x128xf32, #tpu.memory_space<vmem>>) offsets(%dma_start3A_329 : memref<80xi32, #tpu.memory_space<vmem>>) semaphore(%arg14 : memref<!tpu.dma_semaphore, #tpu.memory_space<semaphore_mem>>)
      %mul3A_333 = arith.constant 80 : i32
      %mul3A_334 = arith.muli %add3A_326, %mul3A_333 : i32
      %add3A_335 = arith.addi %add3A_118, %mul3A_334 : i32
      %dma_start3A_336 = arith.constant 0 : i32
      %dma_start3A_337 = tpu.memref_slice %arg4[%add3A_335, %dma_start3A_336] : memref<320000x128xf32, #tpu.memory_space<hbm>> -> memref<80x128xf32, #tpu.memory_space<hbm>>
      %dma_start3A_338 = arith.constant 0 : i32
      %dma_start3A_339 = tpu.memref_slice %arg4[%add3A_335, %dma_start3A_338] : memref<320000x128xf32, #tpu.memory_space<hbm>> -> memref<80x128xf32, #tpu.memory_space<hbm>>
      tpu.enqueue_dma source(%dma_start3A_339 : memref<80x128xf32, #tpu.memory_space<hbm>>) target(%arg12 : memref<80x128xf32, #tpu.memory_space<vmem>>) target_semaphore(%arg16 : memref<!tpu.dma_semaphore, #tpu.memory_space<semaphore_mem>>)
      %add3A_340 = arith.constant 1 : i32
      %add3A_341 = arith.addi %mul3A_284, %add3A_340 : i32
      %dma_wait3A_342 = arith.constant 0 : i32
      %dma_wait3A_343 = tpu.memref_slice %arg8[%add3A_341, %dma_wait3A_342] : memref<25x80xi32, #tpu.memory_space<vmem>> -> memref<1x80xi32, #tpu.memory_space<vmem>>
      %dma_wait3A_344 = tpu.memref_squeeze %dma_wait3A_343 : memref<1x80xi32, #tpu.memory_space<vmem>> -> memref<80xi32, #tpu.memory_space<vmem>>
      %dma_wait3A_345 = arith.constant 0 : i32
      %dma_wait3A_346 = arith.constant 0 : i32
      %dma_wait3A_347 = tpu.memref_slice %arg2[%dma_wait3A_345, %dma_wait3A_346] : memref<10000x128xf32, #tpu.memory_space<hbm>> -> memref<10000x128xf32, #tpu.memory_space<hbm>>
      tpu.wait_indirect_dma semaphore(%arg15 : memref<!tpu.dma_semaphore, #tpu.memory_space<semaphore_mem>>) src(%dma_wait3A_347 : memref<10000x128xf32, #tpu.memory_space<hbm>>) dst(%arg11 : memref<80x128xf32, #tpu.memory_space<vmem>>)
      %mul3A_348 = arith.constant 80 : i32
      %mul3A_349 = arith.muli %add3A_341, %mul3A_348 : i32
      %add3A_350 = arith.addi %add3A_118, %mul3A_349 : i32
      %dma_wait3A_351 = arith.constant 0 : i32
      %dma_wait3A_352 = tpu.memref_slice %arg4[%add3A_350, %dma_wait3A_351] : memref<320000x128xf32, #tpu.memory_space<hbm>> -> memref<80x128xf32, #tpu.memory_space<hbm>>
      %dma_wait3A_353 = arith.constant 0 : i32
      %dma_wait3A_354 = tpu.memref_slice %arg4[%add3A_350, %dma_wait3A_353] : memref<320000x128xf32, #tpu.memory_space<hbm>> -> memref<80x128xf32, #tpu.memory_space<hbm>>
      tpu.wait_dma2 semaphore(%arg17 : memref<!tpu.dma_semaphore, #tpu.memory_space<semaphore_mem>>) src(%dma_wait3A_354 : memref<80x128xf32, #tpu.memory_space<hbm>>) dst(%arg13 : memref<80x128xf32, #tpu.memory_space<vmem>>)
      %dma_start3A_355 = arith.constant 0 : i32
      %dma_start3A_356 = tpu.memref_slice %arg9[%add3A_341, %dma_start3A_355] : memref<25x80xi32, #tpu.memory_space<vmem>> -> memref<1x80xi32, #tpu.memory_space<vmem>>
      %dma_start3A_357 = tpu.memref_squeeze %dma_start3A_356 : memref<1x80xi32, #tpu.memory_space<vmem>> -> memref<80xi32, #tpu.memory_space<vmem>>
      %dma_start3A_358 = arith.constant 0 : i32
      %dma_start3A_359 = arith.constant 0 : i32
      %dma_start3A_360 = tpu.memref_slice %arg7[%dma_start3A_358, %dma_start3A_359] : memref<10240x128xf32, #tpu.memory_space<vmem_shared>> -> memref<10240x128xf32, #tpu.memory_space<vmem_shared>>
      tpu.enqueue_indirect_dma source(%arg13 : memref<80x128xf32, #tpu.memory_space<vmem>>) target(%dma_start3A_360 : memref<10240x128xf32, #tpu.memory_space<vmem_shared>>) offsets(%dma_start3A_357 : memref<80xi32, #tpu.memory_space<vmem>>) semaphore(%arg17 : memref<!tpu.dma_semaphore, #tpu.memory_space<semaphore_mem>>) {add = true}
      "tpu.region"() ({
        %run_scoped3A_367 = tpu.sem_alloc : memref<!tpu.dma_semaphore, #tpu.memory_space<semaphore_mem>>
        %dma_start3A_368 = arith.constant 0 : i32
        %dma_start3A_369 = tpu.memref_slice %arg9[%add3A_341, %dma_start3A_368] : memref<25x80xi32, #tpu.memory_space<vmem>> -> memref<1x80xi32, #tpu.memory_space<vmem>>
        %dma_start3A_370 = tpu.memref_squeeze %dma_start3A_369 : memref<1x80xi32, #tpu.memory_space<vmem>> -> memref<80xi32, #tpu.memory_space<vmem>>
        %dma_start3A_371 = arith.constant 0 : i32
        %dma_start3A_372 = arith.constant 0 : i32
        %dma_start3A_373 = tpu.memref_slice %arg7[%dma_start3A_371, %dma_start3A_372] : memref<10240x128xf32, #tpu.memory_space<vmem_shared>> -> memref<10240x128xf32, #tpu.memory_space<vmem_shared>>
        tpu.enqueue_indirect_dma source(%arg11 : memref<80x128xf32, #tpu.memory_space<vmem>>) target(%dma_start3A_373 : memref<10240x128xf32, #tpu.memory_space<vmem_shared>>) offsets(%dma_start3A_370 : memref<80xi32, #tpu.memory_space<vmem>>) semaphore(%run_scoped3A_367 : memref<!tpu.dma_semaphore, #tpu.memory_space<semaphore_mem>>) {add = true}
        %dma_wait3A_374 = arith.constant 0 : i32
        %dma_wait3A_375 = tpu.memref_slice %arg9[%add3A_341, %dma_wait3A_374] : memref<25x80xi32, #tpu.memory_space<vmem>> -> memref<1x80xi32, #tpu.memory_space<vmem>>
        %dma_wait3A_376 = tpu.memref_squeeze %dma_wait3A_375 : memref<1x80xi32, #tpu.memory_space<vmem>> -> memref<80xi32, #tpu.memory_space<vmem>>
        %dma_wait3A_377 = arith.constant 0 : i32
        %dma_wait3A_378 = arith.constant 0 : i32
        %dma_wait3A_379 = tpu.memref_slice %arg7[%dma_wait3A_377, %dma_wait3A_378] : memref<10240x128xf32, #tpu.memory_space<vmem_shared>> -> memref<10240x128xf32, #tpu.memory_space<vmem_shared>>
        tpu.wait_indirect_dma semaphore(%run_scoped3A_367 : memref<!tpu.dma_semaphore, #tpu.memory_space<semaphore_mem>>) src(%arg11 : memref<80x128xf32, #tpu.memory_space<vmem>>) dst(%dma_wait3A_379 : memref<10240x128xf32, #tpu.memory_space<vmem_shared>>)
        tpu.yield
      }) : () -> ()
      %dma_wait3A_361 = arith.constant 0 : i32
      %dma_wait3A_362 = tpu.memref_slice %arg9[%add3A_341, %dma_wait3A_361] : memref<25x80xi32, #tpu.memory_space<vmem>> -> memref<1x80xi32, #tpu.memory_space<vmem>>
      %dma_wait3A_363 = tpu.memref_squeeze %dma_wait3A_362 : memref<1x80xi32, #tpu.memory_space<vmem>> -> memref<80xi32, #tpu.memory_space<vmem>>
      %dma_wait3A_364 = arith.constant 0 : i32
      %dma_wait3A_365 = arith.constant 0 : i32
      %dma_wait3A_366 = tpu.memref_slice %arg7[%dma_wait3A_364, %dma_wait3A_365] : memref<10240x128xf32, #tpu.memory_space<vmem_shared>> -> memref<10240x128xf32, #tpu.memory_space<vmem_shared>>
      tpu.wait_indirect_dma semaphore(%arg17 : memref<!tpu.dma_semaphore, #tpu.memory_space<semaphore_mem>>) src(%arg13 : memref<80x128xf32, #tpu.memory_space<vmem>>) dst(%dma_wait3A_366 : memref<10240x128xf32, #tpu.memory_space<vmem_shared>>)
    }
    %scan3A_137 = arith.constant 12 : i32
    %dma_wait3A_138 = arith.constant 24 : i32
    %dma_wait3A_139 = arith.constant 0 : i32
    %dma_wait3A_140 = tpu.memref_slice %arg8[%dma_wait3A_138, %dma_wait3A_139] : memref<25x80xi32, #tpu.memory_space<vmem>> -> memref<1x80xi32, #tpu.memory_space<vmem>>
    %dma_wait3A_141 = tpu.memref_squeeze %dma_wait3A_140 : memref<1x80xi32, #tpu.memory_space<vmem>> -> memref<80xi32, #tpu.memory_space<vmem>>
    %dma_wait3A_142 = arith.constant 0 : i32
    %dma_wait3A_143 = arith.constant 0 : i32
    %dma_wait3A_144 = tpu.memref_slice %arg2[%dma_wait3A_142, %dma_wait3A_143] : memref<10000x128xf32, #tpu.memory_space<hbm>> -> memref<10000x128xf32, #tpu.memory_space<hbm>>
    tpu.wait_indirect_dma semaphore(%arg14 : memref<!tpu.dma_semaphore, #tpu.memory_space<semaphore_mem>>) src(%dma_wait3A_144 : memref<10000x128xf32, #tpu.memory_space<hbm>>) dst(%arg10 : memref<80x128xf32, #tpu.memory_space<vmem>>)
    %add3A_145 = arith.constant 1920 : i32
    %add3A_146 = arith.addi %add3A_118, %add3A_145 : i32
    %dma_wait3A_147 = arith.constant 0 : i32
    %dma_wait3A_148 = tpu.memref_slice %arg4[%add3A_146, %dma_wait3A_147] : memref<320000x128xf32, #tpu.memory_space<hbm>> -> memref<80x128xf32, #tpu.memory_space<hbm>>
    %dma_wait3A_149 = arith.constant 0 : i32
    %dma_wait3A_150 = tpu.memref_slice %arg4[%add3A_146, %dma_wait3A_149] : memref<320000x128xf32, #tpu.memory_space<hbm>> -> memref<80x128xf32, #tpu.memory_space<hbm>>
    tpu.wait_dma2 semaphore(%arg16 : memref<!tpu.dma_semaphore, #tpu.memory_space<semaphore_mem>>) src(%dma_wait3A_150 : memref<80x128xf32, #tpu.memory_space<hbm>>) dst(%arg12 : memref<80x128xf32, #tpu.memory_space<vmem>>)
    %dma_start3A_151 = arith.constant 24 : i32
    %dma_start3A_152 = arith.constant 0 : i32
    %dma_start3A_153 = tpu.memref_slice %arg9[%dma_start3A_151, %dma_start3A_152] : memref<25x80xi32, #tpu.memory_space<vmem>> -> memref<1x80xi32, #tpu.memory_space<vmem>>
    %dma_start3A_154 = tpu.memref_squeeze %dma_start3A_153 : memref<1x80xi32, #tpu.memory_space<vmem>> -> memref<80xi32, #tpu.memory_space<vmem>>
    %dma_start3A_155 = arith.constant 0 : i32
    %dma_start3A_156 = arith.constant 0 : i32
    %dma_start3A_157 = tpu.memref_slice %arg7[%dma_start3A_155, %dma_start3A_156] : memref<10240x128xf32, #tpu.memory_space<vmem_shared>> -> memref<10240x128xf32, #tpu.memory_space<vmem_shared>>
    tpu.enqueue_indirect_dma source(%arg12 : memref<80x128xf32, #tpu.memory_space<vmem>>) target(%dma_start3A_157 : memref<10240x128xf32, #tpu.memory_space<vmem_shared>>) offsets(%dma_start3A_154 : memref<80xi32, #tpu.memory_space<vmem>>) semaphore(%arg16 : memref<!tpu.dma_semaphore, #tpu.memory_space<semaphore_mem>>) {add = true}
    %run_scoped3A_158 = arith.constant 24 : i32
    "tpu.region"() ({
      %run_scoped3A_282 = tpu.sem_alloc : memref<!tpu.dma_semaphore, #tpu.memory_space<semaphore_mem>>
      %dma_start3A_283 = arith.constant 0 : i32
      %dma_start3A_284 = tpu.memref_slice %arg9[%run_scoped3A_158, %dma_start3A_283] : memref<25x80xi32, #tpu.memory_space<vmem>> -> memref<1x80xi32, #tpu.memory_space<vmem>>
      %dma_start3A_285 = tpu.memref_squeeze %dma_start3A_284 : memref<1x80xi32, #tpu.memory_space<vmem>> -> memref<80xi32, #tpu.memory_space<vmem>>
      %dma_start3A_286 = arith.constant 0 : i32
      %dma_start3A_287 = arith.constant 0 : i32
      %dma_start3A_288 = tpu.memref_slice %arg7[%dma_start3A_286, %dma_start3A_287] : memref<10240x128xf32, #tpu.memory_space<vmem_shared>> -> memref<10240x128xf32, #tpu.memory_space<vmem_shared>>
      tpu.enqueue_indirect_dma source(%arg10 : memref<80x128xf32, #tpu.memory_space<vmem>>) target(%dma_start3A_288 : memref<10240x128xf32, #tpu.memory_space<vmem_shared>>) offsets(%dma_start3A_285 : memref<80xi32, #tpu.memory_space<vmem>>) semaphore(%run_scoped3A_282 : memref<!tpu.dma_semaphore, #tpu.memory_space<semaphore_mem>>) {add = true}
      %dma_wait3A_289 = arith.constant 0 : i32
      %dma_wait3A_290 = tpu.memref_slice %arg9[%run_scoped3A_158, %dma_wait3A_289] : memref<25x80xi32, #tpu.memory_space<vmem>> -> memref<1x80xi32, #tpu.memory_space<vmem>>
      %dma_wait3A_291 = tpu.memref_squeeze %dma_wait3A_290 : memref<1x80xi32, #tpu.memory_space<vmem>> -> memref<80xi32, #tpu.memory_space<vmem>>
      %dma_wait3A_292 = arith.constant 0 : i32
      %dma_wait3A_293 = arith.constant 0 : i32
      %dma_wait3A_294 = tpu.memref_slice %arg7[%dma_wait3A_292, %dma_wait3A_293] : memref<10240x128xf32, #tpu.memory_space<vmem_shared>> -> memref<10240x128xf32, #tpu.memory_space<vmem_shared>>
      tpu.wait_indirect_dma semaphore(%run_scoped3A_282 : memref<!tpu.dma_semaphore, #tpu.memory_space<semaphore_mem>>) src(%arg10 : memref<80x128xf32, #tpu.memory_space<vmem>>) dst(%dma_wait3A_294 : memref<10240x128xf32, #tpu.memory_space<vmem_shared>>)
      tpu.yield
    }) : () -> ()
    %dma_wait3A_159 = arith.constant 24 : i32
    %dma_wait3A_160 = arith.constant 0 : i32
    %dma_wait3A_161 = tpu.memref_slice %arg9[%dma_wait3A_159, %dma_wait3A_160] : memref<25x80xi32, #tpu.memory_space<vmem>> -> memref<1x80xi32, #tpu.memory_space<vmem>>
    %dma_wait3A_162 = tpu.memref_squeeze %dma_wait3A_161 : memref<1x80xi32, #tpu.memory_space<vmem>> -> memref<80xi32, #tpu.memory_space<vmem>>
    %dma_wait3A_163 = arith.constant 0 : i32
    %dma_wait3A_164 = arith.constant 0 : i32
    %dma_wait3A_165 = tpu.memref_slice %arg7[%dma_wait3A_163, %dma_wait3A_164] : memref<10240x128xf32, #tpu.memory_space<vmem_shared>> -> memref<10240x128xf32, #tpu.memory_space<vmem_shared>>
    tpu.wait_indirect_dma semaphore(%arg16 : memref<!tpu.dma_semaphore, #tpu.memory_space<semaphore_mem>>) src(%arg12 : memref<80x128xf32, #tpu.memory_space<vmem>>) dst(%dma_wait3A_165 : memref<10240x128xf32, #tpu.memory_space<vmem_shared>>)
    %run_scoped3A_166 = arith.constant 0 : i32
    %run_scoped3A_167 = arith.constant 3 : i32
    "tpu.region"() ({
      %run_scoped3A_282 = tpu.sem_alloc : memref<!tpu.dma_semaphore, #tpu.memory_space<semaphore_mem>>
      %dma_start3A_283 = arith.constant 0 : i32
      %dma_start3A_284 = arith.constant 0 : i32
      %dma_start3A_285 = tpu.memref_slice %arg3[%run_scoped3A_166, %add3A, %run_scoped3A_167, %dma_start3A_283, %dma_start3A_284] : memref<2x32x5x25x80xi32, #tpu.memory_space<hbm>> -> memref<1x1x1x25x80xi32, #tpu.memory_space<hbm>>
      %dma_start3A_286 = tpu.memref_squeeze %dma_start3A_285 : memref<1x1x1x25x80xi32, #tpu.memory_space<hbm>> -> memref<25x80xi32, #tpu.memory_space<hbm>>
      %dma_start3A_287 = arith.constant 0 : i32
      %dma_start3A_288 = arith.constant 0 : i32
      %dma_start3A_289 = tpu.memref_slice %arg3[%run_scoped3A_166, %add3A, %run_scoped3A_167, %dma_start3A_287, %dma_start3A_288] : memref<2x32x5x25x80xi32, #tpu.memory_space<hbm>> -> memref<1x1x1x25x80xi32, #tpu.memory_space<hbm>>
      %dma_start3A_290 = tpu.memref_squeeze %dma_start3A_289 : memref<1x1x1x25x80xi32, #tpu.memory_space<hbm>> -> memref<25x80xi32, #tpu.memory_space<hbm>>
      tpu.enqueue_dma source(%dma_start3A_290 : memref<25x80xi32, #tpu.memory_space<hbm>>) target(%arg8 : memref<25x80xi32, #tpu.memory_space<vmem>>) target_semaphore(%run_scoped3A_282 : memref<!tpu.dma_semaphore, #tpu.memory_space<semaphore_mem>>)
      %dma_wait3A_291 = arith.constant 0 : i32
      %dma_wait3A_292 = arith.constant 0 : i32
      %dma_wait3A_293 = tpu.memref_slice %arg3[%run_scoped3A_166, %add3A, %run_scoped3A_167, %dma_wait3A_291, %dma_wait3A_292] : memref<2x32x5x25x80xi32, #tpu.memory_space<hbm>> -> memref<1x1x1x25x80xi32, #tpu.memory_space<hbm>>
      %dma_wait3A_294 = tpu.memref_squeeze %dma_wait3A_293 : memref<1x1x1x25x80xi32, #tpu.memory_space<hbm>> -> memref<25x80xi32, #tpu.memory_space<hbm>>
      %dma_wait3A_295 = arith.constant 0 : i32
      %dma_wait3A_296 = arith.constant 0 : i32
      %dma_wait3A_297 = tpu.memref_slice %arg3[%run_scoped3A_166, %add3A, %run_scoped3A_167, %dma_wait3A_295, %dma_wait3A_296] : memref<2x32x5x25x80xi32, #tpu.memory_space<hbm>> -> memref<1x1x1x25x80xi32, #tpu.memory_space<hbm>>
      %dma_wait3A_298 = tpu.memref_squeeze %dma_wait3A_297 : memref<1x1x1x25x80xi32, #tpu.memory_space<hbm>> -> memref<25x80xi32, #tpu.memory_space<hbm>>
      tpu.wait_dma2 semaphore(%run_scoped3A_282 : memref<!tpu.dma_semaphore, #tpu.memory_space<semaphore_mem>>) src(%dma_wait3A_298 : memref<25x80xi32, #tpu.memory_space<hbm>>) dst(%arg8 : memref<25x80xi32, #tpu.memory_space<vmem>>)
      tpu.yield
    }) : () -> ()
    %run_scoped3A_168 = arith.constant 1 : i32
    %run_scoped3A_169 = arith.constant 3 : i32
    "tpu.region"() ({
      %run_scoped3A_282 = tpu.sem_alloc : memref<!tpu.dma_semaphore, #tpu.memory_space<semaphore_mem>>
      %dma_start3A_283 = arith.constant 0 : i32
      %dma_start3A_284 = arith.constant 0 : i32
      %dma_start3A_285 = tpu.memref_slice %arg3[%run_scoped3A_168, %add3A, %run_scoped3A_169, %dma_start3A_283, %dma_start3A_284] : memref<2x32x5x25x80xi32, #tpu.memory_space<hbm>> -> memref<1x1x1x25x80xi32, #tpu.memory_space<hbm>>
      %dma_start3A_286 = tpu.memref_squeeze %dma_start3A_285 : memref<1x1x1x25x80xi32, #tpu.memory_space<hbm>> -> memref<25x80xi32, #tpu.memory_space<hbm>>
      %dma_start3A_287 = arith.constant 0 : i32
      %dma_start3A_288 = arith.constant 0 : i32
      %dma_start3A_289 = tpu.memref_slice %arg3[%run_scoped3A_168, %add3A, %run_scoped3A_169, %dma_start3A_287, %dma_start3A_288] : memref<2x32x5x25x80xi32, #tpu.memory_space<hbm>> -> memref<1x1x1x25x80xi32, #tpu.memory_space<hbm>>
      %dma_start3A_290 = tpu.memref_squeeze %dma_start3A_289 : memref<1x1x1x25x80xi32, #tpu.memory_space<hbm>> -> memref<25x80xi32, #tpu.memory_space<hbm>>
      tpu.enqueue_dma source(%dma_start3A_290 : memref<25x80xi32, #tpu.memory_space<hbm>>) target(%arg9 : memref<25x80xi32, #tpu.memory_space<vmem>>) target_semaphore(%run_scoped3A_282 : memref<!tpu.dma_semaphore, #tpu.memory_space<semaphore_mem>>)
      %dma_wait3A_291 = arith.constant 0 : i32
      %dma_wait3A_292 = arith.constant 0 : i32
      %dma_wait3A_293 = tpu.memref_slice %arg3[%run_scoped3A_168, %add3A, %run_scoped3A_169, %dma_wait3A_291, %dma_wait3A_292] : memref<2x32x5x25x80xi32, #tpu.memory_space<hbm>> -> memref<1x1x1x25x80xi32, #tpu.memory_space<hbm>>
      %dma_wait3A_294 = tpu.memref_squeeze %dma_wait3A_293 : memref<1x1x1x25x80xi32, #tpu.memory_space<hbm>> -> memref<25x80xi32, #tpu.memory_space<hbm>>
      %dma_wait3A_295 = arith.constant 0 : i32
      %dma_wait3A_296 = arith.constant 0 : i32
      %dma_wait3A_297 = tpu.memref_slice %arg3[%run_scoped3A_168, %add3A, %run_scoped3A_169, %dma_wait3A_295, %dma_wait3A_296] : memref<2x32x5x25x80xi32, #tpu.memory_space<hbm>> -> memref<1x1x1x25x80xi32, #tpu.memory_space<hbm>>
      %dma_wait3A_298 = tpu.memref_squeeze %dma_wait3A_297 : memref<1x1x1x25x80xi32, #tpu.memory_space<hbm>> -> memref<25x80xi32, #tpu.memory_space<hbm>>
      tpu.wait_dma2 semaphore(%run_scoped3A_282 : memref<!tpu.dma_semaphore, #tpu.memory_space<semaphore_mem>>) src(%dma_wait3A_298 : memref<25x80xi32, #tpu.memory_space<hbm>>) dst(%arg9 : memref<25x80xi32, #tpu.memory_space<vmem>>)
      tpu.yield
    }) : () -> ()
    %add3A_170 = arith.constant 6000 : i32
    %add3A_171 = arith.addi %mul3A_2, %add3A_170 : i32
    %dma_start3A_172 = arith.constant 0 : i32
    %dma_start3A_173 = arith.constant 0 : i32
    %dma_start3A_174 = tpu.memref_slice %arg8[%dma_start3A_172, %dma_start3A_173] : memref<25x80xi32, #tpu.memory_space<vmem>> -> memref<1x80xi32, #tpu.memory_space<vmem>>
    %dma_start3A_175 = tpu.memref_squeeze %dma_start3A_174 : memref<1x80xi32, #tpu.memory_space<vmem>> -> memref<80xi32, #tpu.memory_space<vmem>>
    %dma_start3A_176 = arith.constant 0 : i32
    %dma_start3A_177 = arith.constant 0 : i32
    %dma_start3A_178 = tpu.memref_slice %arg2[%dma_start3A_176, %dma_start3A_177] : memref<10000x128xf32, #tpu.memory_space<hbm>> -> memref<10000x128xf32, #tpu.memory_space<hbm>>
    tpu.enqueue_indirect_dma source(%dma_start3A_178 : memref<10000x128xf32, #tpu.memory_space<hbm>>) target(%arg10 : memref<80x128xf32, #tpu.memory_space<vmem>>) offsets(%dma_start3A_175 : memref<80xi32, #tpu.memory_space<vmem>>) semaphore(%arg14 : memref<!tpu.dma_semaphore, #tpu.memory_space<semaphore_mem>>)
    %add3A_179 = arith.constant 0 : i32
    %add3A_180 = arith.addi %add3A_171, %add3A_179 : i32
    %dma_start3A_181 = arith.constant 0 : i32
    %dma_start3A_182 = tpu.memref_slice %arg4[%add3A_180, %dma_start3A_181] : memref<320000x128xf32, #tpu.memory_space<hbm>> -> memref<80x128xf32, #tpu.memory_space<hbm>>
    %dma_start3A_183 = arith.constant 0 : i32
    %dma_start3A_184 = tpu.memref_slice %arg4[%add3A_180, %dma_start3A_183] : memref<320000x128xf32, #tpu.memory_space<hbm>> -> memref<80x128xf32, #tpu.memory_space<hbm>>
    tpu.enqueue_dma source(%dma_start3A_184 : memref<80x128xf32, #tpu.memory_space<hbm>>) target(%arg12 : memref<80x128xf32, #tpu.memory_space<vmem>>) target_semaphore(%arg16 : memref<!tpu.dma_semaphore, #tpu.memory_space<semaphore_mem>>)
    %scan3A_185 = arith.constant 0 : i32
    %scan3A_186 = arith.constant 0 : i32
    %scan3A_187 = arith.constant 12 : i32
    %scan3A_188 = arith.addi %scan3A_186, %scan3A_187 : i32
    %scan3A_189 = arith.constant 1 : i32
    scf.for %scan3A_282 = %scan3A_186 to %scan3A_188 step %scan3A_189  : i32 {
      %mul3A_283 = arith.constant 2 : i32
      %mul3A_284 = arith.muli %mul3A_283, %scan3A_282 : i32
      %add3A_285 = arith.constant 1 : i32
      %add3A_286 = arith.addi %mul3A_284, %add3A_285 : i32
      %dma_start3A_287 = arith.constant 0 : i32
      %dma_start3A_288 = tpu.memref_slice %arg8[%add3A_286, %dma_start3A_287] : memref<25x80xi32, #tpu.memory_space<vmem>> -> memref<1x80xi32, #tpu.memory_space<vmem>>
      %dma_start3A_289 = tpu.memref_squeeze %dma_start3A_288 : memref<1x80xi32, #tpu.memory_space<vmem>> -> memref<80xi32, #tpu.memory_space<vmem>>
      %dma_start3A_290 = arith.constant 0 : i32
      %dma_start3A_291 = arith.constant 0 : i32
      %dma_start3A_292 = tpu.memref_slice %arg2[%dma_start3A_290, %dma_start3A_291] : memref<10000x128xf32, #tpu.memory_space<hbm>> -> memref<10000x128xf32, #tpu.memory_space<hbm>>
      tpu.enqueue_indirect_dma source(%dma_start3A_292 : memref<10000x128xf32, #tpu.memory_space<hbm>>) target(%arg11 : memref<80x128xf32, #tpu.memory_space<vmem>>) offsets(%dma_start3A_289 : memref<80xi32, #tpu.memory_space<vmem>>) semaphore(%arg15 : memref<!tpu.dma_semaphore, #tpu.memory_space<semaphore_mem>>)
      %mul3A_293 = arith.constant 80 : i32
      %mul3A_294 = arith.muli %add3A_286, %mul3A_293 : i32
      %add3A_295 = arith.addi %add3A_171, %mul3A_294 : i32
      %dma_start3A_296 = arith.constant 0 : i32
      %dma_start3A_297 = tpu.memref_slice %arg4[%add3A_295, %dma_start3A_296] : memref<320000x128xf32, #tpu.memory_space<hbm>> -> memref<80x128xf32, #tpu.memory_space<hbm>>
      %dma_start3A_298 = arith.constant 0 : i32
      %dma_start3A_299 = tpu.memref_slice %arg4[%add3A_295, %dma_start3A_298] : memref<320000x128xf32, #tpu.memory_space<hbm>> -> memref<80x128xf32, #tpu.memory_space<hbm>>
      tpu.enqueue_dma source(%dma_start3A_299 : memref<80x128xf32, #tpu.memory_space<hbm>>) target(%arg13 : memref<80x128xf32, #tpu.memory_space<vmem>>) target_semaphore(%arg17 : memref<!tpu.dma_semaphore, #tpu.memory_space<semaphore_mem>>)
      %dma_wait3A_300 = arith.constant 0 : i32
      %dma_wait3A_301 = tpu.memref_slice %arg8[%mul3A_284, %dma_wait3A_300] : memref<25x80xi32, #tpu.memory_space<vmem>> -> memref<1x80xi32, #tpu.memory_space<vmem>>
      %dma_wait3A_302 = tpu.memref_squeeze %dma_wait3A_301 : memref<1x80xi32, #tpu.memory_space<vmem>> -> memref<80xi32, #tpu.memory_space<vmem>>
      %dma_wait3A_303 = arith.constant 0 : i32
      %dma_wait3A_304 = arith.constant 0 : i32
      %dma_wait3A_305 = tpu.memref_slice %arg2[%dma_wait3A_303, %dma_wait3A_304] : memref<10000x128xf32, #tpu.memory_space<hbm>> -> memref<10000x128xf32, #tpu.memory_space<hbm>>
      tpu.wait_indirect_dma semaphore(%arg14 : memref<!tpu.dma_semaphore, #tpu.memory_space<semaphore_mem>>) src(%dma_wait3A_305 : memref<10000x128xf32, #tpu.memory_space<hbm>>) dst(%arg10 : memref<80x128xf32, #tpu.memory_space<vmem>>)
      %mul3A_306 = arith.constant 80 : i32
      %mul3A_307 = arith.muli %mul3A_284, %mul3A_306 : i32
      %add3A_308 = arith.addi %add3A_171, %mul3A_307 : i32
      %dma_wait3A_309 = arith.constant 0 : i32
      %dma_wait3A_310 = tpu.memref_slice %arg4[%add3A_308, %dma_wait3A_309] : memref<320000x128xf32, #tpu.memory_space<hbm>> -> memref<80x128xf32, #tpu.memory_space<hbm>>
      %dma_wait3A_311 = arith.constant 0 : i32
      %dma_wait3A_312 = tpu.memref_slice %arg4[%add3A_308, %dma_wait3A_311] : memref<320000x128xf32, #tpu.memory_space<hbm>> -> memref<80x128xf32, #tpu.memory_space<hbm>>
      tpu.wait_dma2 semaphore(%arg16 : memref<!tpu.dma_semaphore, #tpu.memory_space<semaphore_mem>>) src(%dma_wait3A_312 : memref<80x128xf32, #tpu.memory_space<hbm>>) dst(%arg12 : memref<80x128xf32, #tpu.memory_space<vmem>>)
      %dma_start3A_313 = arith.constant 0 : i32
      %dma_start3A_314 = tpu.memref_slice %arg9[%mul3A_284, %dma_start3A_313] : memref<25x80xi32, #tpu.memory_space<vmem>> -> memref<1x80xi32, #tpu.memory_space<vmem>>
      %dma_start3A_315 = tpu.memref_squeeze %dma_start3A_314 : memref<1x80xi32, #tpu.memory_space<vmem>> -> memref<80xi32, #tpu.memory_space<vmem>>
      %dma_start3A_316 = arith.constant 0 : i32
      %dma_start3A_317 = arith.constant 0 : i32
      %dma_start3A_318 = tpu.memref_slice %arg7[%dma_start3A_316, %dma_start3A_317] : memref<10240x128xf32, #tpu.memory_space<vmem_shared>> -> memref<10240x128xf32, #tpu.memory_space<vmem_shared>>
      tpu.enqueue_indirect_dma source(%arg12 : memref<80x128xf32, #tpu.memory_space<vmem>>) target(%dma_start3A_318 : memref<10240x128xf32, #tpu.memory_space<vmem_shared>>) offsets(%dma_start3A_315 : memref<80xi32, #tpu.memory_space<vmem>>) semaphore(%arg16 : memref<!tpu.dma_semaphore, #tpu.memory_space<semaphore_mem>>) {add = true}
      "tpu.region"() ({
        %run_scoped3A_367 = tpu.sem_alloc : memref<!tpu.dma_semaphore, #tpu.memory_space<semaphore_mem>>
        %dma_start3A_368 = arith.constant 0 : i32
        %dma_start3A_369 = tpu.memref_slice %arg9[%mul3A_284, %dma_start3A_368] : memref<25x80xi32, #tpu.memory_space<vmem>> -> memref<1x80xi32, #tpu.memory_space<vmem>>
        %dma_start3A_370 = tpu.memref_squeeze %dma_start3A_369 : memref<1x80xi32, #tpu.memory_space<vmem>> -> memref<80xi32, #tpu.memory_space<vmem>>
        %dma_start3A_371 = arith.constant 0 : i32
        %dma_start3A_372 = arith.constant 0 : i32
        %dma_start3A_373 = tpu.memref_slice %arg7[%dma_start3A_371, %dma_start3A_372] : memref<10240x128xf32, #tpu.memory_space<vmem_shared>> -> memref<10240x128xf32, #tpu.memory_space<vmem_shared>>
        tpu.enqueue_indirect_dma source(%arg10 : memref<80x128xf32, #tpu.memory_space<vmem>>) target(%dma_start3A_373 : memref<10240x128xf32, #tpu.memory_space<vmem_shared>>) offsets(%dma_start3A_370 : memref<80xi32, #tpu.memory_space<vmem>>) semaphore(%run_scoped3A_367 : memref<!tpu.dma_semaphore, #tpu.memory_space<semaphore_mem>>) {add = true}
        %dma_wait3A_374 = arith.constant 0 : i32
        %dma_wait3A_375 = tpu.memref_slice %arg9[%mul3A_284, %dma_wait3A_374] : memref<25x80xi32, #tpu.memory_space<vmem>> -> memref<1x80xi32, #tpu.memory_space<vmem>>
        %dma_wait3A_376 = tpu.memref_squeeze %dma_wait3A_375 : memref<1x80xi32, #tpu.memory_space<vmem>> -> memref<80xi32, #tpu.memory_space<vmem>>
        %dma_wait3A_377 = arith.constant 0 : i32
        %dma_wait3A_378 = arith.constant 0 : i32
        %dma_wait3A_379 = tpu.memref_slice %arg7[%dma_wait3A_377, %dma_wait3A_378] : memref<10240x128xf32, #tpu.memory_space<vmem_shared>> -> memref<10240x128xf32, #tpu.memory_space<vmem_shared>>
        tpu.wait_indirect_dma semaphore(%run_scoped3A_367 : memref<!tpu.dma_semaphore, #tpu.memory_space<semaphore_mem>>) src(%arg10 : memref<80x128xf32, #tpu.memory_space<vmem>>) dst(%dma_wait3A_379 : memref<10240x128xf32, #tpu.memory_space<vmem_shared>>)
        tpu.yield
      }) : () -> ()
      %dma_wait3A_319 = arith.constant 0 : i32
      %dma_wait3A_320 = tpu.memref_slice %arg9[%mul3A_284, %dma_wait3A_319] : memref<25x80xi32, #tpu.memory_space<vmem>> -> memref<1x80xi32, #tpu.memory_space<vmem>>
      %dma_wait3A_321 = tpu.memref_squeeze %dma_wait3A_320 : memref<1x80xi32, #tpu.memory_space<vmem>> -> memref<80xi32, #tpu.memory_space<vmem>>
      %dma_wait3A_322 = arith.constant 0 : i32
      %dma_wait3A_323 = arith.constant 0 : i32
      %dma_wait3A_324 = tpu.memref_slice %arg7[%dma_wait3A_322, %dma_wait3A_323] : memref<10240x128xf32, #tpu.memory_space<vmem_shared>> -> memref<10240x128xf32, #tpu.memory_space<vmem_shared>>
      tpu.wait_indirect_dma semaphore(%arg16 : memref<!tpu.dma_semaphore, #tpu.memory_space<semaphore_mem>>) src(%arg12 : memref<80x128xf32, #tpu.memory_space<vmem>>) dst(%dma_wait3A_324 : memref<10240x128xf32, #tpu.memory_space<vmem_shared>>)
      %add3A_325 = arith.constant 2 : i32
      %add3A_326 = arith.addi %mul3A_284, %add3A_325 : i32
      %dma_start3A_327 = arith.constant 0 : i32
      %dma_start3A_328 = tpu.memref_slice %arg8[%add3A_326, %dma_start3A_327] : memref<25x80xi32, #tpu.memory_space<vmem>> -> memref<1x80xi32, #tpu.memory_space<vmem>>
      %dma_start3A_329 = tpu.memref_squeeze %dma_start3A_328 : memref<1x80xi32, #tpu.memory_space<vmem>> -> memref<80xi32, #tpu.memory_space<vmem>>
      %dma_start3A_330 = arith.constant 0 : i32
      %dma_start3A_331 = arith.constant 0 : i32
      %dma_start3A_332 = tpu.memref_slice %arg2[%dma_start3A_330, %dma_start3A_331] : memref<10000x128xf32, #tpu.memory_space<hbm>> -> memref<10000x128xf32, #tpu.memory_space<hbm>>
      tpu.enqueue_indirect_dma source(%dma_start3A_332 : memref<10000x128xf32, #tpu.memory_space<hbm>>) target(%arg10 : memref<80x128xf32, #tpu.memory_space<vmem>>) offsets(%dma_start3A_329 : memref<80xi32, #tpu.memory_space<vmem>>) semaphore(%arg14 : memref<!tpu.dma_semaphore, #tpu.memory_space<semaphore_mem>>)
      %mul3A_333 = arith.constant 80 : i32
      %mul3A_334 = arith.muli %add3A_326, %mul3A_333 : i32
      %add3A_335 = arith.addi %add3A_171, %mul3A_334 : i32
      %dma_start3A_336 = arith.constant 0 : i32
      %dma_start3A_337 = tpu.memref_slice %arg4[%add3A_335, %dma_start3A_336] : memref<320000x128xf32, #tpu.memory_space<hbm>> -> memref<80x128xf32, #tpu.memory_space<hbm>>
      %dma_start3A_338 = arith.constant 0 : i32
      %dma_start3A_339 = tpu.memref_slice %arg4[%add3A_335, %dma_start3A_338] : memref<320000x128xf32, #tpu.memory_space<hbm>> -> memref<80x128xf32, #tpu.memory_space<hbm>>
      tpu.enqueue_dma source(%dma_start3A_339 : memref<80x128xf32, #tpu.memory_space<hbm>>) target(%arg12 : memref<80x128xf32, #tpu.memory_space<vmem>>) target_semaphore(%arg16 : memref<!tpu.dma_semaphore, #tpu.memory_space<semaphore_mem>>)
      %add3A_340 = arith.constant 1 : i32
      %add3A_341 = arith.addi %mul3A_284, %add3A_340 : i32
      %dma_wait3A_342 = arith.constant 0 : i32
      %dma_wait3A_343 = tpu.memref_slice %arg8[%add3A_341, %dma_wait3A_342] : memref<25x80xi32, #tpu.memory_space<vmem>> -> memref<1x80xi32, #tpu.memory_space<vmem>>
      %dma_wait3A_344 = tpu.memref_squeeze %dma_wait3A_343 : memref<1x80xi32, #tpu.memory_space<vmem>> -> memref<80xi32, #tpu.memory_space<vmem>>
      %dma_wait3A_345 = arith.constant 0 : i32
      %dma_wait3A_346 = arith.constant 0 : i32
      %dma_wait3A_347 = tpu.memref_slice %arg2[%dma_wait3A_345, %dma_wait3A_346] : memref<10000x128xf32, #tpu.memory_space<hbm>> -> memref<10000x128xf32, #tpu.memory_space<hbm>>
      tpu.wait_indirect_dma semaphore(%arg15 : memref<!tpu.dma_semaphore, #tpu.memory_space<semaphore_mem>>) src(%dma_wait3A_347 : memref<10000x128xf32, #tpu.memory_space<hbm>>) dst(%arg11 : memref<80x128xf32, #tpu.memory_space<vmem>>)
      %mul3A_348 = arith.constant 80 : i32
      %mul3A_349 = arith.muli %add3A_341, %mul3A_348 : i32
      %add3A_350 = arith.addi %add3A_171, %mul3A_349 : i32
      %dma_wait3A_351 = arith.constant 0 : i32
      %dma_wait3A_352 = tpu.memref_slice %arg4[%add3A_350, %dma_wait3A_351] : memref<320000x128xf32, #tpu.memory_space<hbm>> -> memref<80x128xf32, #tpu.memory_space<hbm>>
      %dma_wait3A_353 = arith.constant 0 : i32
      %dma_wait3A_354 = tpu.memref_slice %arg4[%add3A_350, %dma_wait3A_353] : memref<320000x128xf32, #tpu.memory_space<hbm>> -> memref<80x128xf32, #tpu.memory_space<hbm>>
      tpu.wait_dma2 semaphore(%arg17 : memref<!tpu.dma_semaphore, #tpu.memory_space<semaphore_mem>>) src(%dma_wait3A_354 : memref<80x128xf32, #tpu.memory_space<hbm>>) dst(%arg13 : memref<80x128xf32, #tpu.memory_space<vmem>>)
      %dma_start3A_355 = arith.constant 0 : i32
      %dma_start3A_356 = tpu.memref_slice %arg9[%add3A_341, %dma_start3A_355] : memref<25x80xi32, #tpu.memory_space<vmem>> -> memref<1x80xi32, #tpu.memory_space<vmem>>
      %dma_start3A_357 = tpu.memref_squeeze %dma_start3A_356 : memref<1x80xi32, #tpu.memory_space<vmem>> -> memref<80xi32, #tpu.memory_space<vmem>>
      %dma_start3A_358 = arith.constant 0 : i32
      %dma_start3A_359 = arith.constant 0 : i32
      %dma_start3A_360 = tpu.memref_slice %arg7[%dma_start3A_358, %dma_start3A_359] : memref<10240x128xf32, #tpu.memory_space<vmem_shared>> -> memref<10240x128xf32, #tpu.memory_space<vmem_shared>>
      tpu.enqueue_indirect_dma source(%arg13 : memref<80x128xf32, #tpu.memory_space<vmem>>) target(%dma_start3A_360 : memref<10240x128xf32, #tpu.memory_space<vmem_shared>>) offsets(%dma_start3A_357 : memref<80xi32, #tpu.memory_space<vmem>>) semaphore(%arg17 : memref<!tpu.dma_semaphore, #tpu.memory_space<semaphore_mem>>) {add = true}
      "tpu.region"() ({
        %run_scoped3A_367 = tpu.sem_alloc : memref<!tpu.dma_semaphore, #tpu.memory_space<semaphore_mem>>
        %dma_start3A_368 = arith.constant 0 : i32
        %dma_start3A_369 = tpu.memref_slice %arg9[%add3A_341, %dma_start3A_368] : memref<25x80xi32, #tpu.memory_space<vmem>> -> memref<1x80xi32, #tpu.memory_space<vmem>>
        %dma_start3A_370 = tpu.memref_squeeze %dma_start3A_369 : memref<1x80xi32, #tpu.memory_space<vmem>> -> memref<80xi32, #tpu.memory_space<vmem>>
        %dma_start3A_371 = arith.constant 0 : i32
        %dma_start3A_372 = arith.constant 0 : i32
        %dma_start3A_373 = tpu.memref_slice %arg7[%dma_start3A_371, %dma_start3A_372] : memref<10240x128xf32, #tpu.memory_space<vmem_shared>> -> memref<10240x128xf32, #tpu.memory_space<vmem_shared>>
        tpu.enqueue_indirect_dma source(%arg11 : memref<80x128xf32, #tpu.memory_space<vmem>>) target(%dma_start3A_373 : memref<10240x128xf32, #tpu.memory_space<vmem_shared>>) offsets(%dma_start3A_370 : memref<80xi32, #tpu.memory_space<vmem>>) semaphore(%run_scoped3A_367 : memref<!tpu.dma_semaphore, #tpu.memory_space<semaphore_mem>>) {add = true}
        %dma_wait3A_374 = arith.constant 0 : i32
        %dma_wait3A_375 = tpu.memref_slice %arg9[%add3A_341, %dma_wait3A_374] : memref<25x80xi32, #tpu.memory_space<vmem>> -> memref<1x80xi32, #tpu.memory_space<vmem>>
        %dma_wait3A_376 = tpu.memref_squeeze %dma_wait3A_375 : memref<1x80xi32, #tpu.memory_space<vmem>> -> memref<80xi32, #tpu.memory_space<vmem>>
        %dma_wait3A_377 = arith.constant 0 : i32
        %dma_wait3A_378 = arith.constant 0 : i32
        %dma_wait3A_379 = tpu.memref_slice %arg7[%dma_wait3A_377, %dma_wait3A_378] : memref<10240x128xf32, #tpu.memory_space<vmem_shared>> -> memref<10240x128xf32, #tpu.memory_space<vmem_shared>>
        tpu.wait_indirect_dma semaphore(%run_scoped3A_367 : memref<!tpu.dma_semaphore, #tpu.memory_space<semaphore_mem>>) src(%arg11 : memref<80x128xf32, #tpu.memory_space<vmem>>) dst(%dma_wait3A_379 : memref<10240x128xf32, #tpu.memory_space<vmem_shared>>)
        tpu.yield
      }) : () -> ()
      %dma_wait3A_361 = arith.constant 0 : i32
      %dma_wait3A_362 = tpu.memref_slice %arg9[%add3A_341, %dma_wait3A_361] : memref<25x80xi32, #tpu.memory_space<vmem>> -> memref<1x80xi32, #tpu.memory_space<vmem>>
      %dma_wait3A_363 = tpu.memref_squeeze %dma_wait3A_362 : memref<1x80xi32, #tpu.memory_space<vmem>> -> memref<80xi32, #tpu.memory_space<vmem>>
      %dma_wait3A_364 = arith.constant 0 : i32
      %dma_wait3A_365 = arith.constant 0 : i32
      %dma_wait3A_366 = tpu.memref_slice %arg7[%dma_wait3A_364, %dma_wait3A_365] : memref<10240x128xf32, #tpu.memory_space<vmem_shared>> -> memref<10240x128xf32, #tpu.memory_space<vmem_shared>>
      tpu.wait_indirect_dma semaphore(%arg17 : memref<!tpu.dma_semaphore, #tpu.memory_space<semaphore_mem>>) src(%arg13 : memref<80x128xf32, #tpu.memory_space<vmem>>) dst(%dma_wait3A_366 : memref<10240x128xf32, #tpu.memory_space<vmem_shared>>)
    }
    %scan3A_190 = arith.constant 12 : i32
    %dma_wait3A_191 = arith.constant 24 : i32
    %dma_wait3A_192 = arith.constant 0 : i32
    %dma_wait3A_193 = tpu.memref_slice %arg8[%dma_wait3A_191, %dma_wait3A_192] : memref<25x80xi32, #tpu.memory_space<vmem>> -> memref<1x80xi32, #tpu.memory_space<vmem>>
    %dma_wait3A_194 = tpu.memref_squeeze %dma_wait3A_193 : memref<1x80xi32, #tpu.memory_space<vmem>> -> memref<80xi32, #tpu.memory_space<vmem>>
    %dma_wait3A_195 = arith.constant 0 : i32
    %dma_wait3A_196 = arith.constant 0 : i32
    %dma_wait3A_197 = tpu.memref_slice %arg2[%dma_wait3A_195, %dma_wait3A_196] : memref<10000x128xf32, #tpu.memory_space<hbm>> -> memref<10000x128xf32, #tpu.memory_space<hbm>>
    tpu.wait_indirect_dma semaphore(%arg14 : memref<!tpu.dma_semaphore, #tpu.memory_space<semaphore_mem>>) src(%dma_wait3A_197 : memref<10000x128xf32, #tpu.memory_space<hbm>>) dst(%arg10 : memref<80x128xf32, #tpu.memory_space<vmem>>)
    %add3A_198 = arith.constant 1920 : i32
    %add3A_199 = arith.addi %add3A_171, %add3A_198 : i32
    %dma_wait3A_200 = arith.constant 0 : i32
    %dma_wait3A_201 = tpu.memref_slice %arg4[%add3A_199, %dma_wait3A_200] : memref<320000x128xf32, #tpu.memory_space<hbm>> -> memref<80x128xf32, #tpu.memory_space<hbm>>
    %dma_wait3A_202 = arith.constant 0 : i32
    %dma_wait3A_203 = tpu.memref_slice %arg4[%add3A_199, %dma_wait3A_202] : memref<320000x128xf32, #tpu.memory_space<hbm>> -> memref<80x128xf32, #tpu.memory_space<hbm>>
    tpu.wait_dma2 semaphore(%arg16 : memref<!tpu.dma_semaphore, #tpu.memory_space<semaphore_mem>>) src(%dma_wait3A_203 : memref<80x128xf32, #tpu.memory_space<hbm>>) dst(%arg12 : memref<80x128xf32, #tpu.memory_space<vmem>>)
    %dma_start3A_204 = arith.constant 24 : i32
    %dma_start3A_205 = arith.constant 0 : i32
    %dma_start3A_206 = tpu.memref_slice %arg9[%dma_start3A_204, %dma_start3A_205] : memref<25x80xi32, #tpu.memory_space<vmem>> -> memref<1x80xi32, #tpu.memory_space<vmem>>
    %dma_start3A_207 = tpu.memref_squeeze %dma_start3A_206 : memref<1x80xi32, #tpu.memory_space<vmem>> -> memref<80xi32, #tpu.memory_space<vmem>>
    %dma_start3A_208 = arith.constant 0 : i32
    %dma_start3A_209 = arith.constant 0 : i32
    %dma_start3A_210 = tpu.memref_slice %arg7[%dma_start3A_208, %dma_start3A_209] : memref<10240x128xf32, #tpu.memory_space<vmem_shared>> -> memref<10240x128xf32, #tpu.memory_space<vmem_shared>>
    tpu.enqueue_indirect_dma source(%arg12 : memref<80x128xf32, #tpu.memory_space<vmem>>) target(%dma_start3A_210 : memref<10240x128xf32, #tpu.memory_space<vmem_shared>>) offsets(%dma_start3A_207 : memref<80xi32, #tpu.memory_space<vmem>>) semaphore(%arg16 : memref<!tpu.dma_semaphore, #tpu.memory_space<semaphore_mem>>) {add = true}
    %run_scoped3A_211 = arith.constant 24 : i32
    "tpu.region"() ({
      %run_scoped3A_282 = tpu.sem_alloc : memref<!tpu.dma_semaphore, #tpu.memory_space<semaphore_mem>>
      %dma_start3A_283 = arith.constant 0 : i32
      %dma_start3A_284 = tpu.memref_slice %arg9[%run_scoped3A_211, %dma_start3A_283] : memref<25x80xi32, #tpu.memory_space<vmem>> -> memref<1x80xi32, #tpu.memory_space<vmem>>
      %dma_start3A_285 = tpu.memref_squeeze %dma_start3A_284 : memref<1x80xi32, #tpu.memory_space<vmem>> -> memref<80xi32, #tpu.memory_space<vmem>>
      %dma_start3A_286 = arith.constant 0 : i32
      %dma_start3A_287 = arith.constant 0 : i32
      %dma_start3A_288 = tpu.memref_slice %arg7[%dma_start3A_286, %dma_start3A_287] : memref<10240x128xf32, #tpu.memory_space<vmem_shared>> -> memref<10240x128xf32, #tpu.memory_space<vmem_shared>>
      tpu.enqueue_indirect_dma source(%arg10 : memref<80x128xf32, #tpu.memory_space<vmem>>) target(%dma_start3A_288 : memref<10240x128xf32, #tpu.memory_space<vmem_shared>>) offsets(%dma_start3A_285 : memref<80xi32, #tpu.memory_space<vmem>>) semaphore(%run_scoped3A_282 : memref<!tpu.dma_semaphore, #tpu.memory_space<semaphore_mem>>) {add = true}
      %dma_wait3A_289 = arith.constant 0 : i32
      %dma_wait3A_290 = tpu.memref_slice %arg9[%run_scoped3A_211, %dma_wait3A_289] : memref<25x80xi32, #tpu.memory_space<vmem>> -> memref<1x80xi32, #tpu.memory_space<vmem>>
      %dma_wait3A_291 = tpu.memref_squeeze %dma_wait3A_290 : memref<1x80xi32, #tpu.memory_space<vmem>> -> memref<80xi32, #tpu.memory_space<vmem>>
      %dma_wait3A_292 = arith.constant 0 : i32
      %dma_wait3A_293 = arith.constant 0 : i32
      %dma_wait3A_294 = tpu.memref_slice %arg7[%dma_wait3A_292, %dma_wait3A_293] : memref<10240x128xf32, #tpu.memory_space<vmem_shared>> -> memref<10240x128xf32, #tpu.memory_space<vmem_shared>>
      tpu.wait_indirect_dma semaphore(%run_scoped3A_282 : memref<!tpu.dma_semaphore, #tpu.memory_space<semaphore_mem>>) src(%arg10 : memref<80x128xf32, #tpu.memory_space<vmem>>) dst(%dma_wait3A_294 : memref<10240x128xf32, #tpu.memory_space<vmem_shared>>)
      tpu.yield
    }) : () -> ()
    %dma_wait3A_212 = arith.constant 24 : i32
    %dma_wait3A_213 = arith.constant 0 : i32
    %dma_wait3A_214 = tpu.memref_slice %arg9[%dma_wait3A_212, %dma_wait3A_213] : memref<25x80xi32, #tpu.memory_space<vmem>> -> memref<1x80xi32, #tpu.memory_space<vmem>>
    %dma_wait3A_215 = tpu.memref_squeeze %dma_wait3A_214 : memref<1x80xi32, #tpu.memory_space<vmem>> -> memref<80xi32, #tpu.memory_space<vmem>>
    %dma_wait3A_216 = arith.constant 0 : i32
    %dma_wait3A_217 = arith.constant 0 : i32
    %dma_wait3A_218 = tpu.memref_slice %arg7[%dma_wait3A_216, %dma_wait3A_217] : memref<10240x128xf32, #tpu.memory_space<vmem_shared>> -> memref<10240x128xf32, #tpu.memory_space<vmem_shared>>
    tpu.wait_indirect_dma semaphore(%arg16 : memref<!tpu.dma_semaphore, #tpu.memory_space<semaphore_mem>>) src(%arg12 : memref<80x128xf32, #tpu.memory_space<vmem>>) dst(%dma_wait3A_218 : memref<10240x128xf32, #tpu.memory_space<vmem_shared>>)
    %run_scoped3A_219 = arith.constant 0 : i32
    %run_scoped3A_220 = arith.constant 4 : i32
    "tpu.region"() ({
      %run_scoped3A_282 = tpu.sem_alloc : memref<!tpu.dma_semaphore, #tpu.memory_space<semaphore_mem>>
      %dma_start3A_283 = arith.constant 0 : i32
      %dma_start3A_284 = arith.constant 0 : i32
      %dma_start3A_285 = tpu.memref_slice %arg3[%run_scoped3A_219, %add3A, %run_scoped3A_220, %dma_start3A_283, %dma_start3A_284] : memref<2x32x5x25x80xi32, #tpu.memory_space<hbm>> -> memref<1x1x1x25x80xi32, #tpu.memory_space<hbm>>
      %dma_start3A_286 = tpu.memref_squeeze %dma_start3A_285 : memref<1x1x1x25x80xi32, #tpu.memory_space<hbm>> -> memref<25x80xi32, #tpu.memory_space<hbm>>
      %dma_start3A_287 = arith.constant 0 : i32
      %dma_start3A_288 = arith.constant 0 : i32
      %dma_start3A_289 = tpu.memref_slice %arg3[%run_scoped3A_219, %add3A, %run_scoped3A_220, %dma_start3A_287, %dma_start3A_288] : memref<2x32x5x25x80xi32, #tpu.memory_space<hbm>> -> memref<1x1x1x25x80xi32, #tpu.memory_space<hbm>>
      %dma_start3A_290 = tpu.memref_squeeze %dma_start3A_289 : memref<1x1x1x25x80xi32, #tpu.memory_space<hbm>> -> memref<25x80xi32, #tpu.memory_space<hbm>>
      tpu.enqueue_dma source(%dma_start3A_290 : memref<25x80xi32, #tpu.memory_space<hbm>>) target(%arg8 : memref<25x80xi32, #tpu.memory_space<vmem>>) target_semaphore(%run_scoped3A_282 : memref<!tpu.dma_semaphore, #tpu.memory_space<semaphore_mem>>)
      %dma_wait3A_291 = arith.constant 0 : i32
      %dma_wait3A_292 = arith.constant 0 : i32
      %dma_wait3A_293 = tpu.memref_slice %arg3[%run_scoped3A_219, %add3A, %run_scoped3A_220, %dma_wait3A_291, %dma_wait3A_292] : memref<2x32x5x25x80xi32, #tpu.memory_space<hbm>> -> memref<1x1x1x25x80xi32, #tpu.memory_space<hbm>>
      %dma_wait3A_294 = tpu.memref_squeeze %dma_wait3A_293 : memref<1x1x1x25x80xi32, #tpu.memory_space<hbm>> -> memref<25x80xi32, #tpu.memory_space<hbm>>
      %dma_wait3A_295 = arith.constant 0 : i32
      %dma_wait3A_296 = arith.constant 0 : i32
      %dma_wait3A_297 = tpu.memref_slice %arg3[%run_scoped3A_219, %add3A, %run_scoped3A_220, %dma_wait3A_295, %dma_wait3A_296] : memref<2x32x5x25x80xi32, #tpu.memory_space<hbm>> -> memref<1x1x1x25x80xi32, #tpu.memory_space<hbm>>
      %dma_wait3A_298 = tpu.memref_squeeze %dma_wait3A_297 : memref<1x1x1x25x80xi32, #tpu.memory_space<hbm>> -> memref<25x80xi32, #tpu.memory_space<hbm>>
      tpu.wait_dma2 semaphore(%run_scoped3A_282 : memref<!tpu.dma_semaphore, #tpu.memory_space<semaphore_mem>>) src(%dma_wait3A_298 : memref<25x80xi32, #tpu.memory_space<hbm>>) dst(%arg8 : memref<25x80xi32, #tpu.memory_space<vmem>>)
      tpu.yield
    }) : () -> ()
    %run_scoped3A_221 = arith.constant 1 : i32
    %run_scoped3A_222 = arith.constant 4 : i32
    "tpu.region"() ({
      %run_scoped3A_282 = tpu.sem_alloc : memref<!tpu.dma_semaphore, #tpu.memory_space<semaphore_mem>>
      %dma_start3A_283 = arith.constant 0 : i32
      %dma_start3A_284 = arith.constant 0 : i32
      %dma_start3A_285 = tpu.memref_slice %arg3[%run_scoped3A_221, %add3A, %run_scoped3A_222, %dma_start3A_283, %dma_start3A_284] : memref<2x32x5x25x80xi32, #tpu.memory_space<hbm>> -> memref<1x1x1x25x80xi32, #tpu.memory_space<hbm>>
      %dma_start3A_286 = tpu.memref_squeeze %dma_start3A_285 : memref<1x1x1x25x80xi32, #tpu.memory_space<hbm>> -> memref<25x80xi32, #tpu.memory_space<hbm>>
      %dma_start3A_287 = arith.constant 0 : i32
      %dma_start3A_288 = arith.constant 0 : i32
      %dma_start3A_289 = tpu.memref_slice %arg3[%run_scoped3A_221, %add3A, %run_scoped3A_222, %dma_start3A_287, %dma_start3A_288] : memref<2x32x5x25x80xi32, #tpu.memory_space<hbm>> -> memref<1x1x1x25x80xi32, #tpu.memory_space<hbm>>
      %dma_start3A_290 = tpu.memref_squeeze %dma_start3A_289 : memref<1x1x1x25x80xi32, #tpu.memory_space<hbm>> -> memref<25x80xi32, #tpu.memory_space<hbm>>
      tpu.enqueue_dma source(%dma_start3A_290 : memref<25x80xi32, #tpu.memory_space<hbm>>) target(%arg9 : memref<25x80xi32, #tpu.memory_space<vmem>>) target_semaphore(%run_scoped3A_282 : memref<!tpu.dma_semaphore, #tpu.memory_space<semaphore_mem>>)
      %dma_wait3A_291 = arith.constant 0 : i32
      %dma_wait3A_292 = arith.constant 0 : i32
      %dma_wait3A_293 = tpu.memref_slice %arg3[%run_scoped3A_221, %add3A, %run_scoped3A_222, %dma_wait3A_291, %dma_wait3A_292] : memref<2x32x5x25x80xi32, #tpu.memory_space<hbm>> -> memref<1x1x1x25x80xi32, #tpu.memory_space<hbm>>
      %dma_wait3A_294 = tpu.memref_squeeze %dma_wait3A_293 : memref<1x1x1x25x80xi32, #tpu.memory_space<hbm>> -> memref<25x80xi32, #tpu.memory_space<hbm>>
      %dma_wait3A_295 = arith.constant 0 : i32
      %dma_wait3A_296 = arith.constant 0 : i32
      %dma_wait3A_297 = tpu.memref_slice %arg3[%run_scoped3A_221, %add3A, %run_scoped3A_222, %dma_wait3A_295, %dma_wait3A_296] : memref<2x32x5x25x80xi32, #tpu.memory_space<hbm>> -> memref<1x1x1x25x80xi32, #tpu.memory_space<hbm>>
      %dma_wait3A_298 = tpu.memref_squeeze %dma_wait3A_297 : memref<1x1x1x25x80xi32, #tpu.memory_space<hbm>> -> memref<25x80xi32, #tpu.memory_space<hbm>>
      tpu.wait_dma2 semaphore(%run_scoped3A_282 : memref<!tpu.dma_semaphore, #tpu.memory_space<semaphore_mem>>) src(%dma_wait3A_298 : memref<25x80xi32, #tpu.memory_space<hbm>>) dst(%arg9 : memref<25x80xi32, #tpu.memory_space<vmem>>)
      tpu.yield
    }) : () -> ()
    %add3A_223 = arith.constant 8000 : i32
    %add3A_224 = arith.addi %mul3A_2, %add3A_223 : i32
    %dma_start3A_225 = arith.constant 0 : i32
    %dma_start3A_226 = arith.constant 0 : i32
    %dma_start3A_227 = tpu.memref_slice %arg8[%dma_start3A_225, %dma_start3A_226] : memref<25x80xi32, #tpu.memory_space<vmem>> -> memref<1x80xi32, #tpu.memory_space<vmem>>
    %dma_start3A_228 = tpu.memref_squeeze %dma_start3A_227 : memref<1x80xi32, #tpu.memory_space<vmem>> -> memref<80xi32, #tpu.memory_space<vmem>>
    %dma_start3A_229 = arith.constant 0 : i32
    %dma_start3A_230 = arith.constant 0 : i32
    %dma_start3A_231 = tpu.memref_slice %arg2[%dma_start3A_229, %dma_start3A_230] : memref<10000x128xf32, #tpu.memory_space<hbm>> -> memref<10000x128xf32, #tpu.memory_space<hbm>>
    tpu.enqueue_indirect_dma source(%dma_start3A_231 : memref<10000x128xf32, #tpu.memory_space<hbm>>) target(%arg10 : memref<80x128xf32, #tpu.memory_space<vmem>>) offsets(%dma_start3A_228 : memref<80xi32, #tpu.memory_space<vmem>>) semaphore(%arg14 : memref<!tpu.dma_semaphore, #tpu.memory_space<semaphore_mem>>)
    %add3A_232 = arith.constant 0 : i32
    %add3A_233 = arith.addi %add3A_224, %add3A_232 : i32
    %dma_start3A_234 = arith.constant 0 : i32
    %dma_start3A_235 = tpu.memref_slice %arg4[%add3A_233, %dma_start3A_234] : memref<320000x128xf32, #tpu.memory_space<hbm>> -> memref<80x128xf32, #tpu.memory_space<hbm>>
    %dma_start3A_236 = arith.constant 0 : i32
    %dma_start3A_237 = tpu.memref_slice %arg4[%add3A_233, %dma_start3A_236] : memref<320000x128xf32, #tpu.memory_space<hbm>> -> memref<80x128xf32, #tpu.memory_space<hbm>>
    tpu.enqueue_dma source(%dma_start3A_237 : memref<80x128xf32, #tpu.memory_space<hbm>>) target(%arg12 : memref<80x128xf32, #tpu.memory_space<vmem>>) target_semaphore(%arg16 : memref<!tpu.dma_semaphore, #tpu.memory_space<semaphore_mem>>)
    %scan3A_238 = arith.constant 0 : i32
    %scan3A_239 = arith.constant 0 : i32
    %scan3A_240 = arith.constant 12 : i32
    %scan3A_241 = arith.addi %scan3A_239, %scan3A_240 : i32
    %scan3A_242 = arith.constant 1 : i32
    scf.for %scan3A_282 = %scan3A_239 to %scan3A_241 step %scan3A_242  : i32 {
      %mul3A_283 = arith.constant 2 : i32
      %mul3A_284 = arith.muli %mul3A_283, %scan3A_282 : i32
      %add3A_285 = arith.constant 1 : i32
      %add3A_286 = arith.addi %mul3A_284, %add3A_285 : i32
      %dma_start3A_287 = arith.constant 0 : i32
      %dma_start3A_288 = tpu.memref_slice %arg8[%add3A_286, %dma_start3A_287] : memref<25x80xi32, #tpu.memory_space<vmem>> -> memref<1x80xi32, #tpu.memory_space<vmem>>
      %dma_start3A_289 = tpu.memref_squeeze %dma_start3A_288 : memref<1x80xi32, #tpu.memory_space<vmem>> -> memref<80xi32, #tpu.memory_space<vmem>>
      %dma_start3A_290 = arith.constant 0 : i32
      %dma_start3A_291 = arith.constant 0 : i32
      %dma_start3A_292 = tpu.memref_slice %arg2[%dma_start3A_290, %dma_start3A_291] : memref<10000x128xf32, #tpu.memory_space<hbm>> -> memref<10000x128xf32, #tpu.memory_space<hbm>>
      tpu.enqueue_indirect_dma source(%dma_start3A_292 : memref<10000x128xf32, #tpu.memory_space<hbm>>) target(%arg11 : memref<80x128xf32, #tpu.memory_space<vmem>>) offsets(%dma_start3A_289 : memref<80xi32, #tpu.memory_space<vmem>>) semaphore(%arg15 : memref<!tpu.dma_semaphore, #tpu.memory_space<semaphore_mem>>)
      %mul3A_293 = arith.constant 80 : i32
      %mul3A_294 = arith.muli %add3A_286, %mul3A_293 : i32
      %add3A_295 = arith.addi %add3A_224, %mul3A_294 : i32
      %dma_start3A_296 = arith.constant 0 : i32
      %dma_start3A_297 = tpu.memref_slice %arg4[%add3A_295, %dma_start3A_296] : memref<320000x128xf32, #tpu.memory_space<hbm>> -> memref<80x128xf32, #tpu.memory_space<hbm>>
      %dma_start3A_298 = arith.constant 0 : i32
      %dma_start3A_299 = tpu.memref_slice %arg4[%add3A_295, %dma_start3A_298] : memref<320000x128xf32, #tpu.memory_space<hbm>> -> memref<80x128xf32, #tpu.memory_space<hbm>>
      tpu.enqueue_dma source(%dma_start3A_299 : memref<80x128xf32, #tpu.memory_space<hbm>>) target(%arg13 : memref<80x128xf32, #tpu.memory_space<vmem>>) target_semaphore(%arg17 : memref<!tpu.dma_semaphore, #tpu.memory_space<semaphore_mem>>)
      %dma_wait3A_300 = arith.constant 0 : i32
      %dma_wait3A_301 = tpu.memref_slice %arg8[%mul3A_284, %dma_wait3A_300] : memref<25x80xi32, #tpu.memory_space<vmem>> -> memref<1x80xi32, #tpu.memory_space<vmem>>
      %dma_wait3A_302 = tpu.memref_squeeze %dma_wait3A_301 : memref<1x80xi32, #tpu.memory_space<vmem>> -> memref<80xi32, #tpu.memory_space<vmem>>
      %dma_wait3A_303 = arith.constant 0 : i32
      %dma_wait3A_304 = arith.constant 0 : i32
      %dma_wait3A_305 = tpu.memref_slice %arg2[%dma_wait3A_303, %dma_wait3A_304] : memref<10000x128xf32, #tpu.memory_space<hbm>> -> memref<10000x128xf32, #tpu.memory_space<hbm>>
      tpu.wait_indirect_dma semaphore(%arg14 : memref<!tpu.dma_semaphore, #tpu.memory_space<semaphore_mem>>) src(%dma_wait3A_305 : memref<10000x128xf32, #tpu.memory_space<hbm>>) dst(%arg10 : memref<80x128xf32, #tpu.memory_space<vmem>>)
      %mul3A_306 = arith.constant 80 : i32
      %mul3A_307 = arith.muli %mul3A_284, %mul3A_306 : i32
      %add3A_308 = arith.addi %add3A_224, %mul3A_307 : i32
      %dma_wait3A_309 = arith.constant 0 : i32
      %dma_wait3A_310 = tpu.memref_slice %arg4[%add3A_308, %dma_wait3A_309] : memref<320000x128xf32, #tpu.memory_space<hbm>> -> memref<80x128xf32, #tpu.memory_space<hbm>>
      %dma_wait3A_311 = arith.constant 0 : i32
      %dma_wait3A_312 = tpu.memref_slice %arg4[%add3A_308, %dma_wait3A_311] : memref<320000x128xf32, #tpu.memory_space<hbm>> -> memref<80x128xf32, #tpu.memory_space<hbm>>
      tpu.wait_dma2 semaphore(%arg16 : memref<!tpu.dma_semaphore, #tpu.memory_space<semaphore_mem>>) src(%dma_wait3A_312 : memref<80x128xf32, #tpu.memory_space<hbm>>) dst(%arg12 : memref<80x128xf32, #tpu.memory_space<vmem>>)
      %dma_start3A_313 = arith.constant 0 : i32
      %dma_start3A_314 = tpu.memref_slice %arg9[%mul3A_284, %dma_start3A_313] : memref<25x80xi32, #tpu.memory_space<vmem>> -> memref<1x80xi32, #tpu.memory_space<vmem>>
      %dma_start3A_315 = tpu.memref_squeeze %dma_start3A_314 : memref<1x80xi32, #tpu.memory_space<vmem>> -> memref<80xi32, #tpu.memory_space<vmem>>
      %dma_start3A_316 = arith.constant 0 : i32
      %dma_start3A_317 = arith.constant 0 : i32
      %dma_start3A_318 = tpu.memref_slice %arg7[%dma_start3A_316, %dma_start3A_317] : memref<10240x128xf32, #tpu.memory_space<vmem_shared>> -> memref<10240x128xf32, #tpu.memory_space<vmem_shared>>
      tpu.enqueue_indirect_dma source(%arg12 : memref<80x128xf32, #tpu.memory_space<vmem>>) target(%dma_start3A_318 : memref<10240x128xf32, #tpu.memory_space<vmem_shared>>) offsets(%dma_start3A_315 : memref<80xi32, #tpu.memory_space<vmem>>) semaphore(%arg16 : memref<!tpu.dma_semaphore, #tpu.memory_space<semaphore_mem>>) {add = true}
      "tpu.region"() ({
        %run_scoped3A_367 = tpu.sem_alloc : memref<!tpu.dma_semaphore, #tpu.memory_space<semaphore_mem>>
        %dma_start3A_368 = arith.constant 0 : i32
        %dma_start3A_369 = tpu.memref_slice %arg9[%mul3A_284, %dma_start3A_368] : memref<25x80xi32, #tpu.memory_space<vmem>> -> memref<1x80xi32, #tpu.memory_space<vmem>>
        %dma_start3A_370 = tpu.memref_squeeze %dma_start3A_369 : memref<1x80xi32, #tpu.memory_space<vmem>> -> memref<80xi32, #tpu.memory_space<vmem>>
        %dma_start3A_371 = arith.constant 0 : i32
        %dma_start3A_372 = arith.constant 0 : i32
        %dma_start3A_373 = tpu.memref_slice %arg7[%dma_start3A_371, %dma_start3A_372] : memref<10240x128xf32, #tpu.memory_space<vmem_shared>> -> memref<10240x128xf32, #tpu.memory_space<vmem_shared>>
        tpu.enqueue_indirect_dma source(%arg10 : memref<80x128xf32, #tpu.memory_space<vmem>>) target(%dma_start3A_373 : memref<10240x128xf32, #tpu.memory_space<vmem_shared>>) offsets(%dma_start3A_370 : memref<80xi32, #tpu.memory_space<vmem>>) semaphore(%run_scoped3A_367 : memref<!tpu.dma_semaphore, #tpu.memory_space<semaphore_mem>>) {add = true}
        %dma_wait3A_374 = arith.constant 0 : i32
        %dma_wait3A_375 = tpu.memref_slice %arg9[%mul3A_284, %dma_wait3A_374] : memref<25x80xi32, #tpu.memory_space<vmem>> -> memref<1x80xi32, #tpu.memory_space<vmem>>
        %dma_wait3A_376 = tpu.memref_squeeze %dma_wait3A_375 : memref<1x80xi32, #tpu.memory_space<vmem>> -> memref<80xi32, #tpu.memory_space<vmem>>
        %dma_wait3A_377 = arith.constant 0 : i32
        %dma_wait3A_378 = arith.constant 0 : i32
        %dma_wait3A_379 = tpu.memref_slice %arg7[%dma_wait3A_377, %dma_wait3A_378] : memref<10240x128xf32, #tpu.memory_space<vmem_shared>> -> memref<10240x128xf32, #tpu.memory_space<vmem_shared>>
        tpu.wait_indirect_dma semaphore(%run_scoped3A_367 : memref<!tpu.dma_semaphore, #tpu.memory_space<semaphore_mem>>) src(%arg10 : memref<80x128xf32, #tpu.memory_space<vmem>>) dst(%dma_wait3A_379 : memref<10240x128xf32, #tpu.memory_space<vmem_shared>>)
        tpu.yield
      }) : () -> ()
      %dma_wait3A_319 = arith.constant 0 : i32
      %dma_wait3A_320 = tpu.memref_slice %arg9[%mul3A_284, %dma_wait3A_319] : memref<25x80xi32, #tpu.memory_space<vmem>> -> memref<1x80xi32, #tpu.memory_space<vmem>>
      %dma_wait3A_321 = tpu.memref_squeeze %dma_wait3A_320 : memref<1x80xi32, #tpu.memory_space<vmem>> -> memref<80xi32, #tpu.memory_space<vmem>>
      %dma_wait3A_322 = arith.constant 0 : i32
      %dma_wait3A_323 = arith.constant 0 : i32
      %dma_wait3A_324 = tpu.memref_slice %arg7[%dma_wait3A_322, %dma_wait3A_323] : memref<10240x128xf32, #tpu.memory_space<vmem_shared>> -> memref<10240x128xf32, #tpu.memory_space<vmem_shared>>
      tpu.wait_indirect_dma semaphore(%arg16 : memref<!tpu.dma_semaphore, #tpu.memory_space<semaphore_mem>>) src(%arg12 : memref<80x128xf32, #tpu.memory_space<vmem>>) dst(%dma_wait3A_324 : memref<10240x128xf32, #tpu.memory_space<vmem_shared>>)
      %add3A_325 = arith.constant 2 : i32
      %add3A_326 = arith.addi %mul3A_284, %add3A_325 : i32
      %dma_start3A_327 = arith.constant 0 : i32
      %dma_start3A_328 = tpu.memref_slice %arg8[%add3A_326, %dma_start3A_327] : memref<25x80xi32, #tpu.memory_space<vmem>> -> memref<1x80xi32, #tpu.memory_space<vmem>>
      %dma_start3A_329 = tpu.memref_squeeze %dma_start3A_328 : memref<1x80xi32, #tpu.memory_space<vmem>> -> memref<80xi32, #tpu.memory_space<vmem>>
      %dma_start3A_330 = arith.constant 0 : i32
      %dma_start3A_331 = arith.constant 0 : i32
      %dma_start3A_332 = tpu.memref_slice %arg2[%dma_start3A_330, %dma_start3A_331] : memref<10000x128xf32, #tpu.memory_space<hbm>> -> memref<10000x128xf32, #tpu.memory_space<hbm>>
      tpu.enqueue_indirect_dma source(%dma_start3A_332 : memref<10000x128xf32, #tpu.memory_space<hbm>>) target(%arg10 : memref<80x128xf32, #tpu.memory_space<vmem>>) offsets(%dma_start3A_329 : memref<80xi32, #tpu.memory_space<vmem>>) semaphore(%arg14 : memref<!tpu.dma_semaphore, #tpu.memory_space<semaphore_mem>>)
      %mul3A_333 = arith.constant 80 : i32
      %mul3A_334 = arith.muli %add3A_326, %mul3A_333 : i32
      %add3A_335 = arith.addi %add3A_224, %mul3A_334 : i32
      %dma_start3A_336 = arith.constant 0 : i32
      %dma_start3A_337 = tpu.memref_slice %arg4[%add3A_335, %dma_start3A_336] : memref<320000x128xf32, #tpu.memory_space<hbm>> -> memref<80x128xf32, #tpu.memory_space<hbm>>
      %dma_start3A_338 = arith.constant 0 : i32
      %dma_start3A_339 = tpu.memref_slice %arg4[%add3A_335, %dma_start3A_338] : memref<320000x128xf32, #tpu.memory_space<hbm>> -> memref<80x128xf32, #tpu.memory_space<hbm>>
      tpu.enqueue_dma source(%dma_start3A_339 : memref<80x128xf32, #tpu.memory_space<hbm>>) target(%arg12 : memref<80x128xf32, #tpu.memory_space<vmem>>) target_semaphore(%arg16 : memref<!tpu.dma_semaphore, #tpu.memory_space<semaphore_mem>>)
      %add3A_340 = arith.constant 1 : i32
      %add3A_341 = arith.addi %mul3A_284, %add3A_340 : i32
      %dma_wait3A_342 = arith.constant 0 : i32
      %dma_wait3A_343 = tpu.memref_slice %arg8[%add3A_341, %dma_wait3A_342] : memref<25x80xi32, #tpu.memory_space<vmem>> -> memref<1x80xi32, #tpu.memory_space<vmem>>
      %dma_wait3A_344 = tpu.memref_squeeze %dma_wait3A_343 : memref<1x80xi32, #tpu.memory_space<vmem>> -> memref<80xi32, #tpu.memory_space<vmem>>
      %dma_wait3A_345 = arith.constant 0 : i32
      %dma_wait3A_346 = arith.constant 0 : i32
      %dma_wait3A_347 = tpu.memref_slice %arg2[%dma_wait3A_345, %dma_wait3A_346] : memref<10000x128xf32, #tpu.memory_space<hbm>> -> memref<10000x128xf32, #tpu.memory_space<hbm>>
      tpu.wait_indirect_dma semaphore(%arg15 : memref<!tpu.dma_semaphore, #tpu.memory_space<semaphore_mem>>) src(%dma_wait3A_347 : memref<10000x128xf32, #tpu.memory_space<hbm>>) dst(%arg11 : memref<80x128xf32, #tpu.memory_space<vmem>>)
      %mul3A_348 = arith.constant 80 : i32
      %mul3A_349 = arith.muli %add3A_341, %mul3A_348 : i32
      %add3A_350 = arith.addi %add3A_224, %mul3A_349 : i32
      %dma_wait3A_351 = arith.constant 0 : i32
      %dma_wait3A_352 = tpu.memref_slice %arg4[%add3A_350, %dma_wait3A_351] : memref<320000x128xf32, #tpu.memory_space<hbm>> -> memref<80x128xf32, #tpu.memory_space<hbm>>
      %dma_wait3A_353 = arith.constant 0 : i32
      %dma_wait3A_354 = tpu.memref_slice %arg4[%add3A_350, %dma_wait3A_353] : memref<320000x128xf32, #tpu.memory_space<hbm>> -> memref<80x128xf32, #tpu.memory_space<hbm>>
      tpu.wait_dma2 semaphore(%arg17 : memref<!tpu.dma_semaphore, #tpu.memory_space<semaphore_mem>>) src(%dma_wait3A_354 : memref<80x128xf32, #tpu.memory_space<hbm>>) dst(%arg13 : memref<80x128xf32, #tpu.memory_space<vmem>>)
      %dma_start3A_355 = arith.constant 0 : i32
      %dma_start3A_356 = tpu.memref_slice %arg9[%add3A_341, %dma_start3A_355] : memref<25x80xi32, #tpu.memory_space<vmem>> -> memref<1x80xi32, #tpu.memory_space<vmem>>
      %dma_start3A_357 = tpu.memref_squeeze %dma_start3A_356 : memref<1x80xi32, #tpu.memory_space<vmem>> -> memref<80xi32, #tpu.memory_space<vmem>>
      %dma_start3A_358 = arith.constant 0 : i32
      %dma_start3A_359 = arith.constant 0 : i32
      %dma_start3A_360 = tpu.memref_slice %arg7[%dma_start3A_358, %dma_start3A_359] : memref<10240x128xf32, #tpu.memory_space<vmem_shared>> -> memref<10240x128xf32, #tpu.memory_space<vmem_shared>>
      tpu.enqueue_indirect_dma source(%arg13 : memref<80x128xf32, #tpu.memory_space<vmem>>) target(%dma_start3A_360 : memref<10240x128xf32, #tpu.memory_space<vmem_shared>>) offsets(%dma_start3A_357 : memref<80xi32, #tpu.memory_space<vmem>>) semaphore(%arg17 : memref<!tpu.dma_semaphore, #tpu.memory_space<semaphore_mem>>) {add = true}
      "tpu.region"() ({
        %run_scoped3A_367 = tpu.sem_alloc : memref<!tpu.dma_semaphore, #tpu.memory_space<semaphore_mem>>
        %dma_start3A_368 = arith.constant 0 : i32
        %dma_start3A_369 = tpu.memref_slice %arg9[%add3A_341, %dma_start3A_368] : memref<25x80xi32, #tpu.memory_space<vmem>> -> memref<1x80xi32, #tpu.memory_space<vmem>>
        %dma_start3A_370 = tpu.memref_squeeze %dma_start3A_369 : memref<1x80xi32, #tpu.memory_space<vmem>> -> memref<80xi32, #tpu.memory_space<vmem>>
        %dma_start3A_371 = arith.constant 0 : i32
        %dma_start3A_372 = arith.constant 0 : i32
        %dma_start3A_373 = tpu.memref_slice %arg7[%dma_start3A_371, %dma_start3A_372] : memref<10240x128xf32, #tpu.memory_space<vmem_shared>> -> memref<10240x128xf32, #tpu.memory_space<vmem_shared>>
        tpu.enqueue_indirect_dma source(%arg11 : memref<80x128xf32, #tpu.memory_space<vmem>>) target(%dma_start3A_373 : memref<10240x128xf32, #tpu.memory_space<vmem_shared>>) offsets(%dma_start3A_370 : memref<80xi32, #tpu.memory_space<vmem>>) semaphore(%run_scoped3A_367 : memref<!tpu.dma_semaphore, #tpu.memory_space<semaphore_mem>>) {add = true}
        %dma_wait3A_374 = arith.constant 0 : i32
        %dma_wait3A_375 = tpu.memref_slice %arg9[%add3A_341, %dma_wait3A_374] : memref<25x80xi32, #tpu.memory_space<vmem>> -> memref<1x80xi32, #tpu.memory_space<vmem>>
        %dma_wait3A_376 = tpu.memref_squeeze %dma_wait3A_375 : memref<1x80xi32, #tpu.memory_space<vmem>> -> memref<80xi32, #tpu.memory_space<vmem>>
        %dma_wait3A_377 = arith.constant 0 : i32
        %dma_wait3A_378 = arith.constant 0 : i32
        %dma_wait3A_379 = tpu.memref_slice %arg7[%dma_wait3A_377, %dma_wait3A_378] : memref<10240x128xf32, #tpu.memory_space<vmem_shared>> -> memref<10240x128xf32, #tpu.memory_space<vmem_shared>>
        tpu.wait_indirect_dma semaphore(%run_scoped3A_367 : memref<!tpu.dma_semaphore, #tpu.memory_space<semaphore_mem>>) src(%arg11 : memref<80x128xf32, #tpu.memory_space<vmem>>) dst(%dma_wait3A_379 : memref<10240x128xf32, #tpu.memory_space<vmem_shared>>)
        tpu.yield
      }) : () -> ()
      %dma_wait3A_361 = arith.constant 0 : i32
      %dma_wait3A_362 = tpu.memref_slice %arg9[%add3A_341, %dma_wait3A_361] : memref<25x80xi32, #tpu.memory_space<vmem>> -> memref<1x80xi32, #tpu.memory_space<vmem>>
      %dma_wait3A_363 = tpu.memref_squeeze %dma_wait3A_362 : memref<1x80xi32, #tpu.memory_space<vmem>> -> memref<80xi32, #tpu.memory_space<vmem>>
      %dma_wait3A_364 = arith.constant 0 : i32
      %dma_wait3A_365 = arith.constant 0 : i32
      %dma_wait3A_366 = tpu.memref_slice %arg7[%dma_wait3A_364, %dma_wait3A_365] : memref<10240x128xf32, #tpu.memory_space<vmem_shared>> -> memref<10240x128xf32, #tpu.memory_space<vmem_shared>>
      tpu.wait_indirect_dma semaphore(%arg17 : memref<!tpu.dma_semaphore, #tpu.memory_space<semaphore_mem>>) src(%arg13 : memref<80x128xf32, #tpu.memory_space<vmem>>) dst(%dma_wait3A_366 : memref<10240x128xf32, #tpu.memory_space<vmem_shared>>)
    }
    %scan3A_243 = arith.constant 12 : i32
    %dma_wait3A_244 = arith.constant 24 : i32
    %dma_wait3A_245 = arith.constant 0 : i32
    %dma_wait3A_246 = tpu.memref_slice %arg8[%dma_wait3A_244, %dma_wait3A_245] : memref<25x80xi32, #tpu.memory_space<vmem>> -> memref<1x80xi32, #tpu.memory_space<vmem>>
    %dma_wait3A_247 = tpu.memref_squeeze %dma_wait3A_246 : memref<1x80xi32, #tpu.memory_space<vmem>> -> memref<80xi32, #tpu.memory_space<vmem>>
    %dma_wait3A_248 = arith.constant 0 : i32
    %dma_wait3A_249 = arith.constant 0 : i32
    %dma_wait3A_250 = tpu.memref_slice %arg2[%dma_wait3A_248, %dma_wait3A_249] : memref<10000x128xf32, #tpu.memory_space<hbm>> -> memref<10000x128xf32, #tpu.memory_space<hbm>>
    tpu.wait_indirect_dma semaphore(%arg14 : memref<!tpu.dma_semaphore, #tpu.memory_space<semaphore_mem>>) src(%dma_wait3A_250 : memref<10000x128xf32, #tpu.memory_space<hbm>>) dst(%arg10 : memref<80x128xf32, #tpu.memory_space<vmem>>)
    %add3A_251 = arith.constant 1920 : i32
    %add3A_252 = arith.addi %add3A_224, %add3A_251 : i32
    %dma_wait3A_253 = arith.constant 0 : i32
    %dma_wait3A_254 = tpu.memref_slice %arg4[%add3A_252, %dma_wait3A_253] : memref<320000x128xf32, #tpu.memory_space<hbm>> -> memref<80x128xf32, #tpu.memory_space<hbm>>
    %dma_wait3A_255 = arith.constant 0 : i32
    %dma_wait3A_256 = tpu.memref_slice %arg4[%add3A_252, %dma_wait3A_255] : memref<320000x128xf32, #tpu.memory_space<hbm>> -> memref<80x128xf32, #tpu.memory_space<hbm>>
    tpu.wait_dma2 semaphore(%arg16 : memref<!tpu.dma_semaphore, #tpu.memory_space<semaphore_mem>>) src(%dma_wait3A_256 : memref<80x128xf32, #tpu.memory_space<hbm>>) dst(%arg12 : memref<80x128xf32, #tpu.memory_space<vmem>>)
    %dma_start3A_257 = arith.constant 24 : i32
    %dma_start3A_258 = arith.constant 0 : i32
    %dma_start3A_259 = tpu.memref_slice %arg9[%dma_start3A_257, %dma_start3A_258] : memref<25x80xi32, #tpu.memory_space<vmem>> -> memref<1x80xi32, #tpu.memory_space<vmem>>
    %dma_start3A_260 = tpu.memref_squeeze %dma_start3A_259 : memref<1x80xi32, #tpu.memory_space<vmem>> -> memref<80xi32, #tpu.memory_space<vmem>>
    %dma_start3A_261 = arith.constant 0 : i32
    %dma_start3A_262 = arith.constant 0 : i32
    %dma_start3A_263 = tpu.memref_slice %arg7[%dma_start3A_261, %dma_start3A_262] : memref<10240x128xf32, #tpu.memory_space<vmem_shared>> -> memref<10240x128xf32, #tpu.memory_space<vmem_shared>>
    tpu.enqueue_indirect_dma source(%arg12 : memref<80x128xf32, #tpu.memory_space<vmem>>) target(%dma_start3A_263 : memref<10240x128xf32, #tpu.memory_space<vmem_shared>>) offsets(%dma_start3A_260 : memref<80xi32, #tpu.memory_space<vmem>>) semaphore(%arg16 : memref<!tpu.dma_semaphore, #tpu.memory_space<semaphore_mem>>) {add = true}
    %run_scoped3A_264 = arith.constant 24 : i32
    "tpu.region"() ({
      %run_scoped3A_282 = tpu.sem_alloc : memref<!tpu.dma_semaphore, #tpu.memory_space<semaphore_mem>>
      %dma_start3A_283 = arith.constant 0 : i32
      %dma_start3A_284 = tpu.memref_slice %arg9[%run_scoped3A_264, %dma_start3A_283] : memref<25x80xi32, #tpu.memory_space<vmem>> -> memref<1x80xi32, #tpu.memory_space<vmem>>
      %dma_start3A_285 = tpu.memref_squeeze %dma_start3A_284 : memref<1x80xi32, #tpu.memory_space<vmem>> -> memref<80xi32, #tpu.memory_space<vmem>>
      %dma_start3A_286 = arith.constant 0 : i32
      %dma_start3A_287 = arith.constant 0 : i32
      %dma_start3A_288 = tpu.memref_slice %arg7[%dma_start3A_286, %dma_start3A_287] : memref<10240x128xf32, #tpu.memory_space<vmem_shared>> -> memref<10240x128xf32, #tpu.memory_space<vmem_shared>>
      tpu.enqueue_indirect_dma source(%arg10 : memref<80x128xf32, #tpu.memory_space<vmem>>) target(%dma_start3A_288 : memref<10240x128xf32, #tpu.memory_space<vmem_shared>>) offsets(%dma_start3A_285 : memref<80xi32, #tpu.memory_space<vmem>>) semaphore(%run_scoped3A_282 : memref<!tpu.dma_semaphore, #tpu.memory_space<semaphore_mem>>) {add = true}
      %dma_wait3A_289 = arith.constant 0 : i32
      %dma_wait3A_290 = tpu.memref_slice %arg9[%run_scoped3A_264, %dma_wait3A_289] : memref<25x80xi32, #tpu.memory_space<vmem>> -> memref<1x80xi32, #tpu.memory_space<vmem>>
      %dma_wait3A_291 = tpu.memref_squeeze %dma_wait3A_290 : memref<1x80xi32, #tpu.memory_space<vmem>> -> memref<80xi32, #tpu.memory_space<vmem>>
      %dma_wait3A_292 = arith.constant 0 : i32
      %dma_wait3A_293 = arith.constant 0 : i32
      %dma_wait3A_294 = tpu.memref_slice %arg7[%dma_wait3A_292, %dma_wait3A_293] : memref<10240x128xf32, #tpu.memory_space<vmem_shared>> -> memref<10240x128xf32, #tpu.memory_space<vmem_shared>>
      tpu.wait_indirect_dma semaphore(%run_scoped3A_282 : memref<!tpu.dma_semaphore, #tpu.memory_space<semaphore_mem>>) src(%arg10 : memref<80x128xf32, #tpu.memory_space<vmem>>) dst(%dma_wait3A_294 : memref<10240x128xf32, #tpu.memory_space<vmem_shared>>)
      tpu.yield
    }) : () -> ()
    %dma_wait3A_265 = arith.constant 24 : i32
    %dma_wait3A_266 = arith.constant 0 : i32
    %dma_wait3A_267 = tpu.memref_slice %arg9[%dma_wait3A_265, %dma_wait3A_266] : memref<25x80xi32, #tpu.memory_space<vmem>> -> memref<1x80xi32, #tpu.memory_space<vmem>>
    %dma_wait3A_268 = tpu.memref_squeeze %dma_wait3A_267 : memref<1x80xi32, #tpu.memory_space<vmem>> -> memref<80xi32, #tpu.memory_space<vmem>>
    %dma_wait3A_269 = arith.constant 0 : i32
    %dma_wait3A_270 = arith.constant 0 : i32
    %dma_wait3A_271 = tpu.memref_slice %arg7[%dma_wait3A_269, %dma_wait3A_270] : memref<10240x128xf32, #tpu.memory_space<vmem_shared>> -> memref<10240x128xf32, #tpu.memory_space<vmem_shared>>
    tpu.wait_indirect_dma semaphore(%arg16 : memref<!tpu.dma_semaphore, #tpu.memory_space<semaphore_mem>>) src(%arg12 : memref<80x128xf32, #tpu.memory_space<vmem>>) dst(%dma_wait3A_271 : memref<10240x128xf32, #tpu.memory_space<vmem_shared>>)
    %barrier3A_272 = arith.constant 0 : index
    tpu.barrier barrier_id(%barrier3A_272)
    %mul3A_273 = arith.constant 10240 : i32
    %mul3A_274 = arith.muli %arg0, %mul3A_273 : i32
    %add3A_275 = arith.addi %mul3A_274, %mul3A_4 : i32
    %scan3A_276 = arith.constant 0 : i32
    %scan3A_277 = arith.constant 0 : i32
    %scan3A_278 = arith.constant 8 : i32
    %scan3A_279 = arith.addi %scan3A_277, %scan3A_278 : i32
    %scan3A_280 = arith.constant 1 : i32
    scf.for %scan3A_282 = %scan3A_277 to %scan3A_279 step %scan3A_280  : i32 {
      %mul3A_283 = arith.constant 80 : i32
      %mul3A_284 = arith.muli %scan3A_282, %mul3A_283 : i32
      %add3A_285 = arith.addi %mul3A_4, %mul3A_284 : i32
      %mul3A_286 = arith.constant 80 : i32
      %mul3A_287 = arith.muli %scan3A_282, %mul3A_286 : i32
      %add3A_288 = arith.addi %add3A_275, %mul3A_287 : i32
      "tpu.region"() ({
        %run_scoped3A_289 = tpu.sem_alloc : memref<!tpu.dma_semaphore, #tpu.memory_space<semaphore_mem>>
        %dma_start3A_290 = arith.constant 0 : i32
        %dma_start3A_291 = tpu.memref_slice %arg7[%add3A_285, %dma_start3A_290] : memref<10240x128xf32, #tpu.memory_space<vmem_shared>> -> memref<80x128xf32, #tpu.memory_space<vmem_shared>>
        %dma_start3A_292 = arith.constant 0 : i32
        %dma_start3A_293 = tpu.memref_slice %arg7[%add3A_285, %dma_start3A_292] : memref<10240x128xf32, #tpu.memory_space<vmem_shared>> -> memref<80x128xf32, #tpu.memory_space<vmem_shared>>
        tpu.enqueue_dma source(%dma_start3A_293 : memref<80x128xf32, #tpu.memory_space<vmem_shared>>) target(%arg10 : memref<80x128xf32, #tpu.memory_space<vmem>>) target_semaphore(%run_scoped3A_289 : memref<!tpu.dma_semaphore, #tpu.memory_space<semaphore_mem>>)
        %dma_wait3A_294 = arith.constant 0 : i32
        %dma_wait3A_295 = tpu.memref_slice %arg7[%add3A_285, %dma_wait3A_294] : memref<10240x128xf32, #tpu.memory_space<vmem_shared>> -> memref<80x128xf32, #tpu.memory_space<vmem_shared>>
        %dma_wait3A_296 = arith.constant 0 : i32
        %dma_wait3A_297 = tpu.memref_slice %arg7[%add3A_285, %dma_wait3A_296] : memref<10240x128xf32, #tpu.memory_space<vmem_shared>> -> memref<80x128xf32, #tpu.memory_space<vmem_shared>>
        tpu.wait_dma2 semaphore(%run_scoped3A_289 : memref<!tpu.dma_semaphore, #tpu.memory_space<semaphore_mem>>) src(%dma_wait3A_297 : memref<80x128xf32, #tpu.memory_space<vmem_shared>>) dst(%arg10 : memref<80x128xf32, #tpu.memory_space<vmem>>)
        tpu.yield
      }) : () -> ()
      "tpu.region"() ({
        %run_scoped3A_289 = tpu.sem_alloc : memref<!tpu.dma_semaphore, #tpu.memory_space<semaphore_mem>>
        %dma_start3A_290 = arith.constant 0 : i32
        %dma_start3A_291 = tpu.memref_slice %arg6[%add3A_288, %dma_start3A_290] : memref<20480x128xf32, #tpu.memory_space<hbm>> -> memref<80x128xf32, #tpu.memory_space<hbm>>
        %dma_start3A_292 = arith.constant 0 : i32
        %dma_start3A_293 = tpu.memref_slice %arg6[%add3A_288, %dma_start3A_292] : memref<20480x128xf32, #tpu.memory_space<hbm>> -> memref<80x128xf32, #tpu.memory_space<hbm>>
        tpu.enqueue_dma source(%arg10 : memref<80x128xf32, #tpu.memory_space<vmem>>) target(%dma_start3A_293 : memref<80x128xf32, #tpu.memory_space<hbm>>) target_semaphore(%run_scoped3A_289 : memref<!tpu.dma_semaphore, #tpu.memory_space<semaphore_mem>>)
        %dma_wait3A_294 = arith.constant 0 : i32
        %dma_wait3A_295 = tpu.memref_slice %arg6[%add3A_288, %dma_wait3A_294] : memref<20480x128xf32, #tpu.memory_space<hbm>> -> memref<80x128xf32, #tpu.memory_space<hbm>>
        %dma_wait3A_296 = arith.constant 0 : i32
        %dma_wait3A_297 = tpu.memref_slice %arg6[%add3A_288, %dma_wait3A_296] : memref<20480x128xf32, #tpu.memory_space<hbm>> -> memref<80x128xf32, #tpu.memory_space<hbm>>
        tpu.wait_dma2 semaphore(%run_scoped3A_289 : memref<!tpu.dma_semaphore, #tpu.memory_space<semaphore_mem>>) src(%arg10 : memref<80x128xf32, #tpu.memory_space<vmem>>) dst(%dma_wait3A_297 : memref<80x128xf32, #tpu.memory_space<hbm>>)
        tpu.yield
      }) : () -> ()
    }
    %scan3A_281 = arith.constant 8 : i32
    return
  }
}

module attributes {stable_mosaic.version = 14 : i64} {
  func.func @_xw_body(%arg0: memref<10000x128xf32, #tpu.memory_space<vmem>>, %arg1: memref<128x128xf32, #tpu.memory_space<vmem>>, %arg2: memref<10000x128xf32, #tpu.memory_space<vmem>>) attributes {dimension_semantics = [], scalar_prefetch = 0 : i64, scratch_operands = 0 : i64, tpu.core_type = #tpu.core_type<tc>} {
    %get3A = arith.constant 0 : index
    %get3A_0 = arith.constant 0 : index
    %get3A_1 = vector.load %arg0[%get3A, %get3A_0] : memref<10000x128xf32, #tpu.memory_space<vmem>>, vector<10000x128xf32>
    %get3A_2 = arith.constant 0 : index
    %get3A_3 = arith.constant 0 : index
    %get3A_4 = vector.load %arg1[%get3A_2, %get3A_3] : memref<128x128xf32, #tpu.memory_space<vmem>>, vector<128x128xf32>
    %dot_general3A = arith.constant dense<0.000000e+00> : vector<10000x128xf32>
    %dot_general3A_5 = tpu.matmul %get3A_1, %get3A_4, %dot_general3A {dimension_numbers = #tpu.dot_dimension_numbers<[1], [1], [0], [0], [0, 0, 1, 0], [], []>, transpose_lhs_hint = false} : vector<10000x128xf32>, vector<128x128xf32>, vector<10000x128xf32> -> vector<10000x128xf32>
    %swap3A = arith.constant 0 : index
    %swap3A_6 = arith.constant 0 : index
    %swap3A_7 = vector.load %arg2[%swap3A, %swap3A_6] : memref<10000x128xf32, #tpu.memory_space<vmem>>, vector<10000x128xf32>
    tpu.vector_store %arg2[%swap3A, %swap3A_6], %dot_general3A_5 {strides = array<i32>} : memref<10000x128xf32, #tpu.memory_space<vmem>>, vector<10000x128xf32>,
    return
  }
}

module attributes {stable_mosaic.version = 14 : i64} {
  func.func @_emlp_body(%arg0: i32, %arg1: memref<2000x128xbf16, #tpu.memory_space<vmem>>, %arg2: memref<128x128xbf16, #tpu.memory_space<vmem>>, %arg3: memref<1x128xf32, #tpu.memory_space<vmem>>, %arg4: memref<128x128xbf16, #tpu.memory_space<vmem>>, %arg5: memref<1x128xf32, #tpu.memory_space<vmem>>, %arg6: memref<128x1024xbf16, #tpu.memory_space<vmem>>, %arg7: memref<1x1024xf32, #tpu.memory_space<vmem>>, %arg8: memref<16000x128xf32, #tpu.memory_space<vmem>>) attributes {dimension_semantics = [#tpu.dimension_semantics<arbitrary>], iteration_bounds = array<i64: 20>, scalar_prefetch = 0 : i64, scratch_operands = 0 : i64, tpu.core_type = #tpu.core_type<tc>, window_params = [{transform_indices = @transform_0, window_bounds = array<i64: 2000, 128>}, {pipeline_mode = #tpu.pipeline_mode<synchronous>, transform_indices = @transform_1, window_bounds = array<i64: 128, 128>}, {pipeline_mode = #tpu.pipeline_mode<synchronous>, transform_indices = @transform_2, window_bounds = array<i64: 1, 128>}, {pipeline_mode = #tpu.pipeline_mode<synchronous>, transform_indices = @transform_3, window_bounds = array<i64: 128, 128>}, {pipeline_mode = #tpu.pipeline_mode<synchronous>, transform_indices = @transform_4, window_bounds = array<i64: 1, 128>}, {pipeline_mode = #tpu.pipeline_mode<synchronous>, transform_indices = @transform_5, window_bounds = array<i64: 128, 1024>}, {pipeline_mode = #tpu.pipeline_mode<synchronous>, transform_indices = @transform_6, window_bounds = array<i64: 1, 1024>}, {transform_indices = @transform_7, window_bounds = array<i64: 16000, 128>}]} {
    %get3A = arith.constant 0 : index
    %get3A_0 = arith.constant 0 : index
    %get3A_1 = vector.load %arg1[%get3A, %get3A_0] : memref<2000x128xbf16, #tpu.memory_space<vmem>>, vector<2000x128xbf16>
    %get3A_2 = arith.constant 0 : index
    %get3A_3 = arith.constant 0 : index
    %get3A_4 = vector.load %arg2[%get3A_2, %get3A_3] : memref<128x128xbf16, #tpu.memory_space<vmem>>, vector<128x128xbf16>
    %dot_general3A = arith.constant dense<0.000000e+00> : vector<2000x128xf32>
    %dot_general3A_5 = tpu.matmul %get3A_1, %get3A_4, %dot_general3A {dimension_numbers = #tpu.dot_dimension_numbers<[1], [0], [0], [1], [0, 0, 1, 1], [], []>, transpose_lhs_hint = false} : vector<2000x128xbf16>, vector<128x128xbf16>, vector<2000x128xf32> -> vector<2000x128xf32>
    %get3A_6 = arith.constant 0 : index
    %get3A_7 = arith.constant 0 : index
    %get3A_8 = vector.load %arg3[%get3A_6, %get3A_7] : memref<1x128xf32, #tpu.memory_space<vmem>>, vector<1x128xf32>
    %add3A = vector.broadcast %get3A_8 : vector<1x128xf32> to vector<2000x128xf32>
    %add3A_9 = arith.addf %dot_general3A_5, %add3A : vector<2000x128xf32>
    %mul3A = arith.constant 5.000000e-01 : f32
    %mul3A_10 = vector.broadcast %mul3A : f32 to vector<2000x128xf32>
    %mul3A_11 = arith.mulf %mul3A_10, %add3A_9 : vector<2000x128xf32>
    %mul3A_12 = arith.constant 0.707106769 : f32
    %mul3A_13 = vector.broadcast %mul3A_12 : f32 to vector<2000x128xf32>
    %mul3A_14 = arith.mulf %add3A_9, %mul3A_13 : vector<2000x128xf32>
    %erf3A = math.erf %mul3A_14 : vector<2000x128xf32>
    %add3A_15 = arith.constant 1.000000e+00 : f32
    %add3A_16 = vector.broadcast %add3A_15 : f32 to vector<2000x128xf32>
    %add3A_17 = arith.addf %add3A_16, %erf3A : vector<2000x128xf32>
    %mul3A_18 = arith.mulf %mul3A_11, %add3A_17 : vector<2000x128xf32>
    %convert_element_type3A = arith.truncf %mul3A_18 : vector<2000x128xf32> to vector<2000x128xbf16>
    %get3A_19 = arith.constant 0 : index
    %get3A_20 = arith.constant 0 : index
    %get3A_21 = vector.load %arg4[%get3A_19, %get3A_20] : memref<128x128xbf16, #tpu.memory_space<vmem>>, vector<128x128xbf16>
    %dot_general3A_22 = arith.constant dense<0.000000e+00> : vector<2000x128xf32>
    %dot_general3A_23 = tpu.matmul %convert_element_type3A, %get3A_21, %dot_general3A_22 {dimension_numbers = #tpu.dot_dimension_numbers<[1], [0], [0], [1], [0, 0, 1, 1], [], []>, transpose_lhs_hint = false} : vector<2000x128xbf16>, vector<128x128xbf16>, vector<2000x128xf32> -> vector<2000x128xf32>
    %get3A_24 = arith.constant 0 : index
    %get3A_25 = arith.constant 0 : index
    %get3A_26 = vector.load %arg5[%get3A_24, %get3A_25] : memref<1x128xf32, #tpu.memory_space<vmem>>, vector<1x128xf32>
    %add3A_27 = vector.broadcast %get3A_26 : vector<1x128xf32> to vector<2000x128xf32>
    %add3A_28 = arith.addf %dot_general3A_23, %add3A_27 : vector<2000x128xf32>
    %convert_element_type3A_29 = arith.truncf %add3A_28 : vector<2000x128xf32> to vector<2000x128xbf16>
    %get3A_30 = arith.constant 0 : index
    %get3A_31 = arith.constant 0 : index
    %get3A_32 = vector.load %arg6[%get3A_30, %get3A_31] : memref<128x1024xbf16, #tpu.memory_space<vmem>>, vector<128x1024xbf16>
    %dot_general3A_33 = arith.constant dense<0.000000e+00> : vector<2000x1024xf32>
    %dot_general3A_34 = tpu.matmul %convert_element_type3A_29, %get3A_32, %dot_general3A_33 {dimension_numbers = #tpu.dot_dimension_numbers<[1], [0], [0], [1], [0, 0, 1, 1], [], []>, transpose_lhs_hint = false} : vector<2000x128xbf16>, vector<128x1024xbf16>, vector<2000x1024xf32> -> vector<2000x1024xf32>
    %get3A_35 = arith.constant 0 : index
    %get3A_36 = arith.constant 0 : index
    %get3A_37 = vector.load %arg7[%get3A_35, %get3A_36] : memref<1x1024xf32, #tpu.memory_space<vmem>>, vector<1x1024xf32>
    %add3A_38 = vector.broadcast %get3A_37 : vector<1x1024xf32> to vector<2000x1024xf32>
    %add3A_39 = arith.addf %dot_general3A_34, %add3A_38 : vector<2000x1024xf32>
    %reshape3A = vector.shape_cast %add3A_39 : vector<2000x1024xf32> to vector<16000x128xf32>
    %swap3A = arith.constant 0 : index
    %swap3A_40 = arith.constant 0 : index
    %swap3A_41 = vector.load %arg8[%swap3A, %swap3A_40] : memref<16000x128xf32, #tpu.memory_space<vmem>>, vector<16000x128xf32>
    tpu.vector_store %arg8[%swap3A, %swap3A_40], %reshape3A {strides = array<i32>} : memref<16000x128xf32, #tpu.memory_space<vmem>>, vector<16000x128xf32>,
    return
  }
  func.func @transform_0(%arg0: i32) -> (i32, i32) {
    %c0_i32 = arith.constant 0 : i32
    %c0_i32_0 = arith.constant 0 : i32
    return %arg0, %c0_i32 : i32, i32
  }
  func.func @transform_1(%arg0: i32) -> (i32, i32) {
    %c0_i32 = arith.constant 0 : i32
    %c0_i32_0 = arith.constant 0 : i32
    %c0_i32_1 = arith.constant 0 : i32
    return %c0_i32, %c0_i32_0 : i32, i32
  }
  func.func @transform_2(%arg0: i32) -> (i32, i32) {
    %c0_i32 = arith.constant 0 : i32
    %c0_i32_0 = arith.constant 0 : i32
    %c0_i32_1 = arith.constant 0 : i32
    return %c0_i32, %c0_i32_0 : i32, i32
  }
  func.func @transform_3(%arg0: i32) -> (i32, i32) {
    %c0_i32 = arith.constant 0 : i32
    %c0_i32_0 = arith.constant 0 : i32
    %c0_i32_1 = arith.constant 0 : i32
    return %c0_i32, %c0_i32_0 : i32, i32
  }
  func.func @transform_4(%arg0: i32) -> (i32, i32) {
    %c0_i32 = arith.constant 0 : i32
    %c0_i32_0 = arith.constant 0 : i32
    %c0_i32_1 = arith.constant 0 : i32
    return %c0_i32, %c0_i32_0 : i32, i32
  }
  func.func @transform_5(%arg0: i32) -> (i32, i32) {
    %c0_i32 = arith.constant 0 : i32
    %c0_i32_0 = arith.constant 0 : i32
    %c0_i32_1 = arith.constant 0 : i32
    return %c0_i32, %c0_i32_0 : i32, i32
  }
  func.func @transform_6(%arg0: i32) -> (i32, i32) {
    %c0_i32 = arith.constant 0 : i32
    %c0_i32_0 = arith.constant 0 : i32
    %c0_i32_1 = arith.constant 0 : i32
    return %c0_i32, %c0_i32_0 : i32, i32
  }
  func.func @transform_7(%arg0: i32) -> (i32, i32) {
    %c0_i32 = arith.constant 0 : i32
    %c0_i32_0 = arith.constant 0 : i32
    return %arg0, %c0_i32 : i32, i32
  }
}

module attributes {stable_mosaic.version = 14 : i64} {
  func.func @_tail_body(%arg0: memref<10000x128xf32, #tpu.memory_space<vmem>>, %arg1: memref<20480x128xf32, #tpu.memory_space<vmem>>, %arg2: memref<144x128xf32, #tpu.memory_space<vmem>>, %arg3: memref<1x1xf32, #tpu.memory_space<vmem>>, %arg4: memref<128x144xf32, #tpu.memory_space<vmem>>, %arg5: memref<1x128xf32, #tpu.memory_space<vmem>>, %arg6: memref<1x128xf32, #tpu.memory_space<vmem>>, %arg7: memref<1x128xf32, #tpu.memory_space<vmem>>, %arg8: memref<128x128xf32, #tpu.memory_space<vmem>>, %arg9: memref<1x128xf32, #tpu.memory_space<vmem>>, %arg10: memref<10000x128xf32, #tpu.memory_space<vmem>>) attributes {dimension_semantics = [], scalar_prefetch = 0 : i64, scratch_operands = 0 : i64, tpu.core_type = #tpu.core_type<tc>} {
    %get3A = arith.constant 0 : index
    %get3A_0 = arith.constant 0 : index
    %get3A_1 = vector.load %arg0[%get3A, %get3A_0] : memref<10000x128xf32, #tpu.memory_space<vmem>>, vector<10000x128xf32>
    %get3A_2 = arith.constant 0 : index
    %get3A_3 = arith.constant 0 : index
    %get3A_4 = vector.load %arg1[%get3A_2, %get3A_3] : memref<20480x128xf32, #tpu.memory_space<vmem>>, vector<10000x128xf32>
    %get3A_5 = arith.constant 10240 : index
    %get3A_6 = arith.constant 0 : index
    %get3A_7 = vector.load %arg1[%get3A_5, %get3A_6] : memref<20480x128xf32, #tpu.memory_space<vmem>>, vector<10000x128xf32>
    %add3A = arith.addf %get3A_4, %get3A_7 : vector<10000x128xf32>
    %get3A_8 = arith.constant 0 : index
    %get3A_9 = arith.constant 0 : index
    %get3A_10 = vector.load %arg4[%get3A_8, %get3A_9] : memref<128x144xf32, #tpu.memory_space<vmem>>, vector<128x144xf32>
    %get3A_11 = arith.constant 0 : index
    %get3A_12 = arith.constant 0 : index
    %get3A_13 = vector.load %arg2[%get3A_11, %get3A_12] : memref<144x128xf32, #tpu.memory_space<vmem>>, vector<144x128xf32>
    %dot_general3A = arith.constant dense<0.000000e+00> : vector<128x128xf32>
    %dot_general3A_14 = tpu.matmul %get3A_10, %get3A_13, %dot_general3A {dimension_numbers = #tpu.dot_dimension_numbers<[1], [0], [0], [1], [0, 0, 1, 1], [], []>, transpose_lhs_hint = false} : vector<128x144xf32>, vector<144x128xf32>, vector<128x128xf32> -> vector<128x128xf32>
    %get3A_15 = arith.constant 0 : index
    %get3A_16 = arith.constant 0 : index
    %get3A_17 = vector.load %arg3[%get3A_15, %get3A_16] : memref<1x1xf32, #tpu.memory_space<vmem>>, vector<1x1xf32>
    %get3A_18 = vector.extract %get3A_17[0, 0] : f32 from vector<1x1xf32>
    %add3A_19 = arith.constant 1.000000e+00 : f32
    %add3A_20 = arith.addf %add3A_19, %get3A_18 : f32
    %dot_general3A_21 = arith.constant dense<0.000000e+00> : vector<10000x128xf32>
    %dot_general3A_22 = tpu.matmul %get3A_1, %dot_general3A_14, %dot_general3A_21 {dimension_numbers = #tpu.dot_dimension_numbers<[1], [1], [0], [0], [0, 0, 1, 0], [], []>, transpose_lhs_hint = false} : vector<10000x128xf32>, vector<128x128xf32>, vector<10000x128xf32> -> vector<10000x128xf32>
    %mul3A = vector.broadcast %add3A_20 : f32 to vector<10000x128xf32>
    %mul3A_23 = arith.mulf %mul3A, %dot_general3A_22 : vector<10000x128xf32>
    %add3A_24 = arith.addf %mul3A_23, %add3A : vector<10000x128xf32>
    %get3A_25 = arith.constant 0 : index
    %get3A_26 = arith.constant 0 : index
    %get3A_27 = vector.load %arg5[%get3A_25, %get3A_26] : memref<1x128xf32, #tpu.memory_space<vmem>>, vector<1x128xf32>
    %add3A_28 = vector.broadcast %get3A_27 : vector<1x128xf32> to vector<10000x128xf32>
    %add3A_29 = arith.addf %add3A_24, %add3A_28 : vector<10000x128xf32>
    %reduce_sum3A = arith.constant dense<0.000000e+00> : vector<128xf32>
    %reduce_sum3A_30 = vector.multi_reduction <add>, %add3A_29, %reduce_sum3A [0] : vector<10000x128xf32> to vector<128xf32>
    %broadcast_in_dim3A = vector.shape_cast %reduce_sum3A_30 : vector<128xf32> to vector<1x128xf32>
    %div3A = arith.constant 1.000000e+04 : f32
    %div3A_31 = vector.broadcast %div3A : f32 to vector<1x128xf32>
    %div3A_32 = arith.divf %broadcast_in_dim3A, %div3A_31 : vector<1x128xf32>
    %sub3A = vector.broadcast %div3A_32 : vector<1x128xf32> to vector<10000x128xf32>
    %sub3A_33 = arith.subf %add3A_29, %sub3A : vector<10000x128xf32>
    %integer_pow3A = arith.mulf %sub3A_33, %sub3A_33 : vector<10000x128xf32>
    %reduce_sum3A_34 = arith.constant dense<0.000000e+00> : vector<128xf32>
    %reduce_sum3A_35 = vector.multi_reduction <add>, %integer_pow3A, %reduce_sum3A_34 [0] : vector<10000x128xf32> to vector<128xf32>
    %broadcast_in_dim3A_36 = vector.shape_cast %reduce_sum3A_35 : vector<128xf32> to vector<1x128xf32>
    %div3A_37 = arith.constant 1.000000e+04 : f32
    %div3A_38 = vector.broadcast %div3A_37 : f32 to vector<1x128xf32>
    %div3A_39 = arith.divf %broadcast_in_dim3A_36, %div3A_38 : vector<1x128xf32>
    %sub3A_40 = vector.broadcast %div3A_32 : vector<1x128xf32> to vector<10000x128xf32>
    %sub3A_41 = arith.subf %add3A_29, %sub3A_40 : vector<10000x128xf32>
    %add3A_42 = arith.constant 9.99999974E-6 : f32
    %add3A_43 = vector.broadcast %add3A_42 : f32 to vector<1x128xf32>
    %add3A_44 = arith.addf %div3A_39, %add3A_43 : vector<1x128xf32>
    %sqrt3A = math.sqrt %add3A_44 : vector<1x128xf32>
    %div3A_45 = vector.broadcast %sqrt3A : vector<1x128xf32> to vector<10000x128xf32>
    %div3A_46 = arith.divf %sub3A_41, %div3A_45 : vector<10000x128xf32>
    %get3A_47 = arith.constant 0 : index
    %get3A_48 = arith.constant 0 : index
    %get3A_49 = vector.load %arg6[%get3A_47, %get3A_48] : memref<1x128xf32, #tpu.memory_space<vmem>>, vector<1x128xf32>
    %mul3A_50 = vector.broadcast %get3A_49 : vector<1x128xf32> to vector<10000x128xf32>
    %mul3A_51 = arith.mulf %div3A_46, %mul3A_50 : vector<10000x128xf32>
    %get3A_52 = arith.constant 0 : index
    %get3A_53 = arith.constant 0 : index
    %get3A_54 = vector.load %arg7[%get3A_52, %get3A_53] : memref<1x128xf32, #tpu.memory_space<vmem>>, vector<1x128xf32>
    %add3A_55 = vector.broadcast %get3A_54 : vector<1x128xf32> to vector<10000x128xf32>
    %add3A_56 = arith.addf %mul3A_51, %add3A_55 : vector<10000x128xf32>
    %mul3A_57 = arith.constant 5.000000e-01 : f32
    %mul3A_58 = vector.broadcast %mul3A_57 : f32 to vector<10000x128xf32>
    %mul3A_59 = arith.mulf %mul3A_58, %add3A_56 : vector<10000x128xf32>
    %mul3A_60 = arith.constant 0.707106769 : f32
    %mul3A_61 = vector.broadcast %mul3A_60 : f32 to vector<10000x128xf32>
    %mul3A_62 = arith.mulf %add3A_56, %mul3A_61 : vector<10000x128xf32>
    %erf3A = math.erf %mul3A_62 : vector<10000x128xf32>
    %add3A_63 = arith.constant 1.000000e+00 : f32
    %add3A_64 = vector.broadcast %add3A_63 : f32 to vector<10000x128xf32>
    %add3A_65 = arith.addf %add3A_64, %erf3A : vector<10000x128xf32>
    %mul3A_66 = arith.mulf %mul3A_59, %add3A_65 : vector<10000x128xf32>
    %get3A_67 = arith.constant 0 : index
    %get3A_68 = arith.constant 0 : index
    %get3A_69 = vector.load %arg8[%get3A_67, %get3A_68] : memref<128x128xf32, #tpu.memory_space<vmem>>, vector<128x128xf32>
    %dot_general3A_70 = arith.constant dense<0.000000e+00> : vector<10000x128xf32>
    %dot_general3A_71 = tpu.matmul %mul3A_66, %get3A_69, %dot_general3A_70 {dimension_numbers = #tpu.dot_dimension_numbers<[1], [1], [0], [0], [0, 0, 1, 0], [], []>, transpose_lhs_hint = false} : vector<10000x128xf32>, vector<128x128xf32>, vector<10000x128xf32> -> vector<10000x128xf32>
    %get3A_72 = arith.constant 0 : index
    %get3A_73 = arith.constant 0 : index
    %get3A_74 = vector.load %arg9[%get3A_72, %get3A_73] : memref<1x128xf32, #tpu.memory_space<vmem>>, vector<1x128xf32>
    %add3A_75 = vector.broadcast %get3A_74 : vector<1x128xf32> to vector<10000x128xf32>
    %add3A_76 = arith.addf %dot_general3A_71, %add3A_75 : vector<10000x128xf32>
    %swap3A = arith.constant 0 : index
    %swap3A_77 = arith.constant 0 : index
    %swap3A_78 = vector.load %arg10[%swap3A, %swap3A_77] : memref<10000x128xf32, #tpu.memory_space<vmem>>, vector<10000x128xf32>
    tpu.vector_store %arg10[%swap3A, %swap3A_77], %add3A_76 {strides = array<i32>} : memref<10000x128xf32, #tpu.memory_space<vmem>>, vector<10000x128xf32>,
    return
  }
}

</mosaic_0001>

<sc_bundles>
// kernel: kernel.6.cloned.1.call-start
scs
__scs_entry_jumppad:
0x0: {  	(pc) =	sbr.rel $0x88, $3  }
0x1: {  	(tag) =	ssettag $0x0;
	lr =	simm.s32 $0x1  }
0x2: {  	[smem:$0x3F92] =	sst lr;
	_ =	strace $0xD0000000  }
0x3: {  	_ = 	snop  }
0x4: {  	_ = 	snop  }
0x5: {  	_ = 	snop  }
0x6: {  	_ = 	snop  }
0x7: {  	_ = 	snop  }
__scs_overlays_trampoline_lowered:
0x8: {  	[smem:$0x3FA1] =	sst s0  }
0x9: {  	[smem:$0x3FA2] =	sst s1  }
0xa: {  	[smem:$0x3FA3] =	sst s2  }
0xb: {  	[smem:$0x3FA4] =	sst s3  }
0xc: {  	[smem:$0x3FA5] =	sst s4  }
0xd: {  	[smem:$0x3FA6] =	sst s5  }
0xe: {  	[smem:$0x3FA7] =	sst s6  }
0xf: {  	[smem:$0x3FA8] =	sst s7  }
0x10: {  	[smem:$0x3FA9] =	sst s8  }
0x11: {  	[smem:$0x3FAA] =	sst s9;
	s0 =	simm.s32 @!p0 $0x0  }
0x12: {  	s1 =	sld [smem:$0x3F90];
	s0 =	simm.s32 @p0 $0x1  }
0x13: {  	[smem:$0x3FAB] =	sst s0;
	s0 =	simm.s32 @!p1 $0x0  }
0x14: {  	s2 =	sld [smem:$0x3F8F];
	s0 =	simm.s32 @p1 $0x1  }
0x15: {  	[smem:$0x3FAC] =	sst s0;
	s0 =	simm.s32 @!p2 $0x0  }
0x16: {  	s3 =	sld [smem:$0x3FDB];
	s0 =	simm.s32 @p2 $0x1  }
0x17: {  	s4 =	simm.s32 $0x1BF5;
	[smem:$0x3FAE] =	sst s0  }
0x18: {  	s0 =	sld [smem:$0x3F91];
	_ =	swait.ge [sflag:s4], $0x0  }
0x19: {  	s7 =	sld [smem:$0x3F92]  }
0x1a: {  	s8 =	sadd.s32 $0xFFFFE003, lr  }
0x1b: {  	s9 =	sadd.s32 $0xFFFFFEF7, lr;
	s5 =	simm.s32 $0xFFFFFFFF;
	p2 =	slt.u32 s8, $0xFFFFF086  }
0x1c: {  	p1 =	slt.u32 s9, $0xF7A;
	s5 =	simm.s32 @!p2 $0x0  }
0x1d: {  	s5 =	simm.s32 @p1 $0x1;
	p0 =	seq.s32 s7, s2  }
0x1e: {  	s7 =	smul.u32 @!p0 $0xF7A, s2;
	p2 =	seq.s32 @!p0 s5, $0x0  }
0x1f: {  	s9 =	smul.u32 $0xF7A, s1;
	s8 =	simm.s32 @!p0 $0x1BF5;
	p2 =	por !p2, p0  }
0x20: {  	[sflag:s8] =	ssyncset.s32 @!p0 $0xFFFFF086;
	s6 =	sadd.s32 @!p0 s3, s7;
	s7 =	simm.s32 @!p0 $0x108  }
0x21: {  	s3 =	sadd.s32 s3, s9;
	s6 =	sadd.s32 @!p0 $0x88, s6;
	s7 =	simm.s32 @p2 $0x1082  }
0x22: {  	[simem:s7], [sflag:s8] =	dma.local @!p0 [hbm:s6], $0xF7A  }
0x23: {  	s9 =	sor.u32 $0xD0000000, s2;
	s6 =	simm.s32 $0x108;
	_ =	swait.ge @!p0 [sflag:s8], $0x0  }
0x24: {  	s3 =	sadd.s32 $0x88, s3;
	s6 =	simm.s32 @!p1 $0x1082;
	[sflag:s4] =	ssyncset.s32 $0xFFFFF086  }
0x25: {  	[simem:s6], [sflag:s4] =	dma.local [hbm:s3], $0xF7A  }
0x26: {  	[smem:$0x3F92] =	sst s1;
	(tag) =	ssettag s2;
	_ =	strace s9  }
0x27: {  	s1 =	sld [smem:$0x3FA2]  }
0x28: {  	s2 =	sld [smem:$0x3FA3]  }
0x29: {  	s4 =	sld [smem:$0x3FA5]  }
0x2a: {  	p0 =	seq.s32 s5, $0x0;
	s5 =	sld [smem:$0x3FA6]  }
0x2b: {  	s6 =	sld [smem:$0x3FA7]  }
0x2c: {  	s7 =	sld [smem:$0x3FA8]  }
0x2d: {  	s3 =	simm.s32 $0x108;
	s8 =	sld [smem:$0x3FA9]  }
0x2e: {  	s3 =	simm.s32 @!p0 $0x1082;
	s9 =	sld [smem:$0x3FAA]  }
0x2f: {  	lr =	sadd.s32 s0, s3;
	s0 =	sld [smem:$0x3FA1]  }
0x30: {  	s3 =	sld [smem:$0x3FA4]  }
0x31: {  	[smem:$0x3FAD] =	sst s10  }
0x32: {  	s10 =	sld [smem:$0x3FAB];
	_ =	sdelay $0x3  }
0x33: {  	p0 =	seq.s32 s10, $0x1;
	s10 =	sld [smem:$0x3FAD];
	_ =	sdelay $0x3  }
0x34: {  	[smem:$0x3FAD] =	sst s10  }
0x35: {  	s10 =	sld [smem:$0x3FAC];
	_ =	sdelay $0x3  }
0x36: {  	p1 =	seq.s32 s10, $0x1;
	s10 =	sld [smem:$0x3FAD];
	_ =	sdelay $0x3  }
0x37: {  	[smem:$0x3FAD] =	sst s10  }
0x38: {  	s10 =	sld [smem:$0x3FAE]  }
0x39: {  	_ = 	snop;
	(pc) =	sbr.ind lr, $3  }
0x3a: {  	_ = 	snop  }
0x3b: {  	_ = 	snop  }
0x3c: {  	p2 =	seq.s32 s10, $0x1;
	s10 =	sld [smem:$0x3FAD]  }
0x3d: {  	_ =	shalt  }
0x3e: {  	_ =	shalt  }
0x3f: {  	_ =	shalt  }
0x40: {  	_ =	shalt  }
0x41: {  	_ =	shalt  }
0x42: {  	_ =	shalt  }
0x43: {  	_ =	shalt  }
0x44: {  	_ =	shalt  }
0x45: {  	_ =	shalt  }
0x46: {  	_ =	shalt  }
0x47: {  	_ =	shalt  }
0x48: {  	_ =	shalt  }
0x49: {  	_ =	shalt  }
0x4a: {  	_ =	shalt  }
0x4b: {  	_ =	shalt  }
0x4c: {  	_ =	shalt  }
0x4d: {  	_ =	shalt  }
0x4e: {  	_ =	shalt  }
0x4f: {  	_ =	shalt  }
0x50: {  	_ =	shalt  }
0x51: {  	_ =	shalt  }
0x52: {  	_ =	shalt  }
0x53: {  	_ =	shalt  }
0x54: {  	_ =	shalt  }
0x55: {  	_ =	shalt  }
0x56: {  	_ =	shalt  }
0x57: {  	_ =	shalt  }
0x58: {  	_ =	shalt  }
0x59: {  	_ =	shalt  }
0x5a: {  	_ =	shalt  }
0x5b: {  	_ =	shalt  }
0x5c: {  	_ =	shalt  }
0x5d: {  	_ =	shalt  }
0x5e: {  	_ =	shalt  }
0x5f: {  	_ =	shalt  }
0x60: {  	_ =	shalt  }
0x61: {  	_ =	shalt  }
0x62: {  	_ =	shalt  }
0x63: {  	_ =	shalt  }
0x64: {  	_ =	shalt  }
0x65: {  	_ =	shalt  }
0x66: {  	_ =	shalt  }
0x67: {  	_ =	shalt  }
0x68: {  	_ =	shalt  }
0x69: {  	_ =	shalt  }
0x6a: {  	_ =	shalt  }
0x6b: {  	_ =	shalt  }
0x6c: {  	_ =	shalt  }
0x6d: {  	_ =	shalt  }
0x6e: {  	_ =	shalt  }
0x6f: {  	_ =	shalt  }
0x70: {  	_ =	shalt  }
0x71: {  	_ =	shalt  }
0x72: {  	_ =	shalt  }
0x73: {  	_ =	shalt  }
0x74: {  	_ =	shalt  }
0x75: {  	_ =	shalt  }
0x76: {  	_ =	shalt  }
0x77: {  	_ =	shalt  }
0x78: {  	_ =	shalt  }
0x79: {  	_ =	shalt  }
0x7a: {  	_ =	shalt  }
0x7b: {  	_ =	shalt  }
0x7c: {  	_ =	shalt  }
0x7d: {  	_ =	shalt  }
0x7e: {  	_ =	shalt  }
0x7f: {  	_ =	shalt  }
0x80: {  	_ =	shalt  }
0x81: {  	_ =	shalt  }
0x82: {  	_ =	shalt  }
0x83: {  	_ =	shalt  }
0x84: {  	_ =	shalt  }
0x85: {  	_ =	shalt  }
0x86: {  	_ =	shalt  }
0x87: {  	_ =	shalt  }
.Lfunc_end0:
.L_simem_size_0:
called_computation_lowered:
.L_overlay_start_0:
0x88: {  	s2 =	sld [smem:$0x3FD9]  }
0x89: {  	s3 =	sld [smem:$0x3FFE];
	_ =	sdelay $0x1  }
0x8a: {  	s1 =	srdreg.scid  }
0x8b: {  	s0 =	sand.u32 $0x1, s1  }
0x8c: {  	s17 =	sshll.u32 s0, $0xA;
	s2 =	sadd.s32 s3, s2  }
0x8d: {  	s2 =	sadd.s32 s2, s17  }
0x8e: {  	[smem:$0x3FB9] =	sst s2  }
0x8f: {  	_ = 	snop  }
0x90: {  	s2 =	sld [smem:$0x3FD0];
	(tm) =	ssettm $0x1  }
0x91: {  	s18 =	sld [smem:$0x3FFB];
	_ =	sdelay $0x3  }
0x92: {  	_ =	strace s18  }
0x93: {  	s3 =	sld [smem:$0x3FFC];
	_ =	sdelay $0x3  }
0x94: {  	_ =	strace s3  }
0x95: {  	s3 =	sld [smem:$0x3FFD];
	_ =	sdelay $0x3  }
0x96: {  	_ =	strace s3  }
0x97: {  	_ =	strace $0x8FFFFFFF  }
0x98: {  	s19 =	sld [smem:$0x3FDB];
	_ =	sdelay $0x1  }
0x99: {  	s4 =	simm.s32 $_scs_section_size  }
0x9a: {  	s5 =	simm.s32 $_size__tile_overlayer_lowered;
	s6 =	simm.s32 $_tile_overlayer_lowered  }
0x9b: {  	s22 =	simm.s32 $0x1BFF;
	s21 =	sshll.u32 s6, $0x1;
	s3 =	sadd.s32 s4, s19  }
0x9c: {  	s7 =	simm.s32 $0x0;
	s20 =	sshll.u32 s5, $0x1;
	s5 =	sadd.s32 s21, s3  }
0x9d: {  	[timem:s7], [sflag:s22] =	dma.local [hbm:s5], s20  }
0x9e: {  	_ =	swait.ge [sflag:s22], s20  }
0x9f: {  	s4 =	ssub.s32 $0x0, s20;
	[sflag:s22] =	ssyncset.done $0x0  }
0xa0: {  	[sflag:s22] =	ssyncadd.s32 s4;
	_ =	sdelay $0x1  }
0xa1: {  	s23 =	simm.s32 $0x1B8B  }
0xa2: {  	_ =	swait.ge [sflag:s23], $0x1  }
0xa3: {  	[sflag:s23] =	ssyncset.done $0x0  }
0xa4: {  	s25 =	simm.s32 $0x1B8E;
	s24 =	sld [smem:$0x3FFE];
	[sflag:s23] =	ssyncadd.s32 $0xFFFFFFFF  }
0xa5: {  	s26 =	simm.s32 $execute0_lowered;
	[smem:$0x3FD2] =	sst s25  }
0xa6: {  	s5 =	sshll.u32 s26, $0x1;
	_ =	strace $0x80000046;
	[dreg:$0x1] =	wrdreg $0xFFFFFFFF  }
0xa7: {  	s28 =	simm.s32 $_size_execute0_lowered;
	s3 =	sadd.s32 s3, s5;
	[dreg:$0x0] =	wrdreg $0x0  }
0xa8: {  	s5 =	sshll.u32 s28, $0x1;
	[dreg:$0x2] =	wrdreg s3  }
0xa9: {  	[dreg:$0x3] =	wrdreg s5  }
0xaa: {  	[dreg:$0x4] =	wrdreg $0xC0  }
0xab: {  	_ =	task [dreg:s7], $0x5FFFF  }
0xac: {  	[dreg:$0x1] =	wrdreg $0xFFFFFFFF  }
0xad: {  	[dreg:$0x0] =	wrdreg $0x60  }
0xae: {  	[dreg:$0x2] =	wrdreg s2  }
0xaf: {  	[dreg:$0x3] =	wrdreg s24  }
0xb0: {  	[dreg:$0x4] =	wrdreg $0x0  }
0xb1: {  	[dreg:$0x5] =	wrdreg $0x9  }
0xb2: {  	_ =	task.clear_ibuf [dreg:s7], $0x6FFFF;
	_ =	strace $0x90000046  }
0xb3: {  	s29 =	simm.s32 $0x9;
	_ =	strace $0x80000048  }
0xb4: {  	_ =	swait.ge [sflag:s29], $0x1  }
0xb5: {  	[sflag:s29] =	ssyncadd.s32 $0xFFFFFFFF  }
0xb6: {  	_ =	strace $0x90000048  }
0xb7: {  	_ =	sfence  }
0xb8: {  	s30 =	sld [smem:$0x0];
	_ =	sdelay $0x2  }
0xb9: {  	s31 =	sshll.u32 s1, $0xD;
	s1 =	sshrl.u32 s1, $0x2  }
0xba: {  	s3 =	sand.u32 $0x4000, s31;
	s1 =	sadd.s32 s1, s30  }
0xbb: {  	s0 =	sor.u32 s3, s0;
	s1 =	sshll.u32 s1, $0x11  }
0xbc: {  	s0 =	sor.u32 s1, s0  }
0xbd: {  	s0 =	sadd.s32 $0x8F2B, s0  }
0xbe: {  	[sflag:s0] =	ssyncadd.remote.s32 $0x1  }
0xbf: {  	_ =	sfence.sel $0xFFFF  }
0xc0: {  	[dreg:$0x0] =	wrdreg $0xFFFFFFFF;
	(pc) =	sbr.abs _section_cstart, $3  }
0xc1: {  	[dreg:$0x1] =	wrdreg $0xFFFFFFFF  }
0xc2: {  	_ =	task.clear_ibuf [dreg:s7], $0x2FFFF;
	_ =	strace $0x9FFFFFFF  }
0xc3: {  	(tm) =	ssettm $0x7FFFFFFF  }
tec
execute0_lowered:
.L_overlay_start_1:
0x0: {  	(tag) =	ssettag $0x1  }
0x1: {  	s0 =	srdreg.scid;
	s19 =	stileid.u32  }
0x2: {  	s6 =	rddreg [dreg:$0x1];
	s7 =	smul.u32 $0x280, s19  }
0x3: {  	s2 =	rddreg [dreg:$0x2];
	s3 =	simm.s32 $0x0;
	s12 =	smul.u32 $0x2800, s19  }
0x4: {  	s0 =	sand.u32 $0x1, s0;
	[smem:$0x7FF] =	sst s3;
	s20 =	smul.u32 $0x50000, s19  }
0x5: {  	s9 =	sadd.s32 $0x50DA00, s6;
	s1 =	sshll.u32 s0, $0x4;
	s8 =	smul.u32 $0x2800, s0  }
0x6: {  	s10 =	ssub.s32 $0x2, s0;
	s0 =	smul.u32 $0x271000, s0;
	s4 =	sor.u32 s19, s1  }
0x7: {  	s1 =	rddreg [dreg:$0x0];
	s11 =	sshrl.u32 s10, $0x1;
	s13 =	sor.u32 $0x50, s7  }
0x8: {  	s12 =	sadd.s32 s9, s12;
	s14 =	sadd.s32 $0xF0, s7;
	s21 =	sshll.u32 s13, $0x4  }
0x9: {  	s15 =	sadd.s32 $0x140, s7;
	s10 =	ssub.s32 s10, s11;
	s11 =	sadd.s32 s9, s21  }
0xa: {  	s17 =	sadd.s32 $0x1E0, s7;
	[dreg:$0x5] =	wrdreg s11;
	s11 =	sadd.s32 $0xA0, s7  }
0xb: {  	s5 =	smul.u32 $0x5000, s4;
	s8 =	sadd.s32 s7, s8;
	s22 =	sshll.u32 s11, $0x4  }
0xc: {  	[dreg:$0x4] =	wrdreg s12;
	s23 =	sshll.u32 s14, $0x4;
	s12 =	sadd.s32 s9, s22  }
0xd: {  	s16 =	sshll.u32 s15, $0x4;
	[dreg:$0x6] =	wrdreg s12;
	s12 =	sadd.s32 s9, s23  }
0xe: {  	s26 =	sshll.u32 s17, $0x4;
	[dreg:$0x7] =	wrdreg s12;
	s12 =	sadd.s32 $0x190, s7  }
0xf: {  	s24 =	sadd.s32 s9, s16;
	s5 =	sshrl.u32 s5, $0x3;
	s25 =	sshll.u32 s12, $0x4  }
0x10: {  	[dreg:$0x8] =	wrdreg s24;
	s7 =	sadd.s32 $0x230, s7;
	s16 =	sadd.s32 s9, s25  }
0x11: {  	s18 =	sshll.u32 s7, $0x4;
	[dreg:$0x9] =	wrdreg s16;
	s16 =	sadd.s32 s9, s26  }
0x12: {  	s5 =	sadd.s32 s5, s6;
	s9 =	sadd.s32 s9, s18;
	[dreg:$0xa] =	wrdreg s16  }
0x13: {  	s4 =	smul.u32 $0x27100, s4;
	s23 =	sadd.s32 $0x3A00, s5;
	[dreg:$0xb] =	wrdreg s9  }
0x14: {  	s24 =	sadd.s32 $0x17A00, s5;
	_ =	strace $0x80000047;
	[dreg:$0xd] =	wrdreg s23  }
0x15: {  	s8 =	sshll.u32 s8, $0x4;
	s25 =	sadd.s32 $0x3C00, s5;
	[dreg:$0xe] =	wrdreg s24  }
0x16: {  	s21 =	smul.u32 $0x27100, s19;
	s26 =	sadd.s32 $0x17C00, s5;
	[dreg:$0xf] =	wrdreg s25  }
0x17: {  	s16 =	sadd.s32 s8, s6;
	s8 =	sadd.s32 $0x3E00, s5;
	[dreg:$0x10] =	wrdreg s26  }
0x18: {  	s22 =	sshrl.u32 s20, $0x2;
	s9 =	sadd.s32 $0x17E00, s5;
	[dreg:$0x11] =	wrdreg s8  }
0x19: {  	s18 =	sadd.s32 $0x4000, s5;
	s6 =	sadd.s32 $0x2BA00, s6;
	[dreg:$0x12] =	wrdreg s9  }
0x1a: {  	s20 =	sadd.s32 $0x18000, s5;
	s19 =	sadd.s32 s6, s4;
	[dreg:$0x13] =	wrdreg s18  }
0x1b: {  	s0 =	sadd.s32 s0, s6;
	[dreg:$0x14] =	wrdreg s20;
	s24 =	sadd.s32 s22, s2  }
0x1c: {  	s22 =	sshll.u32 s13, $0x7;
	s23 =	smax.u32 s10, $0x1;
	s25 =	sshll.u32 s11, $0x7  }
0x1d: {  	s6 =	sshll.u32 s15, $0x7;
	s10 =	sadd.s32 $0x535A00, s16;
	[dreg:$0x17] =	wrdreg s23  }
0x1e: {  	s8 =	sshll.u32 s12, $0x7;
	s11 =	sadd.s32 $0x535F00, s16;
	[dreg:$0x1b] =	wrdreg s10  }
0x1f: {  	s9 =	sshll.u32 s17, $0x7;
	s12 =	sadd.s32 $0x536400, s16;
	[dreg:$0x1e] =	wrdreg s11  }
0x20: {  	s15 =	sadd.s32 $0x536E00, s16;
	s17 =	sadd.s32 $0x537300, s16;
	[dreg:$0x1f] =	wrdreg s12  }
0x21: {  	s13 =	sshll.u32 s7, $0x7;
	s18 =	sadd.s32 $0x537800, s16;
	[smem:$0x7F4] =	sst s15  }
0x22: {  	s20 =	sadd.s32 $0x537D00, s16;
	s7 =	simm.s32 $0x18800;
	[smem:$0x7F5] =	sst s17  }
0x23: {  	s4 =	sadd.s32 s21, s0;
	s21 =	sadd.s32 $0x4200, s5;
	[smem:$0x7F6] =	sst s18  }
0x24: {  	s5 =	sadd.s32 $0x18200, s5;
	s26 =	sadd.s32 s22, s2;
	[smem:$0x7F7] =	sst s20  }
0x25: {  	s28 =	sadd.s32 s25, s2;
	s30 =	sadd.s32 s6, s2;
	[dreg:$0xc] =	wrdreg s19  }
0x26: {  	s8 =	sadd.s32 s8, s2;
	s0 =	sadd.s32 s9, s2;
	[smem:$0x7FD] =	sst s24  }
0x27: {  	s31 =	sadd.s32 s13, s2;
	s22 =	sadd.s32 $0xFA00, s19;
	[dreg:$0x15] =	wrdreg s21  }
0x28: {  	s23 =	sadd.s32 $0x17700, s19;
	s25 =	sadd.s32 $0x1F400, s19;
	[dreg:$0x16] =	wrdreg s5  }
0x29: {  	s12 =	simm.s32 $0x14000;
	s6 =	simm.s32 $0x1B000;
	[smem:$0x7F9] =	sst s22  }
0x2a: {  	s9 =	simm.s32 $0x1D800;
	s10 =	simm.s32 $0x1;
	[smem:$0x7FA] =	sst s23  }
0x2b: {  	s11 =	simm.s32 $0x3;
	s20 =	simm.s32 $0x4;
	[smem:$0x7FB] =	sst s25  }
0x2c: {  	s5 =	sshll.u32 s14, $0x7;
	s14 =	sadd.s32 $0x536900, s16;
	[dreg:$0x19] =	wrdreg s30  }
0x2d: {  	s15 =	sadd.s32 $0x8200, s4;
	s16 =	sadd.s32 $0xFF00, s4;
	[dreg:$0x1a] =	wrdreg s8  }
0x2e: {  	s17 =	sadd.s32 $0x17C00, s4;
	s18 =	sadd.s32 $0x1F900, s4;
	[dreg:$0x1c] =	wrdreg s0  }
0x2f: {  	s21 =	sadd.s32 $0x7D00, s19;
	s23 =	simm.s32 $0x16000;
	[dreg:$0x1d] =	wrdreg s26  }
0x30: {  	s25 =	simm.s32 $0x5;
	s19 =	simm.s32 $0x2;
	[smem:$0x7FC] =	sst s31  }
0x31: {  	s22 =	simm.s32 $0x0;
	s29 =	sadd.s32 s5, s2;
	[smem:$0x7F3] =	sst s14  }
0x32: {  	s14 =	sadd.s32 $0x500, s4;
	[smem:$0x7F8] =	sst s21;
	s4 =	simm.s32 $0x15000  }
0x33: {  	s5 =	simm.s32 $0x50;
	s21 =	simm.s32 $0x15C00;
	[dreg:$0x18] =	wrdreg s29  }
.LBB2_1:
0x34: {  	s13 =	rddreg [dreg:$0x4]  }
0x35: {  	[tilespmem:s23], [sflag:$0x5] =	stream.linear.gather [hbm4b:s13+s3], $0x2800, $0x38;
	v63 =	vld [tilespmem:$0x0]  }
0x36: {  	_ =	swait.ge [sflag:s25], $0x2800  }
0x37: {  	[sflag:s25] =	ssyncset.done $0x0  }
0x38: {  	[sflag:s25] =	ssyncadd.s32 $0xFFFFD800  }
0x39: {  	[spmem:s24] =	stream.linear.scatter [tilespmem:s23], [sflag:$0x5], $0x2800, $0x38;
	v63 =	vld [tilespmem:$0x0]  }
0x3a: {  	_ =	swait.ge [sflag:s25], $0x2800  }
0x3b: {  	[sflag:s25] =	ssyncset.done $0x0  }
0x3c: {  	s24 =	rddreg [dreg:$0x5];
	[sflag:s25] =	ssyncadd.s32 $0xFFFFD800  }
0x3d: {  	[tilespmem:s23], [sflag:$0x5] =	stream.linear.gather [hbm4b:s24+s3], $0x2800, $0x38;
	v63 =	vld [tilespmem:$0x0]  }
0x3e: {  	_ =	swait.ge [sflag:s25], $0x2800  }
0x3f: {  	[sflag:s25] =	ssyncset.done $0x0  }
0x40: {  	[sflag:s25] =	ssyncadd.s32 $0xFFFFD800  }
0x41: {  	[spmem:s26] =	stream.linear.scatter [tilespmem:s23], [sflag:$0x5], $0x2800, $0x38;
	v63 =	vld [tilespmem:$0x0]  }
0x42: {  	_ =	swait.ge [sflag:s25], $0x2800  }
0x43: {  	[sflag:s25] =	ssyncset.done $0x0  }
0x44: {  	s26 =	rddreg [dreg:$0x6];
	[sflag:s25] =	ssyncadd.s32 $0xFFFFD800  }
0x45: {  	[tilespmem:s23], [sflag:$0x5] =	stream.linear.gather [hbm4b:s26+s3], $0x2800, $0x38;
	v63 =	vld [tilespmem:$0x0]  }
0x46: {  	_ =	swait.ge [sflag:s25], $0x2800  }
0x47: {  	[sflag:s25] =	ssyncset.done $0x0  }
0x48: {  	[sflag:s25] =	ssyncadd.s32 $0xFFFFD800  }
0x49: {  	[spmem:s28] =	stream.linear.scatter [tilespmem:s23], [sflag:$0x5], $0x2800, $0x38;
	v63 =	vld [tilespmem:$0x0]  }
0x4a: {  	_ =	swait.ge [sflag:s25], $0x2800  }
0x4b: {  	s24 =	smov.u32 s8;
	[sflag:s25] =	ssyncset.done $0x0  }
0x4c: {  	s8 =	smov.u32 s28;
	s28 =	rddreg [dreg:$0x7];
	[sflag:s25] =	ssyncadd.s32 $0xFFFFD800  }
0x4d: {  	[tilespmem:s23], [sflag:$0x5] =	stream.linear.gather [hbm4b:s28+s3], $0x2800, $0x38;
	v63 =	vld [tilespmem:$0x0]  }
0x4e: {  	_ =	swait.ge [sflag:s25], $0x2800  }
0x4f: {  	[sflag:s25] =	ssyncset.done $0x0  }
0x50: {  	[sflag:s25] =	ssyncadd.s32 $0xFFFFD800  }
0x51: {  	[spmem:s29] =	stream.linear.scatter [tilespmem:s23], [sflag:$0x5], $0x2800, $0x38;
	v63 =	vld [tilespmem:$0x0]  }
0x52: {  	_ =	swait.ge [sflag:s25], $0x2800  }
0x53: {  	[sflag:s25] =	ssyncset.done $0x0  }
0x54: {  	s26 =	rddreg [dreg:$0x8];
	[sflag:s25] =	ssyncadd.s32 $0xFFFFD800  }
0x55: {  	[tilespmem:s23], [sflag:$0x5] =	stream.linear.gather [hbm4b:s26+s3], $0x2800, $0x38;
	v63 =	vld [tilespmem:$0x0]  }
0x56: {  	_ =	swait.ge [sflag:s25], $0x2800  }
0x57: {  	[sflag:s25] =	ssyncset.done $0x0  }
0x58: {  	[sflag:s25] =	ssyncadd.s32 $0xFFFFD800  }
0x59: {  	[spmem:s30] =	stream.linear.scatter [tilespmem:s23], [sflag:$0x5], $0x2800, $0x38;
	v63 =	vld [tilespmem:$0x0]  }
0x5a: {  	_ =	swait.ge [sflag:s25], $0x2800  }
0x5b: {  	[sflag:s25] =	ssyncset.done $0x0  }
0x5c: {  	s28 =	rddreg [dreg:$0x9];
	[sflag:s25] =	ssyncadd.s32 $0xFFFFD800  }
0x5d: {  	[tilespmem:s23], [sflag:$0x5] =	stream.linear.gather [hbm4b:s28+s3], $0x2800, $0x38;
	v63 =	vld [tilespmem:$0x0]  }
0x5e: {  	_ =	swait.ge [sflag:s25], $0x2800  }
0x5f: {  	[sflag:s25] =	ssyncset.done $0x0  }
0x60: {  	[sflag:s25] =	ssyncadd.s32 $0xFFFFD800  }
0x61: {  	[spmem:s24] =	stream.linear.scatter [tilespmem:s23], [sflag:$0x5], $0x2800, $0x38;
	v63 =	vld [tilespmem:$0x0]  }
0x62: {  	_ =	swait.ge [sflag:s25], $0x2800  }
0x63: {  	[sflag:s25] =	ssyncset.done $0x0  }
0x64: {  	s29 =	rddreg [dreg:$0xa];
	[sflag:s25] =	ssyncadd.s32 $0xFFFFD800  }
0x65: {  	[tilespmem:s23], [sflag:$0x5] =	stream.linear.gather [hbm4b:s29+s3], $0x2800, $0x38;
	v63 =	vld [tilespmem:$0x0]  }
0x66: {  	_ =	swait.ge [sflag:s25], $0x2800  }
0x67: {  	[sflag:s25] =	ssyncset.done $0x0  }
0x68: {  	[sflag:s25] =	ssyncadd.s32 $0xFFFFD800  }
0x69: {  	[spmem:s0] =	stream.linear.scatter [tilespmem:s23], [sflag:$0x5], $0x2800, $0x38;
	v63 =	vld [tilespmem:$0x0]  }
0x6a: {  	_ =	swait.ge [sflag:s25], $0x2800  }
0x6b: {  	[sflag:s25] =	ssyncset.done $0x0  }
0x6c: {  	s30 =	rddreg [dreg:$0xb];
	[sflag:s25] =	ssyncadd.s32 $0xFFFFD800  }
0x6d: {  	[tilespmem:s23], [sflag:$0x5] =	stream.linear.gather [hbm4b:s30+s3], $0x2800, $0x38;
	v63 =	vld [tilespmem:$0x0]  }
0x6e: {  	_ =	swait.ge [sflag:s25], $0x2800  }
0x6f: {  	[sflag:s25] =	ssyncset.done $0x0  }
0x70: {  	[sflag:s25] =	ssyncadd.s32 $0xFFFFD800  }
0x71: {  	[spmem:s31] =	stream.linear.scatter [tilespmem:s23], [sflag:$0x5], $0x2800, $0x38;
	v63 =	vld [tilespmem:$0x0]  }
0x72: {  	_ =	swait.ge [sflag:s25], $0x2800  }
0x73: {  	[sflag:s25] =	ssyncset.done $0x0  }
0x74: {  	[sflag:s25] =	ssyncadd.s32 $0xFFFFD800  }
0x75: {  	[bflag:$0x0] =	sbarrier.arrive $0xFFFF  }
0x76: {  	s31 =	rddreg [dreg:$0xd]  }
0x77: {  	[tilespmem:s12], [sflag:$0x5] =	stream.linear.gather [hbm4b:s31+s3], $0xC80, $0x38;
	v63 =	vld [tilespmem:$0x0]  }
0x78: {  	_ =	swait.ge [sflag:s25], $0xC80  }
0x79: {  	[sflag:s25] =	ssyncset.done $0x0  }
0x7a: {  	s0 =	rddreg [dreg:$0xe];
	[sflag:s25] =	ssyncadd.s32 $0xFFFFF380  }
0x7b: {  	[tilespmem:s4], [sflag:$0x5] =	stream.linear.gather [hbm4b:s0+s3], $0xC80, $0x38;
	v63 =	vld [tilespmem:$0x0]  }
0x7c: {  	_ =	swait.ge [sflag:s25], $0xC80  }
0x7d: {  	[sflag:s25] =	ssyncset.done $0x0  }
0x7e: {  	[sflag:s25] =	ssyncadd.s32 $0xFFFFF380  }
0x7f: {  	[tilespmem:s23], [sflag:$0x1] =	stream.indirect.gather [hbm4b:s1+s5], $0x80, s12, s5, $0xb8;
	v63 =	vld [tilespmem:$0x0]  }
0x80: {  	s24 =	rddreg [dreg:$0xc]  }
0x81: {  	[tilespmem:s6], [sflag:$0x3] =	stream.linear.gather [hbm4b:s24+s3], $0x2800, $0x38;
	v63 =	vld [tilespmem:$0x0]  }
0x82: {  	s26 =	simm.s32 $0x14080  }
0x83: {  	[tilespmem:s7], [sflag:$0x2] =	stream.indirect.gather [hbm4b:s1+s5], $0x80, s26, s5, $0xb8;
	v63 =	vld [tilespmem:$0x0]  }
0x84: {  	_ = 	snop  }
0x85: {  	[tilespmem:s9], [sflag:$0x4] =	stream.linear.gather [hbm4b:s14+s3], $0x2800, $0x38;
	v63 =	vld [tilespmem:$0x0]  }
0x86: {  	_ =	swait.ge [sflag:s10], $0x2800  }
0x87: {  	[sflag:s10] =	ssyncset.done $0x0  }
0x88: {  	[sflag:s10] =	ssyncadd.s32 $0xFFFFD800  }
0x89: {  	_ =	swait.ge [sflag:s11], $0x2800  }
0x8a: {  	[sflag:s11] =	ssyncset.done $0x0  }
0x8b: {  	s28 =	simm.s32 $0x15000;
	[sflag:s11] =	ssyncadd.s32 $0xFFFFD800  }
0x8c: {  	[spmem:s2] =	stream.indirect.scatter.add.f32 [tilespmem:s6], [sflag:$0x3], $0x80, s28, s5, $0xb8;
	v63 =	vld [tilespmem:$0x0]  }
0x8d: {  	_ = 	snop  }
0x8e: {  	[spmem:s2] =	stream.indirect.scatter.add.f32 [tilespmem:s23], [sflag:$0x5], $0x80, s28, s5, $0xb8;
	v63 =	vld [tilespmem:$0x0]  }
0x8f: {  	_ =	swait.ge [sflag:s25], $0x2800  }
0x90: {  	[sflag:s25] =	ssyncset.done $0x0  }
0x91: {  	[sflag:s25] =	ssyncadd.s32 $0xFFFFD800  }
0x92: {  	_ =	swait.ge [sflag:s11], $0x2800  }
0x93: {  	[sflag:s11] =	ssyncset.done $0x0  }
0x94: {  	s29 =	simm.s32 $0x14100;
	[sflag:s11] =	ssyncadd.s32 $0xFFFFD800  }
0x95: {  	[tilespmem:s23], [sflag:$0x1] =	stream.indirect.gather [hbm4b:s1+s5], $0x80, s29, s5, $0xb8;
	v63 =	vld [tilespmem:$0x0]  }
0x96: {  	s30 =	sadd.s32 $0x500, s14  }
0x97: {  	[tilespmem:s6], [sflag:$0x3] =	stream.linear.gather [hbm4b:s30+s3], $0x2800, $0x38;
	v63 =	vld [tilespmem:$0x0]  }
0x98: {  	_ =	swait.ge [sflag:s19], $0x2800  }
0x99: {  	[sflag:s19] =	ssyncset.done $0x0  }
0x9a: {  	[sflag:s19] =	ssyncadd.s32 $0xFFFFD800  }
0x9b: {  	_ =	swait.ge [sflag:s20], $0x2800  }
0x9c: {  	[sflag:s20] =	ssyncset.done $0x0  }
0x9d: {  	s31 =	simm.s32 $0x15080;
	[sflag:s20] =	ssyncadd.s32 $0xFFFFD800  }
0x9e: {  	[spmem:s2] =	stream.indirect.scatter.add.f32 [tilespmem:s9], [sflag:$0x4], $0x80, s31, s5, $0xb8;
	v63 =	vld [tilespmem:$0x0]  }
0x9f: {  	_ = 	snop  }
0xa0: {  	[spmem:s2] =	stream.indirect.scatter.add.f32 [tilespmem:s7], [sflag:$0x5], $0x80, s31, s5, $0xb8;
	v63 =	vld [tilespmem:$0x0]  }
0xa1: {  	_ =	swait.ge [sflag:s25], $0x2800  }
0xa2: {  	[sflag:s25] =	ssyncset.done $0x0  }
0xa3: {  	[sflag:s25] =	ssyncadd.s32 $0xFFFFD800  }
0xa4: {  	s13 =	sadd.s32 $0xA00, s14;
	_ =	swait.ge [sflag:s20], $0x2800  }
0xa5: {  	s24 =	simm.s32 $0x100;
	s26 =	simm.s32 $0x800;
	[sflag:s20] =	ssyncset.done $0x0  }
.LBB2_2:
0xa6: {  	s30 =	sadd.s32 $0x14080, s24  }
0xa7: {  	[sflag:s20] =	ssyncadd.s32 $0xFFFFD800;
	s28 =	smov.u32 s26;
	s29 =	sadd.s32 $0x400, s26  }
0xa8: {  	[tilespmem:s7], [sflag:$0x2] =	stream.indirect.gather [hbm4b:s1+s5], $0x80, s30, s5, $0xb8;
	v63 =	vld [tilespmem:$0x0]  }
0xa9: {  	p0 =	sne.s32 s26, $0x2C00  }
0xaa: {  	[tilespmem:s9], [sflag:$0x4] =	stream.linear.gather [hbm4b:s13+s3], $0x2800, $0x38;
	v63 =	vld [tilespmem:$0x0]  }
0xab: {  	_ =	swait.ge [sflag:s10], $0x2800  }
0xac: {  	[sflag:s10] =	ssyncset.done $0x0  }
0xad: {  	[sflag:s10] =	ssyncadd.s32 $0xFFFFD800  }
0xae: {  	_ =	swait.ge [sflag:s11], $0x2800  }
0xaf: {  	[sflag:s11] =	ssyncset.done $0x0  }
0xb0: {  	s26 =	sadd.s32 $0x15000, s24;
	[sflag:s11] =	ssyncadd.s32 $0xFFFFD800  }
0xb1: {  	[spmem:s2] =	stream.indirect.scatter.add.f32 [tilespmem:s6], [sflag:$0x3], $0x80, s26, s5, $0xb8;
	v63 =	vld [tilespmem:$0x0]  }
0xb2: {  	_ = 	snop  }
0xb3: {  	[spmem:s2] =	stream.indirect.scatter.add.f32 [tilespmem:s23], [sflag:$0x5], $0x80, s26, s5, $0xb8;
	v63 =	vld [tilespmem:$0x0]  }
0xb4: {  	_ =	swait.ge [sflag:s25], $0x2800  }
0xb5: {  	[sflag:s25] =	ssyncset.done $0x0  }
0xb6: {  	[sflag:s25] =	ssyncadd.s32 $0xFFFFD800  }
0xb7: {  	_ =	swait.ge [sflag:s11], $0x2800  }
0xb8: {  	[sflag:s11] =	ssyncset.done $0x0  }
0xb9: {  	s26 =	sadd.s32 $0x14100, s24;
	[sflag:s11] =	ssyncadd.s32 $0xFFFFD800  }
0xba: {  	[tilespmem:s23], [sflag:$0x1] =	stream.indirect.gather [hbm4b:s1+s5], $0x80, s26, s5, $0xb8;
	v63 =	vld [tilespmem:$0x0]  }
0xbb: {  	s26 =	sadd.s32 $0x500, s13  }
0xbc: {  	[tilespmem:s6], [sflag:$0x3] =	stream.linear.gather [hbm4b:s26+s3], $0x2800, $0x38;
	v63 =	vld [tilespmem:$0x0]  }
0xbd: {  	_ =	swait.ge [sflag:s19], $0x2800  }
0xbe: {  	[sflag:s19] =	ssyncset.done $0x0  }
0xbf: {  	[sflag:s19] =	ssyncadd.s32 $0xFFFFD800  }
0xc0: {  	_ =	swait.ge [sflag:s20], $0x2800  }
0xc1: {  	[sflag:s20] =	ssyncset.done $0x0  }
0xc2: {  	s24 =	sadd.s32 $0x15080, s24;
	[sflag:s20] =	ssyncadd.s32 $0xFFFFD800  }
0xc3: {  	[spmem:s2] =	stream.indirect.scatter.add.f32 [tilespmem:s9], [sflag:$0x4], $0x80, s24, s5, $0xb8;
	v63 =	vld [tilespmem:$0x0]  }
0xc4: {  	_ = 	snop  }
0xc5: {  	[spmem:s2] =	stream.indirect.scatter.add.f32 [tilespmem:s7], [sflag:$0x5], $0x80, s24, s5, $0xb8;
	v63 =	vld [tilespmem:$0x0]  }
.Ltmp0:
0xc6: {  	_ =	swait.ge [sflag:s25], $0x2800;
	(pc) =	sbr.rel @p0 .LBB2_2-.Ltmp0, $4  }
0xc7: {  	[sflag:s25] =	ssyncset.done $0x0  }
0xc8: {  	[sflag:s25] =	ssyncadd.s32 $0xFFFFD800  }
0xc9: {  	s13 =	sadd.s32 $0xA00, s13;
	_ =	swait.ge [sflag:s20], $0x2800  }
0xca: {  	s26 =	smov.u32 s29;
	s24 =	sshra.s32 s28, $0x2;
	[sflag:s20] =	ssyncset.done $0x0  }
0xcb: {  	s26 =	sadd.s32 $0x14080, s24;
	[sflag:s20] =	ssyncadd.s32 $0xFFFFD800  }
0xcc: {  	[tilespmem:s7], [sflag:$0x2] =	stream.indirect.gather [hbm4b:s1+s5], $0x80, s26, s5, $0xb8;
	v63 =	vld [tilespmem:$0x0]  }
0xcd: {  	_ = 	snop  }
0xce: {  	[tilespmem:s9], [sflag:$0x4] =	stream.linear.gather [hbm4b:s13+s3], $0x2800, $0x38;
	v63 =	vld [tilespmem:$0x0]  }
0xcf: {  	_ =	swait.ge [sflag:s10], $0x2800  }
0xd0: {  	[sflag:s10] =	ssyncset.done $0x0  }
0xd1: {  	[sflag:s10] =	ssyncadd.s32 $0xFFFFD800  }
0xd2: {  	_ =	swait.ge [sflag:s11], $0x2800  }
0xd3: {  	[sflag:s11] =	ssyncset.done $0x0  }
0xd4: {  	s31 =	sadd.s32 $0x15000, s24;
	[sflag:s11] =	ssyncadd.s32 $0xFFFFD800  }
0xd5: {  	[spmem:s2] =	stream.indirect.scatter.add.f32 [tilespmem:s6], [sflag:$0x3], $0x80, s31, s5, $0xb8;
	v63 =	vld [tilespmem:$0x0]  }
0xd6: {  	_ = 	snop  }
0xd7: {  	[spmem:s2] =	stream.indirect.scatter.add.f32 [tilespmem:s23], [sflag:$0x5], $0x80, s31, s5, $0xb8;
	v63 =	vld [tilespmem:$0x0]  }
0xd8: {  	_ =	swait.ge [sflag:s25], $0x2800  }
0xd9: {  	[sflag:s25] =	ssyncset.done $0x0  }
0xda: {  	[sflag:s25] =	ssyncadd.s32 $0xFFFFD800  }
0xdb: {  	_ =	swait.ge [sflag:s11], $0x2800  }
0xdc: {  	[sflag:s11] =	ssyncset.done $0x0  }
0xdd: {  	s0 =	sadd.s32 $0x14100, s24;
	[sflag:s11] =	ssyncadd.s32 $0xFFFFD800  }
0xde: {  	[tilespmem:s23], [sflag:$0x1] =	stream.indirect.gather [hbm4b:s1+s5], $0x80, s0, s5, $0xb8;
	v63 =	vld [tilespmem:$0x0]  }
0xdf: {  	s26 =	sadd.s32 $0x500, s13  }
0xe0: {  	[tilespmem:s6], [sflag:$0x3] =	stream.linear.gather [hbm4b:s26+s3], $0x2800, $0x38;
	v63 =	vld [tilespmem:$0x0]  }
0xe1: {  	_ =	swait.ge [sflag:s19], $0x2800  }
0xe2: {  	[sflag:s19] =	ssyncset.done $0x0  }
0xe3: {  	[sflag:s19] =	ssyncadd.s32 $0xFFFFD800  }
0xe4: {  	_ =	swait.ge [sflag:s20], $0x2800  }
0xe5: {  	[sflag:s20] =	ssyncset.done $0x0  }
0xe6: {  	s28 =	sadd.s32 $0x15080, s24;
	[sflag:s20] =	ssyncadd.s32 $0xFFFFD800  }
0xe7: {  	[spmem:s2] =	stream.indirect.scatter.add.f32 [tilespmem:s9], [sflag:$0x4], $0x80, s28, s5, $0xb8;
	v63 =	vld [tilespmem:$0x0]  }
0xe8: {  	_ = 	snop  }
0xe9: {  	[spmem:s2] =	stream.indirect.scatter.add.f32 [tilespmem:s7], [sflag:$0x5], $0x80, s28, s5, $0xb8;
	v63 =	vld [tilespmem:$0x0]  }
0xea: {  	_ =	swait.ge [sflag:s25], $0x2800  }
0xeb: {  	[sflag:s25] =	ssyncset.done $0x0  }
0xec: {  	[sflag:s25] =	ssyncadd.s32 $0xFFFFD800  }
0xed: {  	_ =	swait.ge [sflag:s20], $0x2800  }
0xee: {  	[sflag:s20] =	ssyncset.done $0x0  }
0xef: {  	[sflag:s20] =	ssyncadd.s32 $0xFFFFD800  }
0xf0: {  	_ =	swait.ge [sflag:s10], $0x2800  }
0xf1: {  	[sflag:s10] =	ssyncset.done $0x0  }
0xf2: {  	[sflag:s10] =	ssyncadd.s32 $0xFFFFD800  }
0xf3: {  	_ =	swait.ge [sflag:s11], $0x2800  }
0xf4: {  	[sflag:s11] =	ssyncset.done $0x0  }
0xf5: {  	[sflag:s11] =	ssyncadd.s32 $0xFFFFD800  }
0xf6: {  	[spmem:s2] =	stream.indirect.scatter.add.f32 [tilespmem:s6], [sflag:$0x3], $0x80, s21, s5, $0xb8;
	v63 =	vld [tilespmem:$0x0]  }
0xf7: {  	_ = 	snop  }
0xf8: {  	[spmem:s2] =	stream.indirect.scatter.add.f32 [tilespmem:s23], [sflag:$0x5], $0x80, s21, s5, $0xb8;
	v63 =	vld [tilespmem:$0x0]  }
0xf9: {  	_ =	swait.ge [sflag:s25], $0x2800  }
0xfa: {  	[sflag:s25] =	ssyncset.done $0x0  }
0xfb: {  	[sflag:s25] =	ssyncadd.s32 $0xFFFFD800  }
0xfc: {  	_ =	swait.ge [sflag:s11], $0x2800  }
0xfd: {  	[sflag:s11] =	ssyncset.done $0x0  }
0xfe: {  	s30 =	simm.s32 $0x0;
	s31 =	rddreg [dreg:$0xf];
	[sflag:s11] =	ssyncadd.s32 $0xFFFFD800  }
0xff: {  	[tilespmem:s12], [sflag:$0x5] =	stream.linear.gather [hbm4b:s31+s30], $0xC80, $0x38;
	v63 =	vld [tilespmem:$0x0]  }
0x100: {  	_ =	swait.ge [sflag:s25], $0xC80  }
0x101: {  	[sflag:s25] =	ssyncset.done $0x0  }
0x102: {  	s0 =	rddreg [dreg:$0x10];
	[sflag:s25] =	ssyncadd.s32 $0xFFFFF380  }
0x103: {  	[tilespmem:s4], [sflag:$0x5] =	stream.linear.gather [hbm4b:s0+s30], $0xC80, $0x38;
	v63 =	vld [tilespmem:$0x0]  }
0x104: {  	_ =	swait.ge [sflag:s25], $0xC80  }
0x105: {  	[sflag:s25] =	ssyncset.done $0x0  }
0x106: {  	s0 =	sld [smem:$0x7F8];
	[sflag:s25] =	ssyncadd.s32 $0xFFFFF380  }
0x107: {  	[tilespmem:s23], [sflag:$0x1] =	stream.indirect.gather [hbm4b:s1+s5], $0x80, s12, s5, $0xb8;
	v63 =	vld [tilespmem:$0x0]  }
0x108: {  	_ = 	snop  }
0x109: {  	[tilespmem:s6], [sflag:$0x3] =	stream.linear.gather [hbm4b:s0+s30], $0x2800, $0x38;
	v63 =	vld [tilespmem:$0x0]  }
0x10a: {  	s24 =	simm.s32 $0x14080  }
0x10b: {  	[tilespmem:s7], [sflag:$0x2] =	stream.indirect.gather [hbm4b:s1+s5], $0x80, s24, s5, $0xb8;
	v63 =	vld [tilespmem:$0x0]  }
0x10c: {  	_ = 	snop  }
0x10d: {  	[tilespmem:s9], [sflag:$0x4] =	stream.linear.gather [hbm4b:s15+s3], $0x2800, $0x38;
	v63 =	vld [tilespmem:$0x0]  }
0x10e: {  	_ =	swait.ge [sflag:s10], $0x2800  }
0x10f: {  	[sflag:s10] =	ssyncset.done $0x0  }
0x110: {  	[sflag:s10] =	ssyncadd.s32 $0xFFFFD800  }
0x111: {  	_ =	swait.ge [sflag:s11], $0x2800  }
0x112: {  	[sflag:s11] =	ssyncset.done $0x0  }
0x113: {  	s26 =	simm.s32 $0x15000;
	[sflag:s11] =	ssyncadd.s32 $0xFFFFD800  }
0x114: {  	[spmem:s2] =	stream.indirect.scatter.add.f32 [tilespmem:s6], [sflag:$0x3], $0x80, s26, s5, $0xb8;
	v63 =	vld [tilespmem:$0x0]  }
0x115: {  	_ = 	snop  }
0x116: {  	[spmem:s2] =	stream.indirect.scatter.add.f32 [tilespmem:s23], [sflag:$0x5], $0x80, s26, s5, $0xb8;
	v63 =	vld [tilespmem:$0x0]  }
0x117: {  	_ =	swait.ge [sflag:s25], $0x2800  }
0x118: {  	[sflag:s25] =	ssyncset.done $0x0  }
0x119: {  	[sflag:s25] =	ssyncadd.s32 $0xFFFFD800  }
0x11a: {  	_ =	swait.ge [sflag:s11], $0x2800  }
0x11b: {  	[sflag:s11] =	ssyncset.done $0x0  }
0x11c: {  	s28 =	simm.s32 $0x14100;
	[sflag:s11] =	ssyncadd.s32 $0xFFFFD800  }
0x11d: {  	[tilespmem:s23], [sflag:$0x1] =	stream.indirect.gather [hbm4b:s1+s5], $0x80, s28, s5, $0xb8;
	v63 =	vld [tilespmem:$0x0]  }
0x11e: {  	s30 =	sadd.s32 $0x500, s15  }
0x11f: {  	[tilespmem:s6], [sflag:$0x3] =	stream.linear.gather [hbm4b:s30+s3], $0x2800, $0x38;
	v63 =	vld [tilespmem:$0x0]  }
0x120: {  	_ =	swait.ge [sflag:s19], $0x2800  }
0x121: {  	[sflag:s19] =	ssyncset.done $0x0  }
0x122: {  	[sflag:s19] =	ssyncadd.s32 $0xFFFFD800  }
0x123: {  	_ =	swait.ge [sflag:s20], $0x2800  }
0x124: {  	[sflag:s20] =	ssyncset.done $0x0  }
0x125: {  	s31 =	simm.s32 $0x15080;
	[sflag:s20] =	ssyncadd.s32 $0xFFFFD800  }
0x126: {  	[spmem:s2] =	stream.indirect.scatter.add.f32 [tilespmem:s9], [sflag:$0x4], $0x80, s31, s5, $0xb8;
	v63 =	vld [tilespmem:$0x0]  }
0x127: {  	_ = 	snop  }
0x128: {  	[spmem:s2] =	stream.indirect.scatter.add.f32 [tilespmem:s7], [sflag:$0x5], $0x80, s31, s5, $0xb8;
	v63 =	vld [tilespmem:$0x0]  }
0x129: {  	_ =	swait.ge [sflag:s25], $0x2800  }
0x12a: {  	[sflag:s25] =	ssyncset.done $0x0  }
0x12b: {  	[sflag:s25] =	ssyncadd.s32 $0xFFFFD800  }
0x12c: {  	s29 =	simm.s32 $0x800;
	_ =	swait.ge [sflag:s20], $0x2800  }
0x12d: {  	s13 =	sadd.s32 $0xA00, s15;
	s24 =	simm.s32 $0x100;
	[sflag:s20] =	ssyncset.done $0x0  }
.LBB2_4:
0x12e: {  	s30 =	sadd.s32 $0x14080, s24  }
0x12f: {  	[sflag:s20] =	ssyncadd.s32 $0xFFFFD800;
	s28 =	smov.u32 s29;
	s26 =	sadd.s32 $0x400, s29  }
0x130: {  	[tilespmem:s7], [sflag:$0x2] =	stream.indirect.gather [hbm4b:s1+s5], $0x80, s30, s5, $0xb8;
	v63 =	vld [tilespmem:$0x0]  }
0x131: {  	p0 =	sne.s32 s29, $0x2C00  }
0x132: {  	[tilespmem:s9], [sflag:$0x4] =	stream.linear.gather [hbm4b:s13+s3], $0x2800, $0x38;
	v63 =	vld [tilespmem:$0x0]  }
0x133: {  	_ =	swait.ge [sflag:s10], $0x2800  }
0x134: {  	[sflag:s10] =	ssyncset.done $0x0  }
0x135: {  	[sflag:s10] =	ssyncadd.s32 $0xFFFFD800  }
0x136: {  	_ =	swait.ge [sflag:s11], $0x2800  }
0x137: {  	[sflag:s11] =	ssyncset.done $0x0  }
0x138: {  	s29 =	sadd.s32 $0x15000, s24;
	[sflag:s11] =	ssyncadd.s32 $0xFFFFD800  }
0x139: {  	[spmem:s2] =	stream.indirect.scatter.add.f32 [tilespmem:s6], [sflag:$0x3], $0x80, s29, s5, $0xb8;
	v63 =	vld [tilespmem:$0x0]  }
0x13a: {  	_ = 	snop  }
0x13b: {  	[spmem:s2] =	stream.indirect.scatter.add.f32 [tilespmem:s23], [sflag:$0x5], $0x80, s29, s5, $0xb8;
	v63 =	vld [tilespmem:$0x0]  }
0x13c: {  	_ =	swait.ge [sflag:s25], $0x2800  }
0x13d: {  	[sflag:s25] =	ssyncset.done $0x0  }
0x13e: {  	[sflag:s25] =	ssyncadd.s32 $0xFFFFD800  }
0x13f: {  	_ =	swait.ge [sflag:s11], $0x2800  }
0x140: {  	[sflag:s11] =	ssyncset.done $0x0  }
0x141: {  	s29 =	sadd.s32 $0x14100, s24;
	[sflag:s11] =	ssyncadd.s32 $0xFFFFD800  }
0x142: {  	[tilespmem:s23], [sflag:$0x1] =	stream.indirect.gather [hbm4b:s1+s5], $0x80, s29, s5, $0xb8;
	v63 =	vld [tilespmem:$0x0]  }
0x143: {  	s29 =	sadd.s32 $0x500, s13  }
0x144: {  	[tilespmem:s6], [sflag:$0x3] =	stream.linear.gather [hbm4b:s29+s3], $0x2800, $0x38;
	v63 =	vld [tilespmem:$0x0]  }
0x145: {  	_ =	swait.ge [sflag:s19], $0x2800  }
0x146: {  	[sflag:s19] =	ssyncset.done $0x0  }
0x147: {  	[sflag:s19] =	ssyncadd.s32 $0xFFFFD800  }
0x148: {  	_ =	swait.ge [sflag:s20], $0x2800  }
0x149: {  	[sflag:s20] =	ssyncset.done $0x0  }
0x14a: {  	s24 =	sadd.s32 $0x15080, s24;
	[sflag:s20] =	ssyncadd.s32 $0xFFFFD800  }
0x14b: {  	[spmem:s2] =	stream.indirect.scatter.add.f32 [tilespmem:s9], [sflag:$0x4], $0x80, s24, s5, $0xb8;
	v63 =	vld [tilespmem:$0x0]  }
0x14c: {  	_ = 	snop  }
0x14d: {  	[spmem:s2] =	stream.indirect.scatter.add.f32 [tilespmem:s7], [sflag:$0x5], $0x80, s24, s5, $0xb8;
	v63 =	vld [tilespmem:$0x0]  }
.Ltmp1:
0x14e: {  	_ =	swait.ge [sflag:s25], $0x2800;
	(pc) =	sbr.rel @p0 .LBB2_4-.Ltmp1, $4  }
0x14f: {  	[sflag:s25] =	ssyncset.done $0x0  }
0x150: {  	[sflag:s25] =	ssyncadd.s32 $0xFFFFD800  }
0x151: {  	s13 =	sadd.s32 $0xA00, s13;
	_ =	swait.ge [sflag:s20], $0x2800  }
0x152: {  	s29 =	smov.u32 s26;
	s24 =	sshra.s32 s28, $0x2;
	[sflag:s20] =	ssyncset.done $0x0  }
0x153: {  	s26 =	sadd.s32 $0x14080, s24;
	[sflag:s20] =	ssyncadd.s32 $0xFFFFD800  }
0x154: {  	[tilespmem:s7], [sflag:$0x2] =	stream.indirect.gather [hbm4b:s1+s5], $0x80, s26, s5, $0xb8;
	v63 =	vld [tilespmem:$0x0]  }
0x155: {  	_ = 	snop  }
0x156: {  	[tilespmem:s9], [sflag:$0x4] =	stream.linear.gather [hbm4b:s13+s3], $0x2800, $0x38;
	v63 =	vld [tilespmem:$0x0]  }
0x157: {  	_ =	swait.ge [sflag:s10], $0x2800  }
0x158: {  	[sflag:s10] =	ssyncset.done $0x0  }
0x159: {  	[sflag:s10] =	ssyncadd.s32 $0xFFFFD800  }
0x15a: {  	_ =	swait.ge [sflag:s11], $0x2800  }
0x15b: {  	[sflag:s11] =	ssyncset.done $0x0  }
0x15c: {  	s31 =	sadd.s32 $0x15000, s24;
	[sflag:s11] =	ssyncadd.s32 $0xFFFFD800  }
0x15d: {  	[spmem:s2] =	stream.indirect.scatter.add.f32 [tilespmem:s6], [sflag:$0x3], $0x80, s31, s5, $0xb8;
	v63 =	vld [tilespmem:$0x0]  }
0x15e: {  	_ = 	snop  }
0x15f: {  	[spmem:s2] =	stream.indirect.scatter.add.f32 [tilespmem:s23], [sflag:$0x5], $0x80, s31, s5, $0xb8;
	v63 =	vld [tilespmem:$0x0]  }
0x160: {  	_ =	swait.ge [sflag:s25], $0x2800  }
0x161: {  	[sflag:s25] =	ssyncset.done $0x0  }
0x162: {  	[sflag:s25] =	ssyncadd.s32 $0xFFFFD800  }
0x163: {  	_ =	swait.ge [sflag:s11], $0x2800  }
0x164: {  	[sflag:s11] =	ssyncset.done $0x0  }
0x165: {  	s0 =	sadd.s32 $0x14100, s24;
	[sflag:s11] =	ssyncadd.s32 $0xFFFFD800  }
0x166: {  	[tilespmem:s23], [sflag:$0x1] =	stream.indirect.gather [hbm4b:s1+s5], $0x80, s0, s5, $0xb8;
	v63 =	vld [tilespmem:$0x0]  }
0x167: {  	s26 =	sadd.s32 $0x500, s13  }
0x168: {  	[tilespmem:s6], [sflag:$0x3] =	stream.linear.gather [hbm4b:s26+s3], $0x2800, $0x38;
	v63 =	vld [tilespmem:$0x0]  }
0x169: {  	_ =	swait.ge [sflag:s19], $0x2800  }
0x16a: {  	[sflag:s19] =	ssyncset.done $0x0  }
0x16b: {  	[sflag:s19] =	ssyncadd.s32 $0xFFFFD800  }
0x16c: {  	_ =	swait.ge [sflag:s20], $0x2800  }
0x16d: {  	[sflag:s20] =	ssyncset.done $0x0  }
0x16e: {  	s28 =	sadd.s32 $0x15080, s24;
	[sflag:s20] =	ssyncadd.s32 $0xFFFFD800  }
0x16f: {  	[spmem:s2] =	stream.indirect.scatter.add.f32 [tilespmem:s9], [sflag:$0x4], $0x80, s28, s5, $0xb8;
	v63 =	vld [tilespmem:$0x0]  }
0x170: {  	_ = 	snop  }
0x171: {  	[spmem:s2] =	stream.indirect.scatter.add.f32 [tilespmem:s7], [sflag:$0x5], $0x80, s28, s5, $0xb8;
	v63 =	vld [tilespmem:$0x0]  }
0x172: {  	_ =	swait.ge [sflag:s25], $0x2800  }
0x173: {  	[sflag:s25] =	ssyncset.done $0x0  }
0x174: {  	[sflag:s25] =	ssyncadd.s32 $0xFFFFD800  }
0x175: {  	_ =	swait.ge [sflag:s20], $0x2800  }
0x176: {  	[sflag:s20] =	ssyncset.done $0x0  }
0x177: {  	[sflag:s20] =	ssyncadd.s32 $0xFFFFD800  }
0x178: {  	_ =	swait.ge [sflag:s10], $0x2800  }
0x179: {  	[sflag:s10] =	ssyncset.done $0x0  }
0x17a: {  	[sflag:s10] =	ssyncadd.s32 $0xFFFFD800  }
0x17b: {  	_ =	swait.ge [sflag:s11], $0x2800  }
0x17c: {  	[sflag:s11] =	ssyncset.done $0x0  }
0x17d: {  	[sflag:s11] =	ssyncadd.s32 $0xFFFFD800  }
0x17e: {  	[spmem:s2] =	stream.indirect.scatter.add.f32 [tilespmem:s6], [sflag:$0x3], $0x80, s21, s5, $0xb8;
	v63 =	vld [tilespmem:$0x0]  }
0x17f: {  	_ = 	snop  }
0x180: {  	[spmem:s2] =	stream.indirect.scatter.add.f32 [tilespmem:s23], [sflag:$0x5], $0x80, s21, s5, $0xb8;
	v63 =	vld [tilespmem:$0x0]  }
0x181: {  	_ =	swait.ge [sflag:s25], $0x2800  }
0x182: {  	[sflag:s25] =	ssyncset.done $0x0  }
0x183: {  	[sflag:s25] =	ssyncadd.s32 $0xFFFFD800  }
0x184: {  	_ =	swait.ge [sflag:s11], $0x2800  }
0x185: {  	[sflag:s11] =	ssyncset.done $0x0  }
0x186: {  	s30 =	simm.s32 $0x0;
	s31 =	rddreg [dreg:$0x11];
	[sflag:s11] =	ssyncadd.s32 $0xFFFFD800  }
0x187: {  	[tilespmem:s12], [sflag:$0x5] =	stream.linear.gather [hbm4b:s31+s30], $0xC80, $0x38;
	v63 =	vld [tilespmem:$0x0]  }
0x188: {  	_ =	swait.ge [sflag:s25], $0xC80  }
0x189: {  	[sflag:s25] =	ssyncset.done $0x0  }
0x18a: {  	s0 =	rddreg [dreg:$0x12];
	[sflag:s25] =	ssyncadd.s32 $0xFFFFF380  }
0x18b: {  	[tilespmem:s4], [sflag:$0x5] =	stream.linear.gather [hbm4b:s0+s30], $0xC80, $0x38;
	v63 =	vld [tilespmem:$0x0]  }
0x18c: {  	_ =	swait.ge [sflag:s25], $0xC80  }
0x18d: {  	[sflag:s25] =	ssyncset.done $0x0  }
0x18e: {  	s0 =	sld [smem:$0x7F9];
	[sflag:s25] =	ssyncadd.s32 $0xFFFFF380  }
0x18f: {  	[tilespmem:s23], [sflag:$0x1] =	stream.indirect.gather [hbm4b:s1+s5], $0x80, s12, s5, $0xb8;
	v63 =	vld [tilespmem:$0x0]  }
0x190: {  	_ = 	snop  }
0x191: {  	[tilespmem:s6], [sflag:$0x3] =	stream.linear.gather [hbm4b:s0+s30], $0x2800, $0x38;
	v63 =	vld [tilespmem:$0x0]  }
0x192: {  	s24 =	simm.s32 $0x14080  }
0x193: {  	[tilespmem:s7], [sflag:$0x2] =	stream.indirect.gather [hbm4b:s1+s5], $0x80, s24, s5, $0xb8;
	v63 =	vld [tilespmem:$0x0]  }
0x194: {  	_ = 	snop  }
0x195: {  	[tilespmem:s9], [sflag:$0x4] =	stream.linear.gather [hbm4b:s16+s3], $0x2800, $0x38;
	v63 =	vld [tilespmem:$0x0]  }
0x196: {  	_ =	swait.ge [sflag:s10], $0x2800  }
0x197: {  	[sflag:s10] =	ssyncset.done $0x0  }
0x198: {  	[sflag:s10] =	ssyncadd.s32 $0xFFFFD800  }
0x199: {  	_ =	swait.ge [sflag:s11], $0x2800  }
0x19a: {  	[sflag:s11] =	ssyncset.done $0x0  }
0x19b: {  	s26 =	simm.s32 $0x15000;
	[sflag:s11] =	ssyncadd.s32 $0xFFFFD800  }
0x19c: {  	[spmem:s2] =	stream.indirect.scatter.add.f32 [tilespmem:s6], [sflag:$0x3], $0x80, s26, s5, $0xb8;
	v63 =	vld [tilespmem:$0x0]  }
0x19d: {  	_ = 	snop  }
0x19e: {  	[spmem:s2] =	stream.indirect.scatter.add.f32 [tilespmem:s23], [sflag:$0x5], $0x80, s26, s5, $0xb8;
	v63 =	vld [tilespmem:$0x0]  }
0x19f: {  	_ =	swait.ge [sflag:s25], $0x2800  }
0x1a0: {  	[sflag:s25] =	ssyncset.done $0x0  }
0x1a1: {  	[sflag:s25] =	ssyncadd.s32 $0xFFFFD800  }
0x1a2: {  	_ =	swait.ge [sflag:s11], $0x2800  }
0x1a3: {  	[sflag:s11] =	ssyncset.done $0x0  }
0x1a4: {  	s28 =	simm.s32 $0x14100;
	[sflag:s11] =	ssyncadd.s32 $0xFFFFD800  }
0x1a5: {  	[tilespmem:s23], [sflag:$0x1] =	stream.indirect.gather [hbm4b:s1+s5], $0x80, s28, s5, $0xb8;
	v63 =	vld [tilespmem:$0x0]  }
0x1a6: {  	s30 =	sadd.s32 $0x500, s16  }
0x1a7: {  	[tilespmem:s6], [sflag:$0x3] =	stream.linear.gather [hbm4b:s30+s3], $0x2800, $0x38;
	v63 =	vld [tilespmem:$0x0]  }
0x1a8: {  	_ =	swait.ge [sflag:s19], $0x2800  }
0x1a9: {  	[sflag:s19] =	ssyncset.done $0x0  }
0x1aa: {  	[sflag:s19] =	ssyncadd.s32 $0xFFFFD800  }
0x1ab: {  	_ =	swait.ge [sflag:s20], $0x2800  }
0x1ac: {  	[sflag:s20] =	ssyncset.done $0x0  }
0x1ad: {  	s31 =	simm.s32 $0x15080;
	[sflag:s20] =	ssyncadd.s32 $0xFFFFD800  }
0x1ae: {  	[spmem:s2] =	stream.indirect.scatter.add.f32 [tilespmem:s9], [sflag:$0x4], $0x80, s31, s5, $0xb8;
	v63 =	vld [tilespmem:$0x0]  }
0x1af: {  	_ = 	snop  }
0x1b0: {  	[spmem:s2] =	stream.indirect.scatter.add.f32 [tilespmem:s7], [sflag:$0x5], $0x80, s31, s5, $0xb8;
	v63 =	vld [tilespmem:$0x0]  }
0x1b1: {  	_ =	swait.ge [sflag:s25], $0x2800  }
0x1b2: {  	[sflag:s25] =	ssyncset.done $0x0  }
0x1b3: {  	[sflag:s25] =	ssyncadd.s32 $0xFFFFD800  }
0x1b4: {  	s29 =	simm.s32 $0x800;
	_ =	swait.ge [sflag:s20], $0x2800  }
0x1b5: {  	s13 =	sadd.s32 $0xA00, s16;
	s24 =	simm.s32 $0x100;
	[sflag:s20] =	ssyncset.done $0x0  }
.LBB2_6:
0x1b6: {  	s30 =	sadd.s32 $0x14080, s24  }
0x1b7: {  	[sflag:s20] =	ssyncadd.s32 $0xFFFFD800;
	s28 =	smov.u32 s29;
	s26 =	sadd.s32 $0x400, s29  }
0x1b8: {  	[tilespmem:s7], [sflag:$0x2] =	stream.indirect.gather [hbm4b:s1+s5], $0x80, s30, s5, $0xb8;
	v63 =	vld [tilespmem:$0x0]  }
0x1b9: {  	p0 =	sne.s32 s29, $0x2C00  }
0x1ba: {  	[tilespmem:s9], [sflag:$0x4] =	stream.linear.gather [hbm4b:s13+s3], $0x2800, $0x38;
	v63 =	vld [tilespmem:$0x0]  }
0x1bb: {  	_ =	swait.ge [sflag:s10], $0x2800  }
0x1bc: {  	[sflag:s10] =	ssyncset.done $0x0  }
0x1bd: {  	[sflag:s10] =	ssyncadd.s32 $0xFFFFD800  }
0x1be: {  	_ =	swait.ge [sflag:s11], $0x2800  }
0x1bf: {  	[sflag:s11] =	ssyncset.done $0x0  }
0x1c0: {  	s29 =	sadd.s32 $0x15000, s24;
	[sflag:s11] =	ssyncadd.s32 $0xFFFFD800  }
0x1c1: {  	[spmem:s2] =	stream.indirect.scatter.add.f32 [tilespmem:s6], [sflag:$0x3], $0x80, s29, s5, $0xb8;
	v63 =	vld [tilespmem:$0x0]  }
0x1c2: {  	_ = 	snop  }
0x1c3: {  	[spmem:s2] =	stream.indirect.scatter.add.f32 [tilespmem:s23], [sflag:$0x5], $0x80, s29, s5, $0xb8;
	v63 =	vld [tilespmem:$0x0]  }
0x1c4: {  	_ =	swait.ge [sflag:s25], $0x2800  }
0x1c5: {  	[sflag:s25] =	ssyncset.done $0x0  }
0x1c6: {  	[sflag:s25] =	ssyncadd.s32 $0xFFFFD800  }
0x1c7: {  	_ =	swait.ge [sflag:s11], $0x2800  }
0x1c8: {  	[sflag:s11] =	ssyncset.done $0x0  }
0x1c9: {  	s29 =	sadd.s32 $0x14100, s24;
	[sflag:s11] =	ssyncadd.s32 $0xFFFFD800  }
0x1ca: {  	[tilespmem:s23], [sflag:$0x1] =	stream.indirect.gather [hbm4b:s1+s5], $0x80, s29, s5, $0xb8;
	v63 =	vld [tilespmem:$0x0]  }
0x1cb: {  	s29 =	sadd.s32 $0x500, s13  }
0x1cc: {  	[tilespmem:s6], [sflag:$0x3] =	stream.linear.gather [hbm4b:s29+s3], $0x2800, $0x38;
	v63 =	vld [tilespmem:$0x0]  }
0x1cd: {  	_ =	swait.ge [sflag:s19], $0x2800  }
0x1ce: {  	[sflag:s19] =	ssyncset.done $0x0  }
0x1cf: {  	[sflag:s19] =	ssyncadd.s32 $0xFFFFD800  }
0x1d0: {  	_ =	swait.ge [sflag:s20], $0x2800  }
0x1d1: {  	[sflag:s20] =	ssyncset.done $0x0  }
0x1d2: {  	s24 =	sadd.s32 $0x15080, s24;
	[sflag:s20] =	ssyncadd.s32 $0xFFFFD800  }
0x1d3: {  	[spmem:s2] =	stream.indirect.scatter.add.f32 [tilespmem:s9], [sflag:$0x4], $0x80, s24, s5, $0xb8;
	v63 =	vld [tilespmem:$0x0]  }
0x1d4: {  	_ = 	snop  }
0x1d5: {  	[spmem:s2] =	stream.indirect.scatter.add.f32 [tilespmem:s7], [sflag:$0x5], $0x80, s24, s5, $0xb8;
	v63 =	vld [tilespmem:$0x0]  }
.Ltmp2:
0x1d6: {  	_ =	swait.ge [sflag:s25], $0x2800;
	(pc) =	sbr.rel @p0 .LBB2_6-.Ltmp2, $4  }
0x1d7: {  	[sflag:s25] =	ssyncset.done $0x0  }
0x1d8: {  	[sflag:s25] =	ssyncadd.s32 $0xFFFFD800  }
0x1d9: {  	s13 =	sadd.s32 $0xA00, s13;
	_ =	swait.ge [sflag:s20], $0x2800  }
0x1da: {  	s29 =	smov.u32 s26;
	s24 =	sshra.s32 s28, $0x2;
	[sflag:s20] =	ssyncset.done $0x0  }
0x1db: {  	s26 =	sadd.s32 $0x14080, s24;
	[sflag:s20] =	ssyncadd.s32 $0xFFFFD800  }
0x1dc: {  	[tilespmem:s7], [sflag:$0x2] =	stream.indirect.gather [hbm4b:s1+s5], $0x80, s26, s5, $0xb8;
	v63 =	vld [tilespmem:$0x0]  }
0x1dd: {  	_ = 	snop  }
0x1de: {  	[tilespmem:s9], [sflag:$0x4] =	stream.linear.gather [hbm4b:s13+s3], $0x2800, $0x38;
	v63 =	vld [tilespmem:$0x0]  }
0x1df: {  	_ =	swait.ge [sflag:s10], $0x2800  }
0x1e0: {  	[sflag:s10] =	ssyncset.done $0x0  }
0x1e1: {  	[sflag:s10] =	ssyncadd.s32 $0xFFFFD800  }
0x1e2: {  	_ =	swait.ge [sflag:s11], $0x2800  }
0x1e3: {  	[sflag:s11] =	ssyncset.done $0x0  }
0x1e4: {  	s31 =	sadd.s32 $0x15000, s24;
	[sflag:s11] =	ssyncadd.s32 $0xFFFFD800  }
0x1e5: {  	[spmem:s2] =	stream.indirect.scatter.add.f32 [tilespmem:s6], [sflag:$0x3], $0x80, s31, s5, $0xb8;
	v63 =	vld [tilespmem:$0x0]  }
0x1e6: {  	_ = 	snop  }
0x1e7: {  	[spmem:s2] =	stream.indirect.scatter.add.f32 [tilespmem:s23], [sflag:$0x5], $0x80, s31, s5, $0xb8;
	v63 =	vld [tilespmem:$0x0]  }
0x1e8: {  	_ =	swait.ge [sflag:s25], $0x2800  }
0x1e9: {  	[sflag:s25] =	ssyncset.done $0x0  }
0x1ea: {  	[sflag:s25] =	ssyncadd.s32 $0xFFFFD800  }
0x1eb: {  	_ =	swait.ge [sflag:s11], $0x2800  }
0x1ec: {  	[sflag:s11] =	ssyncset.done $0x0  }
0x1ed: {  	s0 =	sadd.s32 $0x14100, s24;
	[sflag:s11] =	ssyncadd.s32 $0xFFFFD800  }
0x1ee: {  	[tilespmem:s23], [sflag:$0x1] =	stream.indirect.gather [hbm4b:s1+s5], $0x80, s0, s5, $0xb8;
	v63 =	vld [tilespmem:$0x0]  }
0x1ef: {  	s26 =	sadd.s32 $0x500, s13  }
0x1f0: {  	[tilespmem:s6], [sflag:$0x3] =	stream.linear.gather [hbm4b:s26+s3], $0x2800, $0x38;
	v63 =	vld [tilespmem:$0x0]  }
0x1f1: {  	_ =	swait.ge [sflag:s19], $0x2800  }
0x1f2: {  	[sflag:s19] =	ssyncset.done $0x0  }
0x1f3: {  	[sflag:s19] =	ssyncadd.s32 $0xFFFFD800  }
0x1f4: {  	_ =	swait.ge [sflag:s20], $0x2800  }
0x1f5: {  	[sflag:s20] =	ssyncset.done $0x0  }
0x1f6: {  	s28 =	sadd.s32 $0x15080, s24;
	[sflag:s20] =	ssyncadd.s32 $0xFFFFD800  }
0x1f7: {  	[spmem:s2] =	stream.indirect.scatter.add.f32 [tilespmem:s9], [sflag:$0x4], $0x80, s28, s5, $0xb8;
	v63 =	vld [tilespmem:$0x0]  }
0x1f8: {  	_ = 	snop  }
0x1f9: {  	[spmem:s2] =	stream.indirect.scatter.add.f32 [tilespmem:s7], [sflag:$0x5], $0x80, s28, s5, $0xb8;
	v63 =	vld [tilespmem:$0x0]  }
0x1fa: {  	_ =	swait.ge [sflag:s25], $0x2800  }
0x1fb: {  	[sflag:s25] =	ssyncset.done $0x0  }
0x1fc: {  	[sflag:s25] =	ssyncadd.s32 $0xFFFFD800  }
0x1fd: {  	_ =	swait.ge [sflag:s20], $0x2800  }
0x1fe: {  	[sflag:s20] =	ssyncset.done $0x0  }
0x1ff: {  	[sflag:s20] =	ssyncadd.s32 $0xFFFFD800  }
0x200: {  	_ =	swait.ge [sflag:s10], $0x2800  }
0x201: {  	[sflag:s10] =	ssyncset.done $0x0  }
0x202: {  	[sflag:s10] =	ssyncadd.s32 $0xFFFFD800  }
0x203: {  	_ =	swait.ge [sflag:s11], $0x2800  }
0x204: {  	[sflag:s11] =	ssyncset.done $0x0  }
0x205: {  	[sflag:s11] =	ssyncadd.s32 $0xFFFFD800  }
0x206: {  	[spmem:s2] =	stream.indirect.scatter.add.f32 [tilespmem:s6], [sflag:$0x3], $0x80, s21, s5, $0xb8;
	v63 =	vld [tilespmem:$0x0]  }
0x207: {  	_ = 	snop  }
0x208: {  	[spmem:s2] =	stream.indirect.scatter.add.f32 [tilespmem:s23], [sflag:$0x5], $0x80, s21, s5, $0xb8;
	v63 =	vld [tilespmem:$0x0]  }
0x209: {  	_ =	swait.ge [sflag:s25], $0x2800  }
0x20a: {  	[sflag:s25] =	ssyncset.done $0x0  }
0x20b: {  	[sflag:s25] =	ssyncadd.s32 $0xFFFFD800  }
0x20c: {  	_ =	swait.ge [sflag:s11], $0x2800  }
0x20d: {  	[sflag:s11] =	ssyncset.done $0x0  }
0x20e: {  	s30 =	simm.s32 $0x0;
	s31 =	rddreg [dreg:$0x13];
	[sflag:s11] =	ssyncadd.s32 $0xFFFFD800  }
0x20f: {  	[tilespmem:s12], [sflag:$0x5] =	stream.linear.gather [hbm4b:s31+s30], $0xC80, $0x38;
	v63 =	vld [tilespmem:$0x0]  }
0x210: {  	_ =	swait.ge [sflag:s25], $0xC80  }
0x211: {  	[sflag:s25] =	ssyncset.done $0x0  }
0x212: {  	s0 =	rddreg [dreg:$0x14];
	[sflag:s25] =	ssyncadd.s32 $0xFFFFF380  }
0x213: {  	[tilespmem:s4], [sflag:$0x5] =	stream.linear.gather [hbm4b:s0+s30], $0xC80, $0x38;
	v63 =	vld [tilespmem:$0x0]  }
0x214: {  	_ =	swait.ge [sflag:s25], $0xC80  }
0x215: {  	[sflag:s25] =	ssyncset.done $0x0  }
0x216: {  	s0 =	sld [smem:$0x7FA];
	[sflag:s25] =	ssyncadd.s32 $0xFFFFF380  }
0x217: {  	[tilespmem:s23], [sflag:$0x1] =	stream.indirect.gather [hbm4b:s1+s5], $0x80, s12, s5, $0xb8;
	v63 =	vld [tilespmem:$0x0]  }
0x218: {  	_ = 	snop  }
0x219: {  	[tilespmem:s6], [sflag:$0x3] =	stream.linear.gather [hbm4b:s0+s30], $0x2800, $0x38;
	v63 =	vld [tilespmem:$0x0]  }
0x21a: {  	s24 =	simm.s32 $0x14080  }
0x21b: {  	[tilespmem:s7], [sflag:$0x2] =	stream.indirect.gather [hbm4b:s1+s5], $0x80, s24, s5, $0xb8;
	v63 =	vld [tilespmem:$0x0]  }
0x21c: {  	_ = 	snop  }
0x21d: {  	[tilespmem:s9], [sflag:$0x4] =	stream.linear.gather [hbm4b:s17+s3], $0x2800, $0x38;
	v63 =	vld [tilespmem:$0x0]  }
0x21e: {  	_ =	swait.ge [sflag:s10], $0x2800  }
0x21f: {  	[sflag:s10] =	ssyncset.done $0x0  }
0x220: {  	[sflag:s10] =	ssyncadd.s32 $0xFFFFD800  }
0x221: {  	_ =	swait.ge [sflag:s11], $0x2800  }
0x222: {  	[sflag:s11] =	ssyncset.done $0x0  }
0x223: {  	s26 =	simm.s32 $0x15000;
	[sflag:s11] =	ssyncadd.s32 $0xFFFFD800  }
0x224: {  	[spmem:s2] =	stream.indirect.scatter.add.f32 [tilespmem:s6], [sflag:$0x3], $0x80, s26, s5, $0xb8;
	v63 =	vld [tilespmem:$0x0]  }
0x225: {  	_ = 	snop  }
0x226: {  	[spmem:s2] =	stream.indirect.scatter.add.f32 [tilespmem:s23], [sflag:$0x5], $0x80, s26, s5, $0xb8;
	v63 =	vld [tilespmem:$0x0]  }
0x227: {  	_ =	swait.ge [sflag:s25], $0x2800  }
0x228: {  	[sflag:s25] =	ssyncset.done $0x0  }
0x229: {  	[sflag:s25] =	ssyncadd.s32 $0xFFFFD800  }
0x22a: {  	_ =	swait.ge [sflag:s11], $0x2800  }
0x22b: {  	[sflag:s11] =	ssyncset.done $0x0  }
0x22c: {  	s28 =	simm.s32 $0x14100;
	[sflag:s11] =	ssyncadd.s32 $0xFFFFD800  }
0x22d: {  	[tilespmem:s23], [sflag:$0x1] =	stream.indirect.gather [hbm4b:s1+s5], $0x80, s28, s5, $0xb8;
	v63 =	vld [tilespmem:$0x0]  }
0x22e: {  	s30 =	sadd.s32 $0x500, s17  }
0x22f: {  	[tilespmem:s6], [sflag:$0x3] =	stream.linear.gather [hbm4b:s30+s3], $0x2800, $0x38;
	v63 =	vld [tilespmem:$0x0]  }
0x230: {  	_ =	swait.ge [sflag:s19], $0x2800  }
0x231: {  	[sflag:s19] =	ssyncset.done $0x0  }
0x232: {  	[sflag:s19] =	ssyncadd.s32 $0xFFFFD800  }
0x233: {  	_ =	swait.ge [sflag:s20], $0x2800  }
0x234: {  	[sflag:s20] =	ssyncset.done $0x0  }
0x235: {  	s31 =	simm.s32 $0x15080;
	[sflag:s20] =	ssyncadd.s32 $0xFFFFD800  }
0x236: {  	[spmem:s2] =	stream.indirect.scatter.add.f32 [tilespmem:s9], [sflag:$0x4], $0x80, s31, s5, $0xb8;
	v63 =	vld [tilespmem:$0x0]  }
0x237: {  	_ = 	snop  }
0x238: {  	[spmem:s2] =	stream.indirect.scatter.add.f32 [tilespmem:s7], [sflag:$0x5], $0x80, s31, s5, $0xb8;
	v63 =	vld [tilespmem:$0x0]  }
0x239: {  	_ =	swait.ge [sflag:s25], $0x2800  }
0x23a: {  	[sflag:s25] =	ssyncset.done $0x0  }
0x23b: {  	[sflag:s25] =	ssyncadd.s32 $0xFFFFD800  }
0x23c: {  	s29 =	simm.s32 $0x800;
	_ =	swait.ge [sflag:s20], $0x2800  }
0x23d: {  	s13 =	sadd.s32 $0xA00, s17;
	s24 =	simm.s32 $0x100;
	[sflag:s20] =	ssyncset.done $0x0  }
.LBB2_8:
0x23e: {  	s30 =	sadd.s32 $0x14080, s24  }
0x23f: {  	[sflag:s20] =	ssyncadd.s32 $0xFFFFD800;
	s28 =	smov.u32 s29;
	s26 =	sadd.s32 $0x400, s29  }
0x240: {  	[tilespmem:s7], [sflag:$0x2] =	stream.indirect.gather [hbm4b:s1+s5], $0x80, s30, s5, $0xb8;
	v63 =	vld [tilespmem:$0x0]  }
0x241: {  	p0 =	sne.s32 s29, $0x2C00  }
0x242: {  	[tilespmem:s9], [sflag:$0x4] =	stream.linear.gather [hbm4b:s13+s3], $0x2800, $0x38;
	v63 =	vld [tilespmem:$0x0]  }
0x243: {  	_ =	swait.ge [sflag:s10], $0x2800  }
0x244: {  	[sflag:s10] =	ssyncset.done $0x0  }
0x245: {  	[sflag:s10] =	ssyncadd.s32 $0xFFFFD800  }
0x246: {  	_ =	swait.ge [sflag:s11], $0x2800  }
0x247: {  	[sflag:s11] =	ssyncset.done $0x0  }
0x248: {  	s29 =	sadd.s32 $0x15000, s24;
	[sflag:s11] =	ssyncadd.s32 $0xFFFFD800  }
0x249: {  	[spmem:s2] =	stream.indirect.scatter.add.f32 [tilespmem:s6], [sflag:$0x3], $0x80, s29, s5, $0xb8;
	v63 =	vld [tilespmem:$0x0]  }
0x24a: {  	_ = 	snop  }
0x24b: {  	[spmem:s2] =	stream.indirect.scatter.add.f32 [tilespmem:s23], [sflag:$0x5], $0x80, s29, s5, $0xb8;
	v63 =	vld [tilespmem:$0x0]  }
0x24c: {  	_ =	swait.ge [sflag:s25], $0x2800  }
0x24d: {  	[sflag:s25] =	ssyncset.done $0x0  }
0x24e: {  	[sflag:s25] =	ssyncadd.s32 $0xFFFFD800  }
0x24f: {  	_ =	swait.ge [sflag:s11], $0x2800  }
0x250: {  	[sflag:s11] =	ssyncset.done $0x0  }
0x251: {  	s29 =	sadd.s32 $0x14100, s24;
	[sflag:s11] =	ssyncadd.s32 $0xFFFFD800  }
0x252: {  	[tilespmem:s23], [sflag:$0x1] =	stream.indirect.gather [hbm4b:s1+s5], $0x80, s29, s5, $0xb8;
	v63 =	vld [tilespmem:$0x0]  }
0x253: {  	s29 =	sadd.s32 $0x500, s13  }
0x254: {  	[tilespmem:s6], [sflag:$0x3] =	stream.linear.gather [hbm4b:s29+s3], $0x2800, $0x38;
	v63 =	vld [tilespmem:$0x0]  }
0x255: {  	_ =	swait.ge [sflag:s19], $0x2800  }
0x256: {  	[sflag:s19] =	ssyncset.done $0x0  }
0x257: {  	[sflag:s19] =	ssyncadd.s32 $0xFFFFD800  }
0x258: {  	_ =	swait.ge [sflag:s20], $0x2800  }
0x259: {  	[sflag:s20] =	ssyncset.done $0x0  }
0x25a: {  	s24 =	sadd.s32 $0x15080, s24;
	[sflag:s20] =	ssyncadd.s32 $0xFFFFD800  }
0x25b: {  	[spmem:s2] =	stream.indirect.scatter.add.f32 [tilespmem:s9], [sflag:$0x4], $0x80, s24, s5, $0xb8;
	v63 =	vld [tilespmem:$0x0]  }
0x25c: {  	_ = 	snop  }
0x25d: {  	[spmem:s2] =	stream.indirect.scatter.add.f32 [tilespmem:s7], [sflag:$0x5], $0x80, s24, s5, $0xb8;
	v63 =	vld [tilespmem:$0x0]  }
.Ltmp3:
0x25e: {  	_ =	swait.ge [sflag:s25], $0x2800;
	(pc) =	sbr.rel @p0 .LBB2_8-.Ltmp3, $4  }
0x25f: {  	[sflag:s25] =	ssyncset.done $0x0  }
0x260: {  	[sflag:s25] =	ssyncadd.s32 $0xFFFFD800  }
0x261: {  	s13 =	sadd.s32 $0xA00, s13;
	_ =	swait.ge [sflag:s20], $0x2800  }
0x262: {  	s29 =	smov.u32 s26;
	s24 =	sshra.s32 s28, $0x2;
	[sflag:s20] =	ssyncset.done $0x0  }
0x263: {  	s26 =	sadd.s32 $0x14080, s24;
	[sflag:s20] =	ssyncadd.s32 $0xFFFFD800  }
0x264: {  	[tilespmem:s7], [sflag:$0x2] =	stream.indirect.gather [hbm4b:s1+s5], $0x80, s26, s5, $0xb8;
	v63 =	vld [tilespmem:$0x0]  }
0x265: {  	_ = 	snop  }
0x266: {  	[tilespmem:s9], [sflag:$0x4] =	stream.linear.gather [hbm4b:s13+s3], $0x2800, $0x38;
	v63 =	vld [tilespmem:$0x0]  }
0x267: {  	_ =	swait.ge [sflag:s10], $0x2800  }
0x268: {  	[sflag:s10] =	ssyncset.done $0x0  }
0x269: {  	[sflag:s10] =	ssyncadd.s32 $0xFFFFD800  }
0x26a: {  	_ =	swait.ge [sflag:s11], $0x2800  }
0x26b: {  	[sflag:s11] =	ssyncset.done $0x0  }
0x26c: {  	s31 =	sadd.s32 $0x15000, s24;
	[sflag:s11] =	ssyncadd.s32 $0xFFFFD800  }
0x26d: {  	[spmem:s2] =	stream.indirect.scatter.add.f32 [tilespmem:s6], [sflag:$0x3], $0x80, s31, s5, $0xb8;
	v63 =	vld [tilespmem:$0x0]  }
0x26e: {  	_ = 	snop  }
0x26f: {  	[spmem:s2] =	stream.indirect.scatter.add.f32 [tilespmem:s23], [sflag:$0x5], $0x80, s31, s5, $0xb8;
	v63 =	vld [tilespmem:$0x0]  }
0x270: {  	_ =	swait.ge [sflag:s25], $0x2800  }
0x271: {  	[sflag:s25] =	ssyncset.done $0x0  }
0x272: {  	[sflag:s25] =	ssyncadd.s32 $0xFFFFD800  }
0x273: {  	_ =	swait.ge [sflag:s11], $0x2800  }
0x274: {  	[sflag:s11] =	ssyncset.done $0x0  }
0x275: {  	s0 =	sadd.s32 $0x14100, s24;
	[sflag:s11] =	ssyncadd.s32 $0xFFFFD800  }
0x276: {  	[tilespmem:s23], [sflag:$0x1] =	stream.indirect.gather [hbm4b:s1+s5], $0x80, s0, s5, $0xb8;
	v63 =	vld [tilespmem:$0x0]  }
0x277: {  	s26 =	sadd.s32 $0x500, s13  }
0x278: {  	[tilespmem:s6], [sflag:$0x3] =	stream.linear.gather [hbm4b:s26+s3], $0x2800, $0x38;
	v63 =	vld [tilespmem:$0x0]  }
0x279: {  	_ =	swait.ge [sflag:s19], $0x2800  }
0x27a: {  	[sflag:s19] =	ssyncset.done $0x0  }
0x27b: {  	[sflag:s19] =	ssyncadd.s32 $0xFFFFD800  }
0x27c: {  	_ =	swait.ge [sflag:s20], $0x2800  }
0x27d: {  	[sflag:s20] =	ssyncset.done $0x0  }
0x27e: {  	s28 =	sadd.s32 $0x15080, s24;
	[sflag:s20] =	ssyncadd.s32 $0xFFFFD800  }
0x27f: {  	[spmem:s2] =	stream.indirect.scatter.add.f32 [tilespmem:s9], [sflag:$0x4], $0x80, s28, s5, $0xb8;
	v63 =	vld [tilespmem:$0x0]  }
0x280: {  	_ = 	snop  }
0x281: {  	[spmem:s2] =	stream.indirect.scatter.add.f32 [tilespmem:s7], [sflag:$0x5], $0x80, s28, s5, $0xb8;
	v63 =	vld [tilespmem:$0x0]  }
0x282: {  	_ =	swait.ge [sflag:s25], $0x2800  }
0x283: {  	[sflag:s25] =	ssyncset.done $0x0  }
0x284: {  	[sflag:s25] =	ssyncadd.s32 $0xFFFFD800  }
0x285: {  	_ =	swait.ge [sflag:s20], $0x2800  }
0x286: {  	[sflag:s20] =	ssyncset.done $0x0  }
0x287: {  	[sflag:s20] =	ssyncadd.s32 $0xFFFFD800  }
0x288: {  	_ =	swait.ge [sflag:s10], $0x2800  }
0x289: {  	[sflag:s10] =	ssyncset.done $0x0  }
0x28a: {  	[sflag:s10] =	ssyncadd.s32 $0xFFFFD800  }
0x28b: {  	_ =	swait.ge [sflag:s11], $0x2800  }
0x28c: {  	[sflag:s11] =	ssyncset.done $0x0  }
0x28d: {  	[sflag:s11] =	ssyncadd.s32 $0xFFFFD800  }
0x28e: {  	[spmem:s2] =	stream.indirect.scatter.add.f32 [tilespmem:s6], [sflag:$0x3], $0x80, s21, s5, $0xb8;
	v63 =	vld [tilespmem:$0x0]  }
0x28f: {  	_ = 	snop  }
0x290: {  	[spmem:s2] =	stream.indirect.scatter.add.f32 [tilespmem:s23], [sflag:$0x5], $0x80, s21, s5, $0xb8;
	v63 =	vld [tilespmem:$0x0]  }
0x291: {  	_ =	swait.ge [sflag:s25], $0x2800  }
0x292: {  	[sflag:s25] =	ssyncset.done $0x0  }
0x293: {  	[sflag:s25] =	ssyncadd.s32 $0xFFFFD800  }
0x294: {  	_ =	swait.ge [sflag:s11], $0x2800  }
0x295: {  	[sflag:s11] =	ssyncset.done $0x0  }
0x296: {  	s30 =	simm.s32 $0x0;
	s31 =	rddreg [dreg:$0x15];
	[sflag:s11] =	ssyncadd.s32 $0xFFFFD800  }
0x297: {  	[tilespmem:s12], [sflag:$0x5] =	stream.linear.gather [hbm4b:s31+s30], $0xC80, $0x38;
	v63 =	vld [tilespmem:$0x0]  }
0x298: {  	_ =	swait.ge [sflag:s25], $0xC80  }
0x299: {  	[sflag:s25] =	ssyncset.done $0x0  }
0x29a: {  	s0 =	rddreg [dreg:$0x16];
	[sflag:s25] =	ssyncadd.s32 $0xFFFFF380  }
0x29b: {  	[tilespmem:s4], [sflag:$0x5] =	stream.linear.gather [hbm4b:s0+s30], $0xC80, $0x38;
	v63 =	vld [tilespmem:$0x0]  }
0x29c: {  	_ =	swait.ge [sflag:s25], $0xC80  }
0x29d: {  	[sflag:s25] =	ssyncset.done $0x0  }
0x29e: {  	s0 =	sld [smem:$0x7FB];
	[sflag:s25] =	ssyncadd.s32 $0xFFFFF380  }
0x29f: {  	[tilespmem:s23], [sflag:$0x1] =	stream.indirect.gather [hbm4b:s1+s5], $0x80, s12, s5, $0xb8;
	v63 =	vld [tilespmem:$0x0]  }
0x2a0: {  	_ = 	snop  }
0x2a1: {  	[tilespmem:s6], [sflag:$0x3] =	stream.linear.gather [hbm4b:s0+s30], $0x2800, $0x38;
	v63 =	vld [tilespmem:$0x0]  }
0x2a2: {  	s24 =	simm.s32 $0x14080  }
0x2a3: {  	[tilespmem:s7], [sflag:$0x2] =	stream.indirect.gather [hbm4b:s1+s5], $0x80, s24, s5, $0xb8;
	v63 =	vld [tilespmem:$0x0]  }
0x2a4: {  	_ = 	snop  }
0x2a5: {  	[tilespmem:s9], [sflag:$0x4] =	stream.linear.gather [hbm4b:s18+s3], $0x2800, $0x38;
	v63 =	vld [tilespmem:$0x0]  }
0x2a6: {  	_ =	swait.ge [sflag:s10], $0x2800  }
0x2a7: {  	[sflag:s10] =	ssyncset.done $0x0  }
0x2a8: {  	[sflag:s10] =	ssyncadd.s32 $0xFFFFD800  }
0x2a9: {  	_ =	swait.ge [sflag:s11], $0x2800  }
0x2aa: {  	[sflag:s11] =	ssyncset.done $0x0  }
0x2ab: {  	s26 =	simm.s32 $0x15000;
	[sflag:s11] =	ssyncadd.s32 $0xFFFFD800  }
0x2ac: {  	[spmem:s2] =	stream.indirect.scatter.add.f32 [tilespmem:s6], [sflag:$0x3], $0x80, s26, s5, $0xb8;
	v63 =	vld [tilespmem:$0x0]  }
0x2ad: {  	_ = 	snop  }
0x2ae: {  	[spmem:s2] =	stream.indirect.scatter.add.f32 [tilespmem:s23], [sflag:$0x5], $0x80, s26, s5, $0xb8;
	v63 =	vld [tilespmem:$0x0]  }
0x2af: {  	_ =	swait.ge [sflag:s25], $0x2800  }
0x2b0: {  	[sflag:s25] =	ssyncset.done $0x0  }
0x2b1: {  	[sflag:s25] =	ssyncadd.s32 $0xFFFFD800  }
0x2b2: {  	_ =	swait.ge [sflag:s11], $0x2800  }
0x2b3: {  	[sflag:s11] =	ssyncset.done $0x0  }
0x2b4: {  	s28 =	simm.s32 $0x14100;
	[sflag:s11] =	ssyncadd.s32 $0xFFFFD800  }
0x2b5: {  	[tilespmem:s23], [sflag:$0x1] =	stream.indirect.gather [hbm4b:s1+s5], $0x80, s28, s5, $0xb8;
	v63 =	vld [tilespmem:$0x0]  }
0x2b6: {  	s30 =	sadd.s32 $0x500, s18  }
0x2b7: {  	[tilespmem:s6], [sflag:$0x3] =	stream.linear.gather [hbm4b:s30+s3], $0x2800, $0x38;
	v63 =	vld [tilespmem:$0x0]  }
0x2b8: {  	_ =	swait.ge [sflag:s19], $0x2800  }
0x2b9: {  	[sflag:s19] =	ssyncset.done $0x0  }
0x2ba: {  	[sflag:s19] =	ssyncadd.s32 $0xFFFFD800  }
0x2bb: {  	_ =	swait.ge [sflag:s20], $0x2800  }
0x2bc: {  	[sflag:s20] =	ssyncset.done $0x0  }
0x2bd: {  	s31 =	simm.s32 $0x15080;
	[sflag:s20] =	ssyncadd.s32 $0xFFFFD800  }
0x2be: {  	[spmem:s2] =	stream.indirect.scatter.add.f32 [tilespmem:s9], [sflag:$0x4], $0x80, s31, s5, $0xb8;
	v63 =	vld [tilespmem:$0x0]  }
0x2bf: {  	_ = 	snop  }
0x2c0: {  	[spmem:s2] =	stream.indirect.scatter.add.f32 [tilespmem:s7], [sflag:$0x5], $0x80, s31, s5, $0xb8;
	v63 =	vld [tilespmem:$0x0]  }
0x2c1: {  	_ =	swait.ge [sflag:s25], $0x2800  }
0x2c2: {  	[sflag:s25] =	ssyncset.done $0x0  }
0x2c3: {  	[sflag:s25] =	ssyncadd.s32 $0xFFFFD800  }
0x2c4: {  	s29 =	simm.s32 $0x800;
	_ =	swait.ge [sflag:s20], $0x2800  }
0x2c5: {  	s13 =	sadd.s32 $0xA00, s18;
	s24 =	simm.s32 $0x100;
	[sflag:s20] =	ssyncset.done $0x0  }
.LBB2_10:
0x2c6: {  	s30 =	sadd.s32 $0x14080, s24  }
0x2c7: {  	[sflag:s20] =	ssyncadd.s32 $0xFFFFD800;
	s28 =	smov.u32 s29;
	s26 =	sadd.s32 $0x400, s29  }
0x2c8: {  	[tilespmem:s7], [sflag:$0x2] =	stream.indirect.gather [hbm4b:s1+s5], $0x80, s30, s5, $0xb8;
	v63 =	vld [tilespmem:$0x0]  }
0x2c9: {  	p0 =	sne.s32 s29, $0x2C00  }
0x2ca: {  	[tilespmem:s9], [sflag:$0x4] =	stream.linear.gather [hbm4b:s13+s3], $0x2800, $0x38;
	v63 =	vld [tilespmem:$0x0]  }
0x2cb: {  	_ =	swait.ge [sflag:s10], $0x2800  }
0x2cc: {  	[sflag:s10] =	ssyncset.done $0x0  }
0x2cd: {  	[sflag:s10] =	ssyncadd.s32 $0xFFFFD800  }
0x2ce: {  	_ =	swait.ge [sflag:s11], $0x2800  }
0x2cf: {  	[sflag:s11] =	ssyncset.done $0x0  }
0x2d0: {  	s29 =	sadd.s32 $0x15000, s24;
	[sflag:s11] =	ssyncadd.s32 $0xFFFFD800  }
0x2d1: {  	[spmem:s2] =	stream.indirect.scatter.add.f32 [tilespmem:s6], [sflag:$0x3], $0x80, s29, s5, $0xb8;
	v63 =	vld [tilespmem:$0x0]  }
0x2d2: {  	_ = 	snop  }
0x2d3: {  	[spmem:s2] =	stream.indirect.scatter.add.f32 [tilespmem:s23], [sflag:$0x5], $0x80, s29, s5, $0xb8;
	v63 =	vld [tilespmem:$0x0]  }
0x2d4: {  	_ =	swait.ge [sflag:s25], $0x2800  }
0x2d5: {  	[sflag:s25] =	ssyncset.done $0x0  }
0x2d6: {  	[sflag:s25] =	ssyncadd.s32 $0xFFFFD800  }
0x2d7: {  	_ =	swait.ge [sflag:s11], $0x2800  }
0x2d8: {  	[sflag:s11] =	ssyncset.done $0x0  }
0x2d9: {  	s29 =	sadd.s32 $0x14100, s24;
	[sflag:s11] =	ssyncadd.s32 $0xFFFFD800  }
0x2da: {  	[tilespmem:s23], [sflag:$0x1] =	stream.indirect.gather [hbm4b:s1+s5], $0x80, s29, s5, $0xb8;
	v63 =	vld [tilespmem:$0x0]  }
0x2db: {  	s29 =	sadd.s32 $0x500, s13  }
0x2dc: {  	[tilespmem:s6], [sflag:$0x3] =	stream.linear.gather [hbm4b:s29+s3], $0x2800, $0x38;
	v63 =	vld [tilespmem:$0x0]  }
0x2dd: {  	_ =	swait.ge [sflag:s19], $0x2800  }
0x2de: {  	[sflag:s19] =	ssyncset.done $0x0  }
0x2df: {  	[sflag:s19] =	ssyncadd.s32 $0xFFFFD800  }
0x2e0: {  	_ =	swait.ge [sflag:s20], $0x2800  }
0x2e1: {  	[sflag:s20] =	ssyncset.done $0x0  }
0x2e2: {  	s24 =	sadd.s32 $0x15080, s24;
	[sflag:s20] =	ssyncadd.s32 $0xFFFFD800  }
0x2e3: {  	[spmem:s2] =	stream.indirect.scatter.add.f32 [tilespmem:s9], [sflag:$0x4], $0x80, s24, s5, $0xb8;
	v63 =	vld [tilespmem:$0x0]  }
0x2e4: {  	_ = 	snop  }
0x2e5: {  	[spmem:s2] =	stream.indirect.scatter.add.f32 [tilespmem:s7], [sflag:$0x5], $0x80, s24, s5, $0xb8;
	v63 =	vld [tilespmem:$0x0]  }
.Ltmp4:
0x2e6: {  	_ =	swait.ge [sflag:s25], $0x2800;
	(pc) =	sbr.rel @p0 .LBB2_10-.Ltmp4, $4  }
0x2e7: {  	[sflag:s25] =	ssyncset.done $0x0  }
0x2e8: {  	[sflag:s25] =	ssyncadd.s32 $0xFFFFD800  }
0x2e9: {  	s13 =	sadd.s32 $0xA00, s13;
	_ =	swait.ge [sflag:s20], $0x2800  }
0x2ea: {  	s29 =	smov.u32 s26;
	s24 =	sshra.s32 s28, $0x2;
	[sflag:s20] =	ssyncset.done $0x0  }
0x2eb: {  	s26 =	sadd.s32 $0x14080, s24;
	[sflag:s20] =	ssyncadd.s32 $0xFFFFD800  }
0x2ec: {  	[tilespmem:s7], [sflag:$0x2] =	stream.indirect.gather [hbm4b:s1+s5], $0x80, s26, s5, $0xb8;
	v63 =	vld [tilespmem:$0x0]  }
0x2ed: {  	_ = 	snop  }
0x2ee: {  	[tilespmem:s9], [sflag:$0x4] =	stream.linear.gather [hbm4b:s13+s3], $0x2800, $0x38;
	v63 =	vld [tilespmem:$0x0]  }
0x2ef: {  	_ =	swait.ge [sflag:s10], $0x2800  }
0x2f0: {  	[sflag:s10] =	ssyncset.done $0x0  }
0x2f1: {  	[sflag:s10] =	ssyncadd.s32 $0xFFFFD800  }
0x2f2: {  	_ =	swait.ge [sflag:s11], $0x2800  }
0x2f3: {  	[sflag:s11] =	ssyncset.done $0x0  }
0x2f4: {  	s0 =	sadd.s32 $0x15000, s24;
	[sflag:s11] =	ssyncadd.s32 $0xFFFFD800  }
0x2f5: {  	[spmem:s2] =	stream.indirect.scatter.add.f32 [tilespmem:s6], [sflag:$0x3], $0x80, s0, s5, $0xb8;
	v63 =	vld [tilespmem:$0x0]  }
0x2f6: {  	_ = 	snop  }
0x2f7: {  	[spmem:s2] =	stream.indirect.scatter.add.f32 [tilespmem:s23], [sflag:$0x5], $0x80, s0, s5, $0xb8;
	v63 =	vld [tilespmem:$0x0]  }
0x2f8: {  	_ =	swait.ge [sflag:s25], $0x2800  }
0x2f9: {  	[sflag:s25] =	ssyncset.done $0x0  }
0x2fa: {  	[sflag:s25] =	ssyncadd.s32 $0xFFFFD800  }
0x2fb: {  	_ =	swait.ge [sflag:s11], $0x2800  }
0x2fc: {  	[sflag:s11] =	ssyncset.done $0x0  }
0x2fd: {  	s0 =	sadd.s32 $0x14100, s24;
	[sflag:s11] =	ssyncadd.s32 $0xFFFFD800  }
0x2fe: {  	[tilespmem:s23], [sflag:$0x1] =	stream.indirect.gather [hbm4b:s1+s5], $0x80, s0, s5, $0xb8;
	v63 =	vld [tilespmem:$0x0]  }
0x2ff: {  	s0 =	sadd.s32 $0x500, s13  }
0x300: {  	[tilespmem:s6], [sflag:$0x3] =	stream.linear.gather [hbm4b:s0+s3], $0x2800, $0x38;
	v63 =	vld [tilespmem:$0x0]  }
0x301: {  	_ =	swait.ge [sflag:s19], $0x2800  }
0x302: {  	[sflag:s19] =	ssyncset.done $0x0  }
0x303: {  	[sflag:s19] =	ssyncadd.s32 $0xFFFFD800  }
0x304: {  	_ =	swait.ge [sflag:s20], $0x2800  }
0x305: {  	[sflag:s20] =	ssyncset.done $0x0  }
0x306: {  	s26 =	sadd.s32 $0x15080, s24;
	[sflag:s20] =	ssyncadd.s32 $0xFFFFD800  }
0x307: {  	[spmem:s2] =	stream.indirect.scatter.add.f32 [tilespmem:s9], [sflag:$0x4], $0x80, s26, s5, $0xb8;
	v63 =	vld [tilespmem:$0x0]  }
0x308: {  	_ = 	snop  }
0x309: {  	[spmem:s2] =	stream.indirect.scatter.add.f32 [tilespmem:s7], [sflag:$0x5], $0x80, s26, s5, $0xb8;
	v63 =	vld [tilespmem:$0x0]  }
0x30a: {  	_ =	swait.ge [sflag:s25], $0x2800  }
0x30b: {  	[sflag:s25] =	ssyncset.done $0x0  }
0x30c: {  	[sflag:s25] =	ssyncadd.s32 $0xFFFFD800  }
0x30d: {  	_ =	swait.ge [sflag:s20], $0x2800  }
0x30e: {  	[sflag:s20] =	ssyncset.done $0x0  }
0x30f: {  	[sflag:s20] =	ssyncadd.s32 $0xFFFFD800  }
0x310: {  	_ =	swait.ge [sflag:s10], $0x2800  }
0x311: {  	[sflag:s10] =	ssyncset.done $0x0  }
0x312: {  	[sflag:s10] =	ssyncadd.s32 $0xFFFFD800  }
0x313: {  	_ =	swait.ge [sflag:s11], $0x2800  }
0x314: {  	[sflag:s11] =	ssyncset.done $0x0  }
0x315: {  	[sflag:s11] =	ssyncadd.s32 $0xFFFFD800  }
0x316: {  	[spmem:s2] =	stream.indirect.scatter.add.f32 [tilespmem:s6], [sflag:$0x3], $0x80, s21, s5, $0xb8;
	v63 =	vld [tilespmem:$0x0]  }
0x317: {  	_ = 	snop  }
0x318: {  	[spmem:s2] =	stream.indirect.scatter.add.f32 [tilespmem:s23], [sflag:$0x5], $0x80, s21, s5, $0xb8;
	v63 =	vld [tilespmem:$0x0]  }
0x319: {  	_ =	swait.ge [sflag:s25], $0x2800  }
0x31a: {  	[sflag:s25] =	ssyncset.done $0x0  }
0x31b: {  	[sflag:s25] =	ssyncadd.s32 $0xFFFFD800  }
0x31c: {  	_ =	swait.ge [sflag:s11], $0x2800  }
0x31d: {  	[sflag:s11] =	ssyncset.done $0x0  }
0x31e: {  	[sflag:s11] =	ssyncadd.s32 $0xFFFFD800  }
0x31f: {  	[bflag:$0x0] =	sbarrier.arrive $0xFFFF  }
0x320: {  	s24 =	sld [smem:$0x7FD];
	_ =	sdelay $0x2  }
0x321: {  	[tilespmem:s23], [sflag:$0x5] =	stream.linear.gather [spmem:s24], $0x2800, $0x38;
	v63 =	vld [tilespmem:$0x0]  }
0x322: {  	_ =	swait.ge [sflag:s25], $0x2800  }
0x323: {  	[sflag:s25] =	ssyncset.done $0x0  }
0x324: {  	s0 =	rddreg [dreg:$0x1b];
	[sflag:s25] =	ssyncadd.s32 $0xFFFFD800  }
0x325: {  	[hbm4b:s0+s3] =	stream.linear.scatter [tilespmem:s23], [sflag:$0x5], $0x2800, $0x38;
	v63 =	vld [tilespmem:$0x0]  }
0x326: {  	_ =	swait.ge [sflag:s25], $0x2800  }
0x327: {  	[sflag:s25] =	ssyncset.done $0x0  }
0x328: {  	s26 =	rddreg [dreg:$0x1d];
	[sflag:s25] =	ssyncadd.s32 $0xFFFFD800  }
0x329: {  	[tilespmem:s23], [sflag:$0x5] =	stream.linear.gather [spmem:s26], $0x2800, $0x38;
	v63 =	vld [tilespmem:$0x0]  }
0x32a: {  	_ =	swait.ge [sflag:s25], $0x2800  }
0x32b: {  	[sflag:s25] =	ssyncset.done $0x0  }
0x32c: {  	s0 =	rddreg [dreg:$0x1e];
	[sflag:s25] =	ssyncadd.s32 $0xFFFFD800  }
0x32d: {  	[hbm4b:s0+s3] =	stream.linear.scatter [tilespmem:s23], [sflag:$0x5], $0x2800, $0x38;
	v63 =	vld [tilespmem:$0x0]  }
0x32e: {  	_ =	swait.ge [sflag:s25], $0x2800  }
0x32f: {  	[sflag:s25] =	ssyncset.done $0x0  }
0x330: {  	[sflag:s25] =	ssyncadd.s32 $0xFFFFD800  }
0x331: {  	[tilespmem:s23], [sflag:$0x5] =	stream.linear.gather [spmem:s8], $0x2800, $0x38;
	v63 =	vld [tilespmem:$0x0]  }
0x332: {  	_ =	swait.ge [sflag:s25], $0x2800  }
0x333: {  	[sflag:s25] =	ssyncset.done $0x0  }
0x334: {  	s28 =	smov.u32 s8;
	s8 =	rddreg [dreg:$0x1f];
	[sflag:s25] =	ssyncadd.s32 $0xFFFFD800  }
0x335: {  	[hbm4b:s8+s3] =	stream.linear.scatter [tilespmem:s23], [sflag:$0x5], $0x2800, $0x38;
	v63 =	vld [tilespmem:$0x0]  }
0x336: {  	_ =	swait.ge [sflag:s25], $0x2800  }
0x337: {  	[sflag:s25] =	ssyncset.done $0x0  }
0x338: {  	s29 =	rddreg [dreg:$0x18];
	[sflag:s25] =	ssyncadd.s32 $0xFFFFD800  }
0x339: {  	[tilespmem:s23], [sflag:$0x5] =	stream.linear.gather [spmem:s29], $0x2800, $0x38;
	v63 =	vld [tilespmem:$0x0]  }
0x33a: {  	_ =	swait.ge [sflag:s25], $0x2800  }
0x33b: {  	s13 =	sld [smem:$0x7F3]  }
0x33c: {  	[sflag:s25] =	ssyncset.done $0x0  }
0x33d: {  	[sflag:s25] =	ssyncadd.s32 $0xFFFFD800  }
0x33e: {  	[hbm4b:s13+s3] =	stream.linear.scatter [tilespmem:s23], [sflag:$0x5], $0x2800, $0x38;
	v63 =	vld [tilespmem:$0x0]  }
0x33f: {  	_ =	swait.ge [sflag:s25], $0x2800  }
0x340: {  	[sflag:s25] =	ssyncset.done $0x0  }
0x341: {  	s30 =	rddreg [dreg:$0x19];
	[sflag:s25] =	ssyncadd.s32 $0xFFFFD800  }
0x342: {  	[tilespmem:s23], [sflag:$0x5] =	stream.linear.gather [spmem:s30], $0x2800, $0x38;
	v63 =	vld [tilespmem:$0x0]  }
0x343: {  	_ =	swait.ge [sflag:s25], $0x2800  }
0x344: {  	s8 =	sld [smem:$0x7F4]  }
0x345: {  	[sflag:s25] =	ssyncset.done $0x0  }
0x346: {  	[sflag:s25] =	ssyncadd.s32 $0xFFFFD800  }
0x347: {  	[hbm4b:s8+s3] =	stream.linear.scatter [tilespmem:s23], [sflag:$0x5], $0x2800, $0x38;
	v63 =	vld [tilespmem:$0x0]  }
0x348: {  	_ =	swait.ge [sflag:s25], $0x2800  }
0x349: {  	[sflag:s25] =	ssyncset.done $0x0  }
0x34a: {  	s8 =	rddreg [dreg:$0x1a];
	[sflag:s25] =	ssyncadd.s32 $0xFFFFD800  }
0x34b: {  	[tilespmem:s23], [sflag:$0x5] =	stream.linear.gather [spmem:s8], $0x2800, $0x38;
	v63 =	vld [tilespmem:$0x0]  }
0x34c: {  	_ =	swait.ge [sflag:s25], $0x2800  }
0x34d: {  	s13 =	sld [smem:$0x7F5]  }
0x34e: {  	[sflag:s25] =	ssyncset.done $0x0  }
0x34f: {  	[sflag:s25] =	ssyncadd.s32 $0xFFFFD800  }
0x350: {  	[hbm4b:s13+s3] =	stream.linear.scatter [tilespmem:s23], [sflag:$0x5], $0x2800, $0x38;
	v63 =	vld [tilespmem:$0x0]  }
0x351: {  	_ =	swait.ge [sflag:s25], $0x2800  }
0x352: {  	[sflag:s25] =	ssyncset.done $0x0  }
0x353: {  	s0 =	rddreg [dreg:$0x1c];
	[sflag:s25] =	ssyncadd.s32 $0xFFFFD800  }
0x354: {  	[tilespmem:s23], [sflag:$0x5] =	stream.linear.gather [spmem:s0], $0x2800, $0x38;
	v63 =	vld [tilespmem:$0x0]  }
0x355: {  	_ =	swait.ge [sflag:s25], $0x2800  }
0x356: {  	s13 =	sld [smem:$0x7F6]  }
0x357: {  	[sflag:s25] =	ssyncset.done $0x0  }
0x358: {  	[sflag:s25] =	ssyncadd.s32 $0xFFFFD800  }
0x359: {  	[hbm4b:s13+s3] =	stream.linear.scatter [tilespmem:s23], [sflag:$0x5], $0x2800, $0x38;
	v63 =	vld [tilespmem:$0x0]  }
0x35a: {  	_ =	swait.ge [sflag:s25], $0x2800  }
0x35b: {  	s31 =	sld [smem:$0x7FC]  }
0x35c: {  	[sflag:s25] =	ssyncset.done $0x0  }
0x35d: {  	[sflag:s25] =	ssyncadd.s32 $0xFFFFD800  }
0x35e: {  	[tilespmem:s23], [sflag:$0x5] =	stream.linear.gather [spmem:s31], $0x2800, $0x38;
	v63 =	vld [tilespmem:$0x0]  }
0x35f: {  	_ =	swait.ge [sflag:s25], $0x2800  }
0x360: {  	s13 =	sld [smem:$0x7F7]  }
0x361: {  	[sflag:s25] =	ssyncset.done $0x0  }
0x362: {  	[sflag:s25] =	ssyncadd.s32 $0xFFFFD800  }
0x363: {  	[hbm4b:s13+s3] =	stream.linear.scatter [tilespmem:s23], [sflag:$0x5], $0x2800, $0x38;
	v63 =	vld [tilespmem:$0x0]  }
0x364: {  	_ =	swait.ge [sflag:s25], $0x2800  }
0x365: {  	s22 =	sadd.s32 $0x1, s22;
	s13 =	rddreg [dreg:$0x17]  }
0x366: {  	p0 =	sne.s32 s22, s13  }
.Ltmp5:
0x367: {  	_ = 	snop;
	(pc) =	sbr.rel @p0 .LBB2_1-.Ltmp5, $3  }
0x368: {  	_ =	sdelay $0x1  }
0x369: {  	[sflag:s25] =	ssyncset.done $0x0  }
0x36a: {  	[sflag:s25] =	ssyncadd.s32 $0xFFFFD800  }
0x36b: {  	_ =	sfence.sel $0x180000  }
0x36c: {  	[bflag:$0x0] =	sbarrier.arrive $0xFFFF  }
0x36d: {  	_ =	strace $0x90000047  }
0x36e: {  	s0 =	stileid.u32;
	[bflag:$0x2] =	sbarrier.arrive $0xFFFF  }
0x36f: {  	p0 =	sne.s32 s0, $0x0;
	s0 =	rddreg [dreg:$0x3]  }
0x370: {  	s0 =	sadd.s32 @!p0 $0x100000, s0  }
0x371: {  	[sflag:s0] =	ssyncadd.tile.s32 @!p0 $0x1;
	_ =	shalt  }
.Lfunc_end2:
_tile_overlayer_lowered:
.L_overlay_start_2:
0x372: {  	(tag) =	ssettag $0x2  }
0x373: {  	s0 =	rddreg [dreg:$0x0];
	s2 =	stileid.u32  }
0x374: {  	s1 =	rddreg [dreg:$0x1];
	p0 =	sne.s32 s2, $0x0  }
0x375: {  	s3 =	rddreg [dreg:$0x2];
	[bflag:$0x3] =	sbarrier.arrive $0xFFFF;
	s2 =	simm.s32 @!p0 $0x1C05  }
0x376: {  	[timem:s3], [sflag:s2] =	dma.local @!p0 [hbm:s0], s1  }
0x377: {  	s0 =	simm.s32 @!p0 $0x5  }
0x378: {  	_ =	swait.ge @!p0 [sflag:s0], s1  }
0x379: {  	s1 =	ssub.s32 @!p0 $0x0, s1;
	[sflag:s0] =	ssyncset.done @!p0 $0x0  }
0x37a: {  	[sflag:s0] =	ssyncadd.s32 @!p0 s1  }
0x37b: {  	[bflag:$0x3] =	sbarrier.arrive $0xFFFF  }
0x37c: {  	_ =	shalt  }

</sc_bundles>
